<compile_context>
chip_gen: v7x
topology: tpu7x:2x2x1
jax: 0.10.2.dev20260603
libtpu: 0.0.44.dev20260713+nightly
codegen_flags: <defaults>
</compile_context>

<pallas_src>
import functools

import jax
import jax.numpy as jnp
from jax import lax
from jax.experimental import pallas as pl
from jax.experimental.pallas import tpu as pltpu
from jax.experimental.pallas import tpu_sc as plsc

N = 10000
E = 320000
D_IN = 128
D_H = 128
D_OUT = 64
DH2 = D_H // 2

NC = 2
NS = 16
NW = NC * NS
K = 125
NB = E // (NW * K)
RPT = 632
DEGW = 16

_MESH = plsc.VectorSubcoreMesh(
    core_axis_name="c", subcore_axis_name="s", num_cores=NC, num_subcores=NS
)



def _make_deg_kernel():

    @functools.partial(
        pl.kernel,
        out_type=jax.ShapeDtypeStruct((NC, N, DEGW), jnp.float32),
        mesh=_MESH,
        scratch_types=[
            pltpu.VMEM((NB, K), jnp.int32),
            pltpu.VMEM((K, DEGW), jnp.float32),
            pltpu.VMEM_SHARED((N, DEGW), jnp.float32),
            pltpu.SemaphoreType.DMA,
        ],
        compiler_params=pltpu.CompilerParams(use_tc_tiling_on_sc=False),
    )
    def deg_kernel(ei4, zblk, out, col_v, ones_v, acc, sem):
        c = lax.axis_index("c")
        s = lax.axis_index("s")
        w = s * NC + c
        off = pl.multiple_of(jnp.minimum(s * RPT, N - RPT), 8)
        pltpu.sync_copy(ei4.at[1, w], col_v)

        def fill(r, carry):
            ones_v[r, :] = jnp.ones((DEGW,), jnp.float32)
            return carry

        lax.fori_loop(0, K, fill, 0)
        pltpu.sync_copy(zblk, acc.at[pl.ds(off, RPT)])
        plsc.subcore_barrier()

        W = 8

        def body(j, carry):
            @pl.when(j >= W)
            def _():
                pltpu.make_async_copy(ones_v, acc.at[col_v.at[0]], sem).wait()

            pltpu.async_copy(ones_v, acc.at[col_v.at[j]], sem, add=True)
            return carry

        lax.fori_loop(0, NB, body, 0)

        def drain(j, carry):
            pltpu.make_async_copy(ones_v, acc.at[col_v.at[0]], sem).wait()
            return carry

        lax.fori_loop(0, W, drain, 0)
        plsc.subcore_barrier()
        pltpu.sync_copy(acc.at[pl.ds(off, RPT)], out.at[c, pl.ds(off, RPT)])

    return deg_kernel


def _make_agg_kernel(nphase):
    D = DH2
    out_one = jax.ShapeDtypeStruct((NC, N, D), jnp.float32)

    @functools.partial(
        pl.kernel,
        out_type=[out_one] * nphase,
        mesh=_MESH,
        scratch_types=[
            pltpu.VMEM((NB, K), jnp.int32),
            pltpu.VMEM((NB, K), jnp.int32),
            [pltpu.VMEM((K, D), jnp.float32) for _ in range(4)],
            [pltpu.SemaphoreType.DMA for _ in range(4)],
            [pltpu.SemaphoreType.DMA for _ in range(4)],
            pltpu.VMEM_SHARED((N, D), jnp.float32),
        ],
        compiler_params=pltpu.CompilerParams(use_tc_tiling_on_sc=False),
    )
    def agg_kernel(*refs):
        hps = refs[:nphase]
        ei4, zblk = refs[nphase], refs[nphase + 1]
        outs = refs[nphase + 2:2 * nphase + 2]
        row_v, col_v, bufs, gsems, ssems, acc = refs[2 * nphase + 2:]
        c = lax.axis_index("c")
        s = lax.axis_index("s")
        w = s * NC + c
        off = pl.multiple_of(jnp.minimum(s * RPT, N - RPT), 8)
        pltpu.sync_copy(ei4.at[0, w], row_v)
        pltpu.sync_copy(ei4.at[1, w], col_v)
        pltpu.sync_copy(zblk, acc.at[pl.ds(off, RPT)])
        plsc.subcore_barrier()

        def run_phase(hp, out, last):
            pltpu.async_copy(hp.at[row_v.at[0]], bufs[0], gsems[0])
            pltpu.async_copy(hp.at[row_v.at[1]], bufs[1], gsems[1])

            def group(i, carry):
                for u in range(4):
                    j = 4 * i + u
                    buf, gsem, ssem = bufs[u], gsems[u], ssems[u]
                    pltpu.make_async_copy(
                        hp.at[row_v.at[0]], buf, gsem).wait()
                    pltpu.async_copy(buf, acc.at[col_v.at[j]], ssem,
                                     add=True)

                    u2 = (u + 2) % 4
                    buf2, gsem2, ssem2 = bufs[u2], gsems[u2], ssems[u2]

                    @pl.when(j >= 2)
                    def _():
                        pltpu.make_async_copy(
                            buf2, acc.at[col_v.at[0]], ssem2).wait()

                    @pl.when(j + 2 < NB)
                    def _():
                        pltpu.async_copy(hp.at[row_v.at[j + 2]], buf2, gsem2)

                return carry

            lax.fori_loop(0, NB // 4, group, 0)
            pltpu.make_async_copy(
                bufs[(NB - 2) % 4], acc.at[col_v.at[0]],
                ssems[(NB - 2) % 4]).wait()
            pltpu.make_async_copy(
                bufs[(NB - 1) % 4], acc.at[col_v.at[0]],
                ssems[(NB - 1) % 4]).wait()
            plsc.subcore_barrier()
            pltpu.sync_copy(acc.at[pl.ds(off, RPT)],
                            out.at[c, pl.ds(off, RPT)])
            if not last:
                pltpu.sync_copy(zblk, acc.at[pl.ds(off, RPT)])
                plsc.subcore_barrier()

        for p in range(nphase):
            run_phase(hps[p], outs[p], p == nphase - 1)

    return agg_kernel


_deg_kernel = _make_deg_kernel()
_agg_kernel2 = _make_agg_kernel(2)
_agg_kernel1 = _make_agg_kernel(1)



BN = 2000
_TC_PARAMS = pltpu.CompilerParams(vmem_limit_bytes=100 * 1024 * 1024)


def _dis(d_ref):
    return lax.rsqrt(d_ref[0][:, :1] + d_ref[1][:, :1] + 1.0)


def _scale_mm_body(d_ref, x_ref, w_ref, lo_ref, hi_ref):
    dis = _dis(d_ref)
    h = dis * jnp.dot(x_ref[...], w_ref[...],
                      preferred_element_type=jnp.float32)
    lo_ref[...] = h[:, :DH2]
    hi_ref[...] = h[:, DH2:]


def _combine_mm_body(d_ref, al_ref, ah_ref,
                     lo_ref, hi_ref, b_ref, w_ref, *out_refs):
    dis = _dis(d_ref)
    agg_lo = al_ref[0] + al_ref[1] + lo_ref[...]
    agg_hi = ah_ref[0] + ah_ref[1] + hi_ref[...]
    t = dis * jnp.concatenate([agg_lo, agg_hi], axis=1) + b_ref[...]
    t = jnp.maximum(t, 0.0)
    h = dis * jnp.dot(t, w_ref[...], preferred_element_type=jnp.float32)
    if len(out_refs) == 2:
        out_refs[0][...] = h[:, :DH2]
        out_refs[1][...] = h[:, DH2:]
    else:
        out_refs[0][...] = h


def _final_body(d_ref, a_ref, hp_ref, b_ref, o_ref):
    dis = _dis(d_ref)
    o_ref[...] = dis * (a_ref[0] + a_ref[1] + hp_ref[...]) + b_ref[...]


def _deg_spec():
    return pl.BlockSpec((2, BN, DEGW), lambda i: (0, i, 0))


def _agg_spec():
    return pl.BlockSpec((2, BN, DH2), lambda i: (0, i, 0))


def _half_out_specs():
    return [
        pl.BlockSpec((BN, DH2), lambda i: (i, 0)),
        pl.BlockSpec((BN, DH2), lambda i: (i, 0)),
    ]


def _half_out_shapes():
    return [
        jax.ShapeDtypeStruct((N, DH2), jnp.float32),
        jax.ShapeDtypeStruct((N, DH2), jnp.float32),
    ]


def _scale_mm(degp, x, w):
    return pl.pallas_call(
        _scale_mm_body,
        grid=(N // BN,),
        in_specs=[_deg_spec()] + [
            pl.BlockSpec((BN, x.shape[1]), lambda i: (i, 0)),
            pl.BlockSpec(w.shape, lambda i: (0, 0)),
        ],
        out_specs=_half_out_specs(),
        out_shape=_half_out_shapes(),
        compiler_params=_TC_PARAMS,
    )(degp, x, w)


def _combine_mm(degp, agg_lo, agg_hi, hp_lo, hp_hi, b, w, split_out):
    d_out = w.shape[1]
    if split_out:
        out_specs, out_shape = _half_out_specs(), _half_out_shapes()
    else:
        out_specs = pl.BlockSpec((BN, d_out), lambda i: (i, 0))
        out_shape = jax.ShapeDtypeStruct((N, d_out), jnp.float32)
    return pl.pallas_call(
        _combine_mm_body,
        grid=(N // BN,),
        in_specs=[_deg_spec(), _agg_spec(), _agg_spec()] + [
            pl.BlockSpec((BN, DH2), lambda i: (i, 0)),
            pl.BlockSpec((BN, DH2), lambda i: (i, 0)),
            pl.BlockSpec((1, D_H), lambda i: (0, 0)),
            pl.BlockSpec(w.shape, lambda i: (0, 0)),
        ],
        out_specs=out_specs,
        out_shape=out_shape,
        compiler_params=_TC_PARAMS,
    )(degp, agg_lo, agg_hi, hp_lo, hp_hi, b, w)


def _final(degp, agg, hp, b):
    d = hp.shape[1]
    return pl.pallas_call(
        _final_body,
        grid=(N // BN,),
        in_specs=[_deg_spec()] + [
            pl.BlockSpec((2, BN, d), lambda i: (0, i, 0)),
            pl.BlockSpec((BN, d), lambda i: (i, 0)),
            pl.BlockSpec((1, d), lambda i: (0, 0)),
        ],
        out_specs=pl.BlockSpec((BN, d), lambda i: (i, 0)),
        out_shape=jax.ShapeDtypeStruct((N, d), jnp.float32),
        compiler_params=_TC_PARAMS,
    )(degp, agg, hp, b)



def kernel(x, edge_index, W1, b1, W2, b2, W3, b3):
    ei4 = edge_index.reshape(2, NW, NB, K)
    z16 = jnp.zeros((RPT, DEGW), jnp.float32)
    z64 = jnp.zeros((RPT, DH2), jnp.float32)

    degp = _deg_kernel(ei4, z16)

    h1_lo, h1_hi = _scale_mm(degp, x, W1)
    a1_lo, a1_hi = _agg_kernel2(h1_lo, h1_hi, ei4, z64)
    h2_lo, h2_hi = _combine_mm(degp, a1_lo, a1_hi, h1_lo, h1_hi,
                               b1.reshape(1, -1), W2, split_out=True)
    a2_lo, a2_hi = _agg_kernel2(h2_lo, h2_hi, ei4, z64)
    h3p = _combine_mm(degp, a2_lo, a2_hi, h2_lo, h2_hi,
                      b2.reshape(1, -1), W3, split_out=False)
    (a3,) = _agg_kernel1(h3p, ei4, z64)
    return _final(degp, a3, h3p, b3.reshape(1, -1))

# --- scband reference (transcript-rebuilt; emitter-appended) ---
"""Pipeline reference for scband-simple-gnn-70523363000622 (READ-ONLY COPY).

The authoritative reference and input builder live on the scoring server;
editing this copy changes nothing except your own understanding.
"""

import jax, jax.numpy as jnp
import numpy as np

N = 10000
E = 320000
D_IN = 128
D_H = 128
D_OUT = 64


def gcn_conv(x, edge_index, W, b):
    # Faithful GCNConv (PyG semantics): linear, add self-loops, sym-normalize, scatter-add aggregate, bias
    h = x @ W
    row = edge_index[0]
    col = edge_index[1]
    loop = jnp.arange(N, dtype=row.dtype)
    row = jnp.concatenate([row, loop])
    col = jnp.concatenate([col, loop])
    deg = jnp.zeros((N,), dtype=h.dtype).at[col].add(1.0)
    deg_inv_sqrt = jnp.where(deg > 0, jax.lax.rsqrt(jnp.maximum(deg, 1e-12)), 0.0)
    norm = deg_inv_sqrt[row] * deg_inv_sqrt[col]
    msg = jnp.take(h, row, axis=0) * norm[:, None]
    out = jnp.zeros((N, h.shape[1]), dtype=h.dtype).at[col].add(msg)
    return out + b


def setup_inputs(seed: int = 0) -> dict:
    key = jax.random.key(seed)
    ks = jax.random.split(key, 8)
    x = jax.random.normal(ks[0], (N, D_IN), dtype=jnp.float32)
    edge_index = jax.random.randint(ks[1], (2, E), 0, N, dtype=jnp.int32)
    W1 = jax.random.normal(ks[2], (D_IN, D_H), dtype=jnp.float32) * 0.05
    b1 = jnp.zeros((D_H,), dtype=jnp.float32)
    W2 = jax.random.normal(ks[3], (D_H, D_H), dtype=jnp.float32) * 0.05
    b2 = jnp.zeros((D_H,), dtype=jnp.float32)
    W3 = jax.random.normal(ks[4], (D_H, D_OUT), dtype=jnp.float32) * 0.05
    b3 = jnp.zeros((D_OUT,), dtype=jnp.float32)
    return {"x": x, "edge_index": edge_index, "W1": W1, "b1": b1, "W2": W2, "b2": b2, "W3": W3, "b3": b3}


def reference(x, edge_index, W1, b1, W2, b2, W3, b3):
    # layer 1: GCNConv + relu (dropout is identity in eval mode)
    h = gcn_conv(x, edge_index, W1, b1)
    h = jax.nn.relu(h)
    # layer 2
    h = gcn_conv(h, edge_index, W2, b2)
    h = jax.nn.relu(h)
    # layer 3 (no activation)
    h = gcn_conv(h, edge_index, W3, b3)
    return h

if __name__ == "__main__":
    import jax
    _d = setup_inputs()
    print(jax.jit(kernel)(*tuple(_d.values())))

</pallas_src>

<mosaic_0001>
#map = affine_map<(d0, d1) -> (0, 0)>
#map1 = affine_map<(d0, d1) -> (0, 0, 0, 0)>
#map2 = affine_map<(d0, d1) -> (0, 0, 0)>
module attributes {stable_mosaic.version = 14 : i64} {
  func.func @agg_kernel(%arg0: i32, %arg1: i32, %arg2: memref<10000x64xf32, #tpu.memory_space<hbm>>, %arg3: memref<10000x64xf32, #tpu.memory_space<hbm>>, %arg4: memref<2x32x80x125xi32, #tpu.memory_space<hbm>>, %arg5: memref<632x64xf32, #tpu.memory_space<hbm>>, %arg6: memref<2x10000x64xf32, #tpu.memory_space<hbm>>, %arg7: memref<2x10000x64xf32, #tpu.memory_space<hbm>>, %arg8: memref<80x125xi32, #tpu.memory_space<vmem>>, %arg9: memref<80x125xi32, #tpu.memory_space<vmem>>, %arg10: memref<125x64xf32, #tpu.memory_space<vmem>>, %arg11: memref<125x64xf32, #tpu.memory_space<vmem>>, %arg12: memref<125x64xf32, #tpu.memory_space<vmem>>, %arg13: memref<125x64xf32, #tpu.memory_space<vmem>>, %arg14: memref<!tpu.dma_semaphore, #tpu.memory_space<semaphore_mem>>, %arg15: memref<!tpu.dma_semaphore, #tpu.memory_space<semaphore_mem>>, %arg16: memref<!tpu.dma_semaphore, #tpu.memory_space<semaphore_mem>>, %arg17: memref<!tpu.dma_semaphore, #tpu.memory_space<semaphore_mem>>, %arg18: memref<!tpu.dma_semaphore, #tpu.memory_space<semaphore_mem>>, %arg19: memref<!tpu.dma_semaphore, #tpu.memory_space<semaphore_mem>>, %arg20: memref<!tpu.dma_semaphore, #tpu.memory_space<semaphore_mem>>, %arg21: memref<!tpu.dma_semaphore, #tpu.memory_space<semaphore_mem>>, %arg22: memref<10000x64xf32, #tpu.memory_space<vmem_shared>>) attributes {dimension_semantics = [#tpu.dimension_semantics<core_parallel>, #tpu.dimension_semantics<subcore_parallel>], iteration_bounds = array<i64: 2, 16>, scalar_prefetch = 0 : i64, scratch_operands = 15 : i64, tpu.core_type = #tpu.core_type<sc_vector_subcore>, window_params = [{transform_indices = #map}, {transform_indices = #map}, {transform_indices = #map1}, {transform_indices = #map}, {transform_indices = #map2}, {transform_indices = #map2}]} {
    %mul3A = arith.constant 2 : i32
    %mul3A_0 = arith.muli %arg1, %mul3A : i32
    %add3A = arith.addi %mul3A_0, %arg0 : i32
    %mul3A_1 = arith.constant 632 : i32
    %mul3A_2 = arith.muli %arg1, %mul3A_1 : i32
    %min3A = arith.constant 9368 : i32
    %min3A_3 = arith.minsi %mul3A_2, %min3A : i32
    %multiple_of3A = tpu.assume_multiple %min3A_3, 8 : i32
    %run_scoped3A = arith.constant 0 : i32
    "tpu.region"() ({
      %run_scoped3A_73 = tpu.sem_alloc : memref<!tpu.dma_semaphore, #tpu.memory_space<semaphore_mem>>
      %dma_start3A_74 = arith.constant 0 : i32
      %dma_start3A_75 = arith.constant 0 : i32
      %dma_start3A_76 = tpu.memref_slice %arg4[%run_scoped3A, %add3A, %dma_start3A_74, %dma_start3A_75] : memref<2x32x80x125xi32, #tpu.memory_space<hbm>> -> memref<1x1x80x125xi32, #tpu.memory_space<hbm>>
      %dma_start3A_77 = tpu.memref_squeeze %dma_start3A_76 : memref<1x1x80x125xi32, #tpu.memory_space<hbm>> -> memref<80x125xi32, #tpu.memory_space<hbm>>
      %dma_start3A_78 = arith.constant 0 : i32
      %dma_start3A_79 = arith.constant 0 : i32
      %dma_start3A_80 = tpu.memref_slice %arg4[%run_scoped3A, %add3A, %dma_start3A_78, %dma_start3A_79] : memref<2x32x80x125xi32, #tpu.memory_space<hbm>> -> memref<1x1x80x125xi32, #tpu.memory_space<hbm>>
      %dma_start3A_81 = tpu.memref_squeeze %dma_start3A_80 : memref<1x1x80x125xi32, #tpu.memory_space<hbm>> -> memref<80x125xi32, #tpu.memory_space<hbm>>
      tpu.enqueue_dma source(%dma_start3A_81 : memref<80x125xi32, #tpu.memory_space<hbm>>) target(%arg8 : memref<80x125xi32, #tpu.memory_space<vmem>>) target_semaphore(%run_scoped3A_73 : memref<!tpu.dma_semaphore, #tpu.memory_space<semaphore_mem>>)
      %dma_wait3A_82 = arith.constant 0 : i32
      %dma_wait3A_83 = arith.constant 0 : i32
      %dma_wait3A_84 = tpu.memref_slice %arg4[%run_scoped3A, %add3A, %dma_wait3A_82, %dma_wait3A_83] : memref<2x32x80x125xi32, #tpu.memory_space<hbm>> -> memref<1x1x80x125xi32, #tpu.memory_space<hbm>>
      %dma_wait3A_85 = tpu.memref_squeeze %dma_wait3A_84 : memref<1x1x80x125xi32, #tpu.memory_space<hbm>> -> memref<80x125xi32, #tpu.memory_space<hbm>>
      %dma_wait3A_86 = arith.constant 0 : i32
      %dma_wait3A_87 = arith.constant 0 : i32
      %dma_wait3A_88 = tpu.memref_slice %arg4[%run_scoped3A, %add3A, %dma_wait3A_86, %dma_wait3A_87] : memref<2x32x80x125xi32, #tpu.memory_space<hbm>> -> memref<1x1x80x125xi32, #tpu.memory_space<hbm>>
      %dma_wait3A_89 = tpu.memref_squeeze %dma_wait3A_88 : memref<1x1x80x125xi32, #tpu.memory_space<hbm>> -> memref<80x125xi32, #tpu.memory_space<hbm>>
      tpu.wait_dma2 semaphore(%run_scoped3A_73 : memref<!tpu.dma_semaphore, #tpu.memory_space<semaphore_mem>>) src(%dma_wait3A_89 : memref<80x125xi32, #tpu.memory_space<hbm>>) dst(%arg8 : memref<80x125xi32, #tpu.memory_space<vmem>>)
      tpu.yield
    }) : () -> ()
    %run_scoped3A_4 = arith.constant 1 : i32
    "tpu.region"() ({
      %run_scoped3A_73 = tpu.sem_alloc : memref<!tpu.dma_semaphore, #tpu.memory_space<semaphore_mem>>
      %dma_start3A_74 = arith.constant 0 : i32
      %dma_start3A_75 = arith.constant 0 : i32
      %dma_start3A_76 = tpu.memref_slice %arg4[%run_scoped3A_4, %add3A, %dma_start3A_74, %dma_start3A_75] : memref<2x32x80x125xi32, #tpu.memory_space<hbm>> -> memref<1x1x80x125xi32, #tpu.memory_space<hbm>>
      %dma_start3A_77 = tpu.memref_squeeze %dma_start3A_76 : memref<1x1x80x125xi32, #tpu.memory_space<hbm>> -> memref<80x125xi32, #tpu.memory_space<hbm>>
      %dma_start3A_78 = arith.constant 0 : i32
      %dma_start3A_79 = arith.constant 0 : i32
      %dma_start3A_80 = tpu.memref_slice %arg4[%run_scoped3A_4, %add3A, %dma_start3A_78, %dma_start3A_79] : memref<2x32x80x125xi32, #tpu.memory_space<hbm>> -> memref<1x1x80x125xi32, #tpu.memory_space<hbm>>
      %dma_start3A_81 = tpu.memref_squeeze %dma_start3A_80 : memref<1x1x80x125xi32, #tpu.memory_space<hbm>> -> memref<80x125xi32, #tpu.memory_space<hbm>>
      tpu.enqueue_dma source(%dma_start3A_81 : memref<80x125xi32, #tpu.memory_space<hbm>>) target(%arg9 : memref<80x125xi32, #tpu.memory_space<vmem>>) target_semaphore(%run_scoped3A_73 : memref<!tpu.dma_semaphore, #tpu.memory_space<semaphore_mem>>)
      %dma_wait3A_82 = arith.constant 0 : i32
      %dma_wait3A_83 = arith.constant 0 : i32
      %dma_wait3A_84 = tpu.memref_slice %arg4[%run_scoped3A_4, %add3A, %dma_wait3A_82, %dma_wait3A_83] : memref<2x32x80x125xi32, #tpu.memory_space<hbm>> -> memref<1x1x80x125xi32, #tpu.memory_space<hbm>>
      %dma_wait3A_85 = tpu.memref_squeeze %dma_wait3A_84 : memref<1x1x80x125xi32, #tpu.memory_space<hbm>> -> memref<80x125xi32, #tpu.memory_space<hbm>>
      %dma_wait3A_86 = arith.constant 0 : i32
      %dma_wait3A_87 = arith.constant 0 : i32
      %dma_wait3A_88 = tpu.memref_slice %arg4[%run_scoped3A_4, %add3A, %dma_wait3A_86, %dma_wait3A_87] : memref<2x32x80x125xi32, #tpu.memory_space<hbm>> -> memref<1x1x80x125xi32, #tpu.memory_space<hbm>>
      %dma_wait3A_89 = tpu.memref_squeeze %dma_wait3A_88 : memref<1x1x80x125xi32, #tpu.memory_space<hbm>> -> memref<80x125xi32, #tpu.memory_space<hbm>>
      tpu.wait_dma2 semaphore(%run_scoped3A_73 : memref<!tpu.dma_semaphore, #tpu.memory_space<semaphore_mem>>) src(%dma_wait3A_89 : memref<80x125xi32, #tpu.memory_space<hbm>>) dst(%arg9 : memref<80x125xi32, #tpu.memory_space<vmem>>)
      tpu.yield
    }) : () -> ()
    "tpu.region"() ({
      %run_scoped3A_73 = tpu.sem_alloc : memref<!tpu.dma_semaphore, #tpu.memory_space<semaphore_mem>>
      %dma_start3A_74 = arith.constant 0 : i32
      %dma_start3A_75 = tpu.memref_slice %arg22[%multiple_of3A, %dma_start3A_74] : memref<10000x64xf32, #tpu.memory_space<vmem_shared>> -> memref<632x64xf32, #tpu.memory_space<vmem_shared>>
      tpu.enqueue_dma source(%arg5 : memref<632x64xf32, #tpu.memory_space<hbm>>) target(%dma_start3A_75 : memref<632x64xf32, #tpu.memory_space<vmem_shared>>) target_semaphore(%run_scoped3A_73 : memref<!tpu.dma_semaphore, #tpu.memory_space<semaphore_mem>>)
      %dma_wait3A_76 = arith.constant 0 : i32
      %dma_wait3A_77 = tpu.memref_slice %arg22[%multiple_of3A, %dma_wait3A_76] : memref<10000x64xf32, #tpu.memory_space<vmem_shared>> -> memref<632x64xf32, #tpu.memory_space<vmem_shared>>
      tpu.wait_dma2 semaphore(%run_scoped3A_73 : memref<!tpu.dma_semaphore, #tpu.memory_space<semaphore_mem>>) src(%arg5 : memref<632x64xf32, #tpu.memory_space<hbm>>) dst(%dma_wait3A_77 : memref<632x64xf32, #tpu.memory_space<vmem_shared>>)
      tpu.yield
    }) : () -> ()
    %barrier3A = arith.constant 0 : index
    tpu.barrier barrier_id(%barrier3A)
    %dma_start3A = arith.constant 0 : i32
    %dma_start3A_5 = arith.constant 0 : i32
    %dma_start3A_6 = tpu.memref_slice %arg8[%dma_start3A, %dma_start3A_5] : memref<80x125xi32, #tpu.memory_space<vmem>> -> memref<1x125xi32, #tpu.memory_space<vmem>>
    %dma_start3A_7 = tpu.memref_squeeze %dma_start3A_6 : memref<1x125xi32, #tpu.memory_space<vmem>> -> memref<125xi32, #tpu.memory_space<vmem>>
    %dma_start3A_8 = arith.constant 0 : i32
    %dma_start3A_9 = arith.constant 0 : i32
    %dma_start3A_10 = tpu.memref_slice %arg2[%dma_start3A_8, %dma_start3A_9] : memref<10000x64xf32, #tpu.memory_space<hbm>> -> memref<10000x64xf32, #tpu.memory_space<hbm>>
    tpu.enqueue_indirect_dma source(%dma_start3A_10 : memref<10000x64xf32, #tpu.memory_space<hbm>>) target(%arg10 : memref<125x64xf32, #tpu.memory_space<vmem>>) offsets(%dma_start3A_7 : memref<125xi32, #tpu.memory_space<vmem>>) semaphore(%arg14 : memref<!tpu.dma_semaphore, #tpu.memory_space<semaphore_mem>>)
    %dma_start3A_11 = arith.constant 1 : i32
    %dma_start3A_12 = arith.constant 0 : i32
    %dma_start3A_13 = tpu.memref_slice %arg8[%dma_start3A_11, %dma_start3A_12] : memref<80x125xi32, #tpu.memory_space<vmem>> -> memref<1x125xi32, #tpu.memory_space<vmem>>
    %dma_start3A_14 = tpu.memref_squeeze %dma_start3A_13 : memref<1x125xi32, #tpu.memory_space<vmem>> -> memref<125xi32, #tpu.memory_space<vmem>>
    %dma_start3A_15 = arith.constant 0 : i32
    %dma_start3A_16 = arith.constant 0 : i32
    %dma_start3A_17 = tpu.memref_slice %arg2[%dma_start3A_15, %dma_start3A_16] : memref<10000x64xf32, #tpu.memory_space<hbm>> -> memref<10000x64xf32, #tpu.memory_space<hbm>>
    tpu.enqueue_indirect_dma source(%dma_start3A_17 : memref<10000x64xf32, #tpu.memory_space<hbm>>) target(%arg11 : memref<125x64xf32, #tpu.memory_space<vmem>>) offsets(%dma_start3A_14 : memref<125xi32, #tpu.memory_space<vmem>>) semaphore(%arg15 : memref<!tpu.dma_semaphore, #tpu.memory_space<semaphore_mem>>)
    %scan3A = arith.constant 0 : i32
    %scan3A_18 = arith.constant 0 : i32
    %scan3A_19 = arith.constant 20 : i32
    %scan3A_20 = arith.addi %scan3A_18, %scan3A_19 : i32
    %scan3A_21 = arith.constant 1 : i32
    scf.for %scan3A_73 = %scan3A_18 to %scan3A_20 step %scan3A_21  : i32 {
      %mul3A_74 = arith.constant 4 : i32
      %mul3A_75 = arith.muli %mul3A_74, %scan3A_73 : i32
      %add3A_76 = arith.constant 0 : i32
      %add3A_77 = arith.addi %mul3A_75, %add3A_76 : i32
      %dma_wait3A_78 = arith.constant 0 : i32
      %dma_wait3A_79 = arith.constant 0 : i32
      %dma_wait3A_80 = tpu.memref_slice %arg8[%dma_wait3A_78, %dma_wait3A_79] : memref<80x125xi32, #tpu.memory_space<vmem>> -> memref<1x125xi32, #tpu.memory_space<vmem>>
      %dma_wait3A_81 = tpu.memref_squeeze %dma_wait3A_80 : memref<1x125xi32, #tpu.memory_space<vmem>> -> memref<125xi32, #tpu.memory_space<vmem>>
      %dma_wait3A_82 = arith.constant 0 : i32
      %dma_wait3A_83 = arith.constant 0 : i32
      %dma_wait3A_84 = tpu.memref_slice %arg2[%dma_wait3A_82, %dma_wait3A_83] : memref<10000x64xf32, #tpu.memory_space<hbm>> -> memref<10000x64xf32, #tpu.memory_space<hbm>>
      tpu.wait_indirect_dma semaphore(%arg14 : memref<!tpu.dma_semaphore, #tpu.memory_space<semaphore_mem>>) src(%dma_wait3A_84 : memref<10000x64xf32, #tpu.memory_space<hbm>>) dst(%arg10 : memref<125x64xf32, #tpu.memory_space<vmem>>)
      %dma_start3A_85 = arith.constant 0 : i32
      %dma_start3A_86 = tpu.memref_slice %arg9[%add3A_77, %dma_start3A_85] : memref<80x125xi32, #tpu.memory_space<vmem>> -> memref<1x125xi32, #tpu.memory_space<vmem>>
      %dma_start3A_87 = tpu.memref_squeeze %dma_start3A_86 : memref<1x125xi32, #tpu.memory_space<vmem>> -> memref<125xi32, #tpu.memory_space<vmem>>
      %dma_start3A_88 = arith.constant 0 : i32
      %dma_start3A_89 = arith.constant 0 : i32
      %dma_start3A_90 = tpu.memref_slice %arg22[%dma_start3A_88, %dma_start3A_89] : memref<10000x64xf32, #tpu.memory_space<vmem_shared>> -> memref<10000x64xf32, #tpu.memory_space<vmem_shared>>
      tpu.enqueue_indirect_dma source(%arg10 : memref<125x64xf32, #tpu.memory_space<vmem>>) target(%dma_start3A_90 : memref<10000x64xf32, #tpu.memory_space<vmem_shared>>) offsets(%dma_start3A_87 : memref<125xi32, #tpu.memory_space<vmem>>) semaphore(%arg18 : memref<!tpu.dma_semaphore, #tpu.memory_space<semaphore_mem>>) {add = true}
      %ge3A = arith.constant 2 : i32
      %ge3A_91 = arith.cmpi sge, %add3A_77, %ge3A : i32
      %convert_element_type3A = arith.extui %ge3A_91 : i1 to i32
      %cond3A = arith.constant 0 : i32
      %cond3A_92 = arith.cmpi ne, %convert_element_type3A, %cond3A : i32
      scf.if %cond3A_92 {
        %dma_wait3A_186 = arith.constant 0 : i32
        %dma_wait3A_187 = arith.constant 0 : i32
        %dma_wait3A_188 = tpu.memref_slice %arg9[%dma_wait3A_186, %dma_wait3A_187] : memref<80x125xi32, #tpu.memory_space<vmem>> -> memref<1x125xi32, #tpu.memory_space<vmem>>
        %dma_wait3A_189 = tpu.memref_squeeze %dma_wait3A_188 : memref<1x125xi32, #tpu.memory_space<vmem>> -> memref<125xi32, #tpu.memory_space<vmem>>
        %dma_wait3A_190 = arith.constant 0 : i32
        %dma_wait3A_191 = arith.constant 0 : i32
        %dma_wait3A_192 = tpu.memref_slice %arg22[%dma_wait3A_190, %dma_wait3A_191] : memref<10000x64xf32, #tpu.memory_space<vmem_shared>> -> memref<10000x64xf32, #tpu.memory_space<vmem_shared>>
        tpu.wait_indirect_dma semaphore(%arg20 : memref<!tpu.dma_semaphore, #tpu.memory_space<semaphore_mem>>) src(%arg12 : memref<125x64xf32, #tpu.memory_space<vmem>>) dst(%dma_wait3A_192 : memref<10000x64xf32, #tpu.memory_space<vmem_shared>>)
      } else {
      }
      %add3A_93 = arith.constant 2 : i32
      %add3A_94 = arith.addi %add3A_77, %add3A_93 : i32
      %lt3A = arith.constant 80 : i32
      %lt3A_95 = arith.cmpi slt, %add3A_94, %lt3A : i32
      %convert_element_type3A_96 = arith.extui %lt3A_95 : i1 to i32
      %cond3A_97 = arith.constant 0 : i32
      %cond3A_98 = arith.cmpi ne, %convert_element_type3A_96, %cond3A_97 : i32
      scf.if %cond3A_98 {
        %add3A_186 = arith.constant 2 : i32
        %add3A_187 = arith.addi %add3A_77, %add3A_186 : i32
        %dma_start3A_188 = arith.constant 0 : i32
        %dma_start3A_189 = tpu.memref_slice %arg8[%add3A_187, %dma_start3A_188] : memref<80x125xi32, #tpu.memory_space<vmem>> -> memref<1x125xi32, #tpu.memory_space<vmem>>
        %dma_start3A_190 = tpu.memref_squeeze %dma_start3A_189 : memref<1x125xi32, #tpu.memory_space<vmem>> -> memref<125xi32, #tpu.memory_space<vmem>>
        %dma_start3A_191 = arith.constant 0 : i32
        %dma_start3A_192 = arith.constant 0 : i32
        %dma_start3A_193 = tpu.memref_slice %arg2[%dma_start3A_191, %dma_start3A_192] : memref<10000x64xf32, #tpu.memory_space<hbm>> -> memref<10000x64xf32, #tpu.memory_space<hbm>>
        tpu.enqueue_indirect_dma source(%dma_start3A_193 : memref<10000x64xf32, #tpu.memory_space<hbm>>) target(%arg12 : memref<125x64xf32, #tpu.memory_space<vmem>>) offsets(%dma_start3A_190 : memref<125xi32, #tpu.memory_space<vmem>>) semaphore(%arg16 : memref<!tpu.dma_semaphore, #tpu.memory_space<semaphore_mem>>)
      } else {
      }
      %mul3A_99 = arith.constant 4 : i32
      %mul3A_100 = arith.muli %mul3A_99, %scan3A_73 : i32
      %add3A_101 = arith.constant 1 : i32
      %add3A_102 = arith.addi %mul3A_100, %add3A_101 : i32
      %dma_wait3A_103 = arith.constant 0 : i32
      %dma_wait3A_104 = arith.constant 0 : i32
      %dma_wait3A_105 = tpu.memref_slice %arg8[%dma_wait3A_103, %dma_wait3A_104] : memref<80x125xi32, #tpu.memory_space<vmem>> -> memref<1x125xi32, #tpu.memory_space<vmem>>
      %dma_wait3A_106 = tpu.memref_squeeze %dma_wait3A_105 : memref<1x125xi32, #tpu.memory_space<vmem>> -> memref<125xi32, #tpu.memory_space<vmem>>
      %dma_wait3A_107 = arith.constant 0 : i32
      %dma_wait3A_108 = arith.constant 0 : i32
      %dma_wait3A_109 = tpu.memref_slice %arg2[%dma_wait3A_107, %dma_wait3A_108] : memref<10000x64xf32, #tpu.memory_space<hbm>> -> memref<10000x64xf32, #tpu.memory_space<hbm>>
      tpu.wait_indirect_dma semaphore(%arg15 : memref<!tpu.dma_semaphore, #tpu.memory_space<semaphore_mem>>) src(%dma_wait3A_109 : memref<10000x64xf32, #tpu.memory_space<hbm>>) dst(%arg11 : memref<125x64xf32, #tpu.memory_space<vmem>>)
      %dma_start3A_110 = arith.constant 0 : i32
      %dma_start3A_111 = tpu.memref_slice %arg9[%add3A_102, %dma_start3A_110] : memref<80x125xi32, #tpu.memory_space<vmem>> -> memref<1x125xi32, #tpu.memory_space<vmem>>
      %dma_start3A_112 = tpu.memref_squeeze %dma_start3A_111 : memref<1x125xi32, #tpu.memory_space<vmem>> -> memref<125xi32, #tpu.memory_space<vmem>>
      %dma_start3A_113 = arith.constant 0 : i32
      %dma_start3A_114 = arith.constant 0 : i32
      %dma_start3A_115 = tpu.memref_slice %arg22[%dma_start3A_113, %dma_start3A_114] : memref<10000x64xf32, #tpu.memory_space<vmem_shared>> -> memref<10000x64xf32, #tpu.memory_space<vmem_shared>>
      tpu.enqueue_indirect_dma source(%arg11 : memref<125x64xf32, #tpu.memory_space<vmem>>) target(%dma_start3A_115 : memref<10000x64xf32, #tpu.memory_space<vmem_shared>>) offsets(%dma_start3A_112 : memref<125xi32, #tpu.memory_space<vmem>>) semaphore(%arg19 : memref<!tpu.dma_semaphore, #tpu.memory_space<semaphore_mem>>) {add = true}
      %ge3A_116 = arith.constant 2 : i32
      %ge3A_117 = arith.cmpi sge, %add3A_102, %ge3A_116 : i32
      %convert_element_type3A_118 = arith.extui %ge3A_117 : i1 to i32
      %cond3A_119 = arith.constant 0 : i32
      %cond3A_120 = arith.cmpi ne, %convert_element_type3A_118, %cond3A_119 : i32
      scf.if %cond3A_120 {
        %dma_wait3A_186 = arith.constant 0 : i32
        %dma_wait3A_187 = arith.constant 0 : i32
        %dma_wait3A_188 = tpu.memref_slice %arg9[%dma_wait3A_186, %dma_wait3A_187] : memref<80x125xi32, #tpu.memory_space<vmem>> -> memref<1x125xi32, #tpu.memory_space<vmem>>
        %dma_wait3A_189 = tpu.memref_squeeze %dma_wait3A_188 : memref<1x125xi32, #tpu.memory_space<vmem>> -> memref<125xi32, #tpu.memory_space<vmem>>
        %dma_wait3A_190 = arith.constant 0 : i32
        %dma_wait3A_191 = arith.constant 0 : i32
        %dma_wait3A_192 = tpu.memref_slice %arg22[%dma_wait3A_190, %dma_wait3A_191] : memref<10000x64xf32, #tpu.memory_space<vmem_shared>> -> memref<10000x64xf32, #tpu.memory_space<vmem_shared>>
        tpu.wait_indirect_dma semaphore(%arg21 : memref<!tpu.dma_semaphore, #tpu.memory_space<semaphore_mem>>) src(%arg13 : memref<125x64xf32, #tpu.memory_space<vmem>>) dst(%dma_wait3A_192 : memref<10000x64xf32, #tpu.memory_space<vmem_shared>>)
      } else {
      }
      %add3A_121 = arith.constant 2 : i32
      %add3A_122 = arith.addi %add3A_102, %add3A_121 : i32
      %lt3A_123 = arith.constant 80 : i32
      %lt3A_124 = arith.cmpi slt, %add3A_122, %lt3A_123 : i32
      %convert_element_type3A_125 = arith.extui %lt3A_124 : i1 to i32
      %cond3A_126 = arith.constant 0 : i32
      %cond3A_127 = arith.cmpi ne, %convert_element_type3A_125, %cond3A_126 : i32
      scf.if %cond3A_127 {
        %add3A_186 = arith.constant 2 : i32
        %add3A_187 = arith.addi %add3A_102, %add3A_186 : i32
        %dma_start3A_188 = arith.constant 0 : i32
        %dma_start3A_189 = tpu.memref_slice %arg8[%add3A_187, %dma_start3A_188] : memref<80x125xi32, #tpu.memory_space<vmem>> -> memref<1x125xi32, #tpu.memory_space<vmem>>
        %dma_start3A_190 = tpu.memref_squeeze %dma_start3A_189 : memref<1x125xi32, #tpu.memory_space<vmem>> -> memref<125xi32, #tpu.memory_space<vmem>>
        %dma_start3A_191 = arith.constant 0 : i32
        %dma_start3A_192 = arith.constant 0 : i32
        %dma_start3A_193 = tpu.memref_slice %arg2[%dma_start3A_191, %dma_start3A_192] : memref<10000x64xf32, #tpu.memory_space<hbm>> -> memref<10000x64xf32, #tpu.memory_space<hbm>>
        tpu.enqueue_indirect_dma source(%dma_start3A_193 : memref<10000x64xf32, #tpu.memory_space<hbm>>) target(%arg13 : memref<125x64xf32, #tpu.memory_space<vmem>>) offsets(%dma_start3A_190 : memref<125xi32, #tpu.memory_space<vmem>>) semaphore(%arg17 : memref<!tpu.dma_semaphore, #tpu.memory_space<semaphore_mem>>)
      } else {
      }
      %mul3A_128 = arith.constant 4 : i32
      %mul3A_129 = arith.muli %mul3A_128, %scan3A_73 : i32
      %add3A_130 = arith.constant 2 : i32
      %add3A_131 = arith.addi %mul3A_129, %add3A_130 : i32
      %dma_wait3A_132 = arith.constant 0 : i32
      %dma_wait3A_133 = arith.constant 0 : i32
      %dma_wait3A_134 = tpu.memref_slice %arg8[%dma_wait3A_132, %dma_wait3A_133] : memref<80x125xi32, #tpu.memory_space<vmem>> -> memref<1x125xi32, #tpu.memory_space<vmem>>
      %dma_wait3A_135 = tpu.memref_squeeze %dma_wait3A_134 : memref<1x125xi32, #tpu.memory_space<vmem>> -> memref<125xi32, #tpu.memory_space<vmem>>
      %dma_wait3A_136 = arith.constant 0 : i32
      %dma_wait3A_137 = arith.constant 0 : i32
      %dma_wait3A_138 = tpu.memref_slice %arg2[%dma_wait3A_136, %dma_wait3A_137] : memref<10000x64xf32, #tpu.memory_space<hbm>> -> memref<10000x64xf32, #tpu.memory_space<hbm>>
      tpu.wait_indirect_dma semaphore(%arg16 : memref<!tpu.dma_semaphore, #tpu.memory_space<semaphore_mem>>) src(%dma_wait3A_138 : memref<10000x64xf32, #tpu.memory_space<hbm>>) dst(%arg12 : memref<125x64xf32, #tpu.memory_space<vmem>>)
      %dma_start3A_139 = arith.constant 0 : i32
      %dma_start3A_140 = tpu.memref_slice %arg9[%add3A_131, %dma_start3A_139] : memref<80x125xi32, #tpu.memory_space<vmem>> -> memref<1x125xi32, #tpu.memory_space<vmem>>
      %dma_start3A_141 = tpu.memref_squeeze %dma_start3A_140 : memref<1x125xi32, #tpu.memory_space<vmem>> -> memref<125xi32, #tpu.memory_space<vmem>>
      %dma_start3A_142 = arith.constant 0 : i32
      %dma_start3A_143 = arith.constant 0 : i32
      %dma_start3A_144 = tpu.memref_slice %arg22[%dma_start3A_142, %dma_start3A_143] : memref<10000x64xf32, #tpu.memory_space<vmem_shared>> -> memref<10000x64xf32, #tpu.memory_space<vmem_shared>>
      tpu.enqueue_indirect_dma source(%arg12 : memref<125x64xf32, #tpu.memory_space<vmem>>) target(%dma_start3A_144 : memref<10000x64xf32, #tpu.memory_space<vmem_shared>>) offsets(%dma_start3A_141 : memref<125xi32, #tpu.memory_space<vmem>>) semaphore(%arg20 : memref<!tpu.dma_semaphore, #tpu.memory_space<semaphore_mem>>) {add = true}
      %ge3A_145 = arith.constant 2 : i32
      %ge3A_146 = arith.cmpi sge, %add3A_131, %ge3A_145 : i32
      %convert_element_type3A_147 = arith.extui %ge3A_146 : i1 to i32
      %cond3A_148 = arith.constant 0 : i32
      %cond3A_149 = arith.cmpi ne, %convert_element_type3A_147, %cond3A_148 : i32
      scf.if %cond3A_149 {
        %dma_wait3A_186 = arith.constant 0 : i32
        %dma_wait3A_187 = arith.constant 0 : i32
        %dma_wait3A_188 = tpu.memref_slice %arg9[%dma_wait3A_186, %dma_wait3A_187] : memref<80x125xi32, #tpu.memory_space<vmem>> -> memref<1x125xi32, #tpu.memory_space<vmem>>
        %dma_wait3A_189 = tpu.memref_squeeze %dma_wait3A_188 : memref<1x125xi32, #tpu.memory_space<vmem>> -> memref<125xi32, #tpu.memory_space<vmem>>
        %dma_wait3A_190 = arith.constant 0 : i32
        %dma_wait3A_191 = arith.constant 0 : i32
        %dma_wait3A_192 = tpu.memref_slice %arg22[%dma_wait3A_190, %dma_wait3A_191] : memref<10000x64xf32, #tpu.memory_space<vmem_shared>> -> memref<10000x64xf32, #tpu.memory_space<vmem_shared>>
        tpu.wait_indirect_dma semaphore(%arg18 : memref<!tpu.dma_semaphore, #tpu.memory_space<semaphore_mem>>) src(%arg10 : memref<125x64xf32, #tpu.memory_space<vmem>>) dst(%dma_wait3A_192 : memref<10000x64xf32, #tpu.memory_space<vmem_shared>>)
      } else {
      }
      %add3A_150 = arith.constant 2 : i32
      %add3A_151 = arith.addi %add3A_131, %add3A_150 : i32
      %lt3A_152 = arith.constant 80 : i32
      %lt3A_153 = arith.cmpi slt, %add3A_151, %lt3A_152 : i32
      %convert_element_type3A_154 = arith.extui %lt3A_153 : i1 to i32
      %cond3A_155 = arith.constant 0 : i32
      %cond3A_156 = arith.cmpi ne, %convert_element_type3A_154, %cond3A_155 : i32
      scf.if %cond3A_156 {
        %add3A_186 = arith.constant 2 : i32
        %add3A_187 = arith.addi %add3A_131, %add3A_186 : i32
        %dma_start3A_188 = arith.constant 0 : i32
        %dma_start3A_189 = tpu.memref_slice %arg8[%add3A_187, %dma_start3A_188] : memref<80x125xi32, #tpu.memory_space<vmem>> -> memref<1x125xi32, #tpu.memory_space<vmem>>
        %dma_start3A_190 = tpu.memref_squeeze %dma_start3A_189 : memref<1x125xi32, #tpu.memory_space<vmem>> -> memref<125xi32, #tpu.memory_space<vmem>>
        %dma_start3A_191 = arith.constant 0 : i32
        %dma_start3A_192 = arith.constant 0 : i32
        %dma_start3A_193 = tpu.memref_slice %arg2[%dma_start3A_191, %dma_start3A_192] : memref<10000x64xf32, #tpu.memory_space<hbm>> -> memref<10000x64xf32, #tpu.memory_space<hbm>>
        tpu.enqueue_indirect_dma source(%dma_start3A_193 : memref<10000x64xf32, #tpu.memory_space<hbm>>) target(%arg10 : memref<125x64xf32, #tpu.memory_space<vmem>>) offsets(%dma_start3A_190 : memref<125xi32, #tpu.memory_space<vmem>>) semaphore(%arg14 : memref<!tpu.dma_semaphore, #tpu.memory_space<semaphore_mem>>)
      } else {
      }
      %mul3A_157 = arith.constant 4 : i32
      %mul3A_158 = arith.muli %mul3A_157, %scan3A_73 : i32
      %add3A_159 = arith.constant 3 : i32
      %add3A_160 = arith.addi %mul3A_158, %add3A_159 : i32
      %dma_wait3A_161 = arith.constant 0 : i32
      %dma_wait3A_162 = arith.constant 0 : i32
      %dma_wait3A_163 = tpu.memref_slice %arg8[%dma_wait3A_161, %dma_wait3A_162] : memref<80x125xi32, #tpu.memory_space<vmem>> -> memref<1x125xi32, #tpu.memory_space<vmem>>
      %dma_wait3A_164 = tpu.memref_squeeze %dma_wait3A_163 : memref<1x125xi32, #tpu.memory_space<vmem>> -> memref<125xi32, #tpu.memory_space<vmem>>
      %dma_wait3A_165 = arith.constant 0 : i32
      %dma_wait3A_166 = arith.constant 0 : i32
      %dma_wait3A_167 = tpu.memref_slice %arg2[%dma_wait3A_165, %dma_wait3A_166] : memref<10000x64xf32, #tpu.memory_space<hbm>> -> memref<10000x64xf32, #tpu.memory_space<hbm>>
      tpu.wait_indirect_dma semaphore(%arg17 : memref<!tpu.dma_semaphore, #tpu.memory_space<semaphore_mem>>) src(%dma_wait3A_167 : memref<10000x64xf32, #tpu.memory_space<hbm>>) dst(%arg13 : memref<125x64xf32, #tpu.memory_space<vmem>>)
      %dma_start3A_168 = arith.constant 0 : i32
      %dma_start3A_169 = tpu.memref_slice %arg9[%add3A_160, %dma_start3A_168] : memref<80x125xi32, #tpu.memory_space<vmem>> -> memref<1x125xi32, #tpu.memory_space<vmem>>
      %dma_start3A_170 = tpu.memref_squeeze %dma_start3A_169 : memref<1x125xi32, #tpu.memory_space<vmem>> -> memref<125xi32, #tpu.memory_space<vmem>>
      %dma_start3A_171 = arith.constant 0 : i32
      %dma_start3A_172 = arith.constant 0 : i32
      %dma_start3A_173 = tpu.memref_slice %arg22[%dma_start3A_171, %dma_start3A_172] : memref<10000x64xf32, #tpu.memory_space<vmem_shared>> -> memref<10000x64xf32, #tpu.memory_space<vmem_shared>>
      tpu.enqueue_indirect_dma source(%arg13 : memref<125x64xf32, #tpu.memory_space<vmem>>) target(%dma_start3A_173 : memref<10000x64xf32, #tpu.memory_space<vmem_shared>>) offsets(%dma_start3A_170 : memref<125xi32, #tpu.memory_space<vmem>>) semaphore(%arg21 : memref<!tpu.dma_semaphore, #tpu.memory_space<semaphore_mem>>) {add = true}
      %ge3A_174 = arith.constant 2 : i32
      %ge3A_175 = arith.cmpi sge, %add3A_160, %ge3A_174 : i32
      %convert_element_type3A_176 = arith.extui %ge3A_175 : i1 to i32
      %cond3A_177 = arith.constant 0 : i32
      %cond3A_178 = arith.cmpi ne, %convert_element_type3A_176, %cond3A_177 : i32
      scf.if %cond3A_178 {
        %dma_wait3A_186 = arith.constant 0 : i32
        %dma_wait3A_187 = arith.constant 0 : i32
        %dma_wait3A_188 = tpu.memref_slice %arg9[%dma_wait3A_186, %dma_wait3A_187] : memref<80x125xi32, #tpu.memory_space<vmem>> -> memref<1x125xi32, #tpu.memory_space<vmem>>
        %dma_wait3A_189 = tpu.memref_squeeze %dma_wait3A_188 : memref<1x125xi32, #tpu.memory_space<vmem>> -> memref<125xi32, #tpu.memory_space<vmem>>
        %dma_wait3A_190 = arith.constant 0 : i32
        %dma_wait3A_191 = arith.constant 0 : i32
        %dma_wait3A_192 = tpu.memref_slice %arg22[%dma_wait3A_190, %dma_wait3A_191] : memref<10000x64xf32, #tpu.memory_space<vmem_shared>> -> memref<10000x64xf32, #tpu.memory_space<vmem_shared>>
        tpu.wait_indirect_dma semaphore(%arg19 : memref<!tpu.dma_semaphore, #tpu.memory_space<semaphore_mem>>) src(%arg11 : memref<125x64xf32, #tpu.memory_space<vmem>>) dst(%dma_wait3A_192 : memref<10000x64xf32, #tpu.memory_space<vmem_shared>>)
      } else {
      }
      %add3A_179 = arith.constant 2 : i32
      %add3A_180 = arith.addi %add3A_160, %add3A_179 : i32
      %lt3A_181 = arith.constant 80 : i32
      %lt3A_182 = arith.cmpi slt, %add3A_180, %lt3A_181 : i32
      %convert_element_type3A_183 = arith.extui %lt3A_182 : i1 to i32
      %cond3A_184 = arith.constant 0 : i32
      %cond3A_185 = arith.cmpi ne, %convert_element_type3A_183, %cond3A_184 : i32
      scf.if %cond3A_185 {
        %add3A_186 = arith.constant 2 : i32
        %add3A_187 = arith.addi %add3A_160, %add3A_186 : i32
        %dma_start3A_188 = arith.constant 0 : i32
        %dma_start3A_189 = tpu.memref_slice %arg8[%add3A_187, %dma_start3A_188] : memref<80x125xi32, #tpu.memory_space<vmem>> -> memref<1x125xi32, #tpu.memory_space<vmem>>
        %dma_start3A_190 = tpu.memref_squeeze %dma_start3A_189 : memref<1x125xi32, #tpu.memory_space<vmem>> -> memref<125xi32, #tpu.memory_space<vmem>>
        %dma_start3A_191 = arith.constant 0 : i32
        %dma_start3A_192 = arith.constant 0 : i32
        %dma_start3A_193 = tpu.memref_slice %arg2[%dma_start3A_191, %dma_start3A_192] : memref<10000x64xf32, #tpu.memory_space<hbm>> -> memref<10000x64xf32, #tpu.memory_space<hbm>>
        tpu.enqueue_indirect_dma source(%dma_start3A_193 : memref<10000x64xf32, #tpu.memory_space<hbm>>) target(%arg11 : memref<125x64xf32, #tpu.memory_space<vmem>>) offsets(%dma_start3A_190 : memref<125xi32, #tpu.memory_space<vmem>>) semaphore(%arg15 : memref<!tpu.dma_semaphore, #tpu.memory_space<semaphore_mem>>)
      } else {
      }
    }
    %scan3A_22 = arith.constant 20 : i32
    %dma_wait3A = arith.constant 0 : i32
    %dma_wait3A_23 = arith.constant 0 : i32
    %dma_wait3A_24 = tpu.memref_slice %arg9[%dma_wait3A, %dma_wait3A_23] : memref<80x125xi32, #tpu.memory_space<vmem>> -> memref<1x125xi32, #tpu.memory_space<vmem>>
    %dma_wait3A_25 = tpu.memref_squeeze %dma_wait3A_24 : memref<1x125xi32, #tpu.memory_space<vmem>> -> memref<125xi32, #tpu.memory_space<vmem>>
    %dma_wait3A_26 = arith.constant 0 : i32
    %dma_wait3A_27 = arith.constant 0 : i32
    %dma_wait3A_28 = tpu.memref_slice %arg22[%dma_wait3A_26, %dma_wait3A_27] : memref<10000x64xf32, #tpu.memory_space<vmem_shared>> -> memref<10000x64xf32, #tpu.memory_space<vmem_shared>>
    tpu.wait_indirect_dma semaphore(%arg20 : memref<!tpu.dma_semaphore, #tpu.memory_space<semaphore_mem>>) src(%arg12 : memref<125x64xf32, #tpu.memory_space<vmem>>) dst(%dma_wait3A_28 : memref<10000x64xf32, #tpu.memory_space<vmem_shared>>)
    %dma_wait3A_29 = arith.constant 0 : i32
    %dma_wait3A_30 = arith.constant 0 : i32
    %dma_wait3A_31 = tpu.memref_slice %arg9[%dma_wait3A_29, %dma_wait3A_30] : memref<80x125xi32, #tpu.memory_space<vmem>> -> memref<1x125xi32, #tpu.memory_space<vmem>>
    %dma_wait3A_32 = tpu.memref_squeeze %dma_wait3A_31 : memref<1x125xi32, #tpu.memory_space<vmem>> -> memref<125xi32, #tpu.memory_space<vmem>>
    %dma_wait3A_33 = arith.constant 0 : i32
    %dma_wait3A_34 = arith.constant 0 : i32
    %dma_wait3A_35 = tpu.memref_slice %arg22[%dma_wait3A_33, %dma_wait3A_34] : memref<10000x64xf32, #tpu.memory_space<vmem_shared>> -> memref<10000x64xf32, #tpu.memory_space<vmem_shared>>
    tpu.wait_indirect_dma semaphore(%arg21 : memref<!tpu.dma_semaphore, #tpu.memory_space<semaphore_mem>>) src(%arg13 : memref<125x64xf32, #tpu.memory_space<vmem>>) dst(%dma_wait3A_35 : memref<10000x64xf32, #tpu.memory_space<vmem_shared>>)
    %barrier3A_36 = arith.constant 0 : index
    tpu.barrier barrier_id(%barrier3A_36)
    "tpu.region"() ({
      %run_scoped3A_73 = tpu.sem_alloc : memref<!tpu.dma_semaphore, #tpu.memory_space<semaphore_mem>>
      %dma_start3A_74 = arith.constant 0 : i32
      %dma_start3A_75 = tpu.memref_slice %arg6[%arg0, %multiple_of3A, %dma_start3A_74] : memref<2x10000x64xf32, #tpu.memory_space<hbm>> -> memref<1x632x64xf32, #tpu.memory_space<hbm>>
      %dma_start3A_76 = tpu.memref_squeeze %dma_start3A_75 : memref<1x632x64xf32, #tpu.memory_space<hbm>> -> memref<632x64xf32, #tpu.memory_space<hbm>>
      %dma_start3A_77 = arith.constant 0 : i32
      %dma_start3A_78 = tpu.memref_slice %arg22[%multiple_of3A, %dma_start3A_77] : memref<10000x64xf32, #tpu.memory_space<vmem_shared>> -> memref<632x64xf32, #tpu.memory_space<vmem_shared>>
      tpu.enqueue_dma source(%dma_start3A_78 : memref<632x64xf32, #tpu.memory_space<vmem_shared>>) target(%dma_start3A_76 : memref<632x64xf32, #tpu.memory_space<hbm>>) target_semaphore(%run_scoped3A_73 : memref<!tpu.dma_semaphore, #tpu.memory_space<semaphore_mem>>)
      %dma_wait3A_79 = arith.constant 0 : i32
      %dma_wait3A_80 = tpu.memref_slice %arg6[%arg0, %multiple_of3A, %dma_wait3A_79] : memref<2x10000x64xf32, #tpu.memory_space<hbm>> -> memref<1x632x64xf32, #tpu.memory_space<hbm>>
      %dma_wait3A_81 = tpu.memref_squeeze %dma_wait3A_80 : memref<1x632x64xf32, #tpu.memory_space<hbm>> -> memref<632x64xf32, #tpu.memory_space<hbm>>
      %dma_wait3A_82 = arith.constant 0 : i32
      %dma_wait3A_83 = tpu.memref_slice %arg22[%multiple_of3A, %dma_wait3A_82] : memref<10000x64xf32, #tpu.memory_space<vmem_shared>> -> memref<632x64xf32, #tpu.memory_space<vmem_shared>>
      tpu.wait_dma2 semaphore(%run_scoped3A_73 : memref<!tpu.dma_semaphore, #tpu.memory_space<semaphore_mem>>) src(%dma_wait3A_83 : memref<632x64xf32, #tpu.memory_space<vmem_shared>>) dst(%dma_wait3A_81 : memref<632x64xf32, #tpu.memory_space<hbm>>)
      tpu.yield
    }) : () -> ()
    "tpu.region"() ({
      %run_scoped3A_73 = tpu.sem_alloc : memref<!tpu.dma_semaphore, #tpu.memory_space<semaphore_mem>>
      %dma_start3A_74 = arith.constant 0 : i32
      %dma_start3A_75 = tpu.memref_slice %arg22[%multiple_of3A, %dma_start3A_74] : memref<10000x64xf32, #tpu.memory_space<vmem_shared>> -> memref<632x64xf32, #tpu.memory_space<vmem_shared>>
      tpu.enqueue_dma source(%arg5 : memref<632x64xf32, #tpu.memory_space<hbm>>) target(%dma_start3A_75 : memref<632x64xf32, #tpu.memory_space<vmem_shared>>) target_semaphore(%run_scoped3A_73 : memref<!tpu.dma_semaphore, #tpu.memory_space<semaphore_mem>>)
      %dma_wait3A_76 = arith.constant 0 : i32
      %dma_wait3A_77 = tpu.memref_slice %arg22[%multiple_of3A, %dma_wait3A_76] : memref<10000x64xf32, #tpu.memory_space<vmem_shared>> -> memref<632x64xf32, #tpu.memory_space<vmem_shared>>
      tpu.wait_dma2 semaphore(%run_scoped3A_73 : memref<!tpu.dma_semaphore, #tpu.memory_space<semaphore_mem>>) src(%arg5 : memref<632x64xf32, #tpu.memory_space<hbm>>) dst(%dma_wait3A_77 : memref<632x64xf32, #tpu.memory_space<vmem_shared>>)
      tpu.yield
    }) : () -> ()
    %barrier3A_37 = arith.constant 0 : index
    tpu.barrier barrier_id(%barrier3A_37)
    %dma_start3A_38 = arith.constant 0 : i32
    %dma_start3A_39 = arith.constant 0 : i32
    %dma_start3A_40 = tpu.memref_slice %arg8[%dma_start3A_38, %dma_start3A_39] : memref<80x125xi32, #tpu.memory_space<vmem>> -> memref<1x125xi32, #tpu.memory_space<vmem>>
    %dma_start3A_41 = tpu.memref_squeeze %dma_start3A_40 : memref<1x125xi32, #tpu.memory_space<vmem>> -> memref<125xi32, #tpu.memory_space<vmem>>
    %dma_start3A_42 = arith.constant 0 : i32
    %dma_start3A_43 = arith.constant 0 : i32
    %dma_start3A_44 = tpu.memref_slice %arg3[%dma_start3A_42, %dma_start3A_43] : memref<10000x64xf32, #tpu.memory_space<hbm>> -> memref<10000x64xf32, #tpu.memory_space<hbm>>
    tpu.enqueue_indirect_dma source(%dma_start3A_44 : memref<10000x64xf32, #tpu.memory_space<hbm>>) target(%arg10 : memref<125x64xf32, #tpu.memory_space<vmem>>) offsets(%dma_start3A_41 : memref<125xi32, #tpu.memory_space<vmem>>) semaphore(%arg14 : memref<!tpu.dma_semaphore, #tpu.memory_space<semaphore_mem>>)
    %dma_start3A_45 = arith.constant 1 : i32
    %dma_start3A_46 = arith.constant 0 : i32
    %dma_start3A_47 = tpu.memref_slice %arg8[%dma_start3A_45, %dma_start3A_46] : memref<80x125xi32, #tpu.memory_space<vmem>> -> memref<1x125xi32, #tpu.memory_space<vmem>>
    %dma_start3A_48 = tpu.memref_squeeze %dma_start3A_47 : memref<1x125xi32, #tpu.memory_space<vmem>> -> memref<125xi32, #tpu.memory_space<vmem>>
    %dma_start3A_49 = arith.constant 0 : i32
    %dma_start3A_50 = arith.constant 0 : i32
    %dma_start3A_51 = tpu.memref_slice %arg3[%dma_start3A_49, %dma_start3A_50] : memref<10000x64xf32, #tpu.memory_space<hbm>> -> memref<10000x64xf32, #tpu.memory_space<hbm>>
    tpu.enqueue_indirect_dma source(%dma_start3A_51 : memref<10000x64xf32, #tpu.memory_space<hbm>>) target(%arg11 : memref<125x64xf32, #tpu.memory_space<vmem>>) offsets(%dma_start3A_48 : memref<125xi32, #tpu.memory_space<vmem>>) semaphore(%arg15 : memref<!tpu.dma_semaphore, #tpu.memory_space<semaphore_mem>>)
    %scan3A_52 = arith.constant 0 : i32
    %scan3A_53 = arith.constant 0 : i32
    %scan3A_54 = arith.constant 20 : i32
    %scan3A_55 = arith.addi %scan3A_53, %scan3A_54 : i32
    %scan3A_56 = arith.constant 1 : i32
    scf.for %scan3A_73 = %scan3A_53 to %scan3A_55 step %scan3A_56  : i32 {
      %mul3A_74 = arith.constant 4 : i32
      %mul3A_75 = arith.muli %mul3A_74, %scan3A_73 : i32
      %add3A_76 = arith.constant 0 : i32
      %add3A_77 = arith.addi %mul3A_75, %add3A_76 : i32
      %dma_wait3A_78 = arith.constant 0 : i32
      %dma_wait3A_79 = arith.constant 0 : i32
      %dma_wait3A_80 = tpu.memref_slice %arg8[%dma_wait3A_78, %dma_wait3A_79] : memref<80x125xi32, #tpu.memory_space<vmem>> -> memref<1x125xi32, #tpu.memory_space<vmem>>
      %dma_wait3A_81 = tpu.memref_squeeze %dma_wait3A_80 : memref<1x125xi32, #tpu.memory_space<vmem>> -> memref<125xi32, #tpu.memory_space<vmem>>
      %dma_wait3A_82 = arith.constant 0 : i32
      %dma_wait3A_83 = arith.constant 0 : i32
      %dma_wait3A_84 = tpu.memref_slice %arg3[%dma_wait3A_82, %dma_wait3A_83] : memref<10000x64xf32, #tpu.memory_space<hbm>> -> memref<10000x64xf32, #tpu.memory_space<hbm>>
      tpu.wait_indirect_dma semaphore(%arg14 : memref<!tpu.dma_semaphore, #tpu.memory_space<semaphore_mem>>) src(%dma_wait3A_84 : memref<10000x64xf32, #tpu.memory_space<hbm>>) dst(%arg10 : memref<125x64xf32, #tpu.memory_space<vmem>>)
      %dma_start3A_85 = arith.constant 0 : i32
      %dma_start3A_86 = tpu.memref_slice %arg9[%add3A_77, %dma_start3A_85] : memref<80x125xi32, #tpu.memory_space<vmem>> -> memref<1x125xi32, #tpu.memory_space<vmem>>
      %dma_start3A_87 = tpu.memref_squeeze %dma_start3A_86 : memref<1x125xi32, #tpu.memory_space<vmem>> -> memref<125xi32, #tpu.memory_space<vmem>>
      %dma_start3A_88 = arith.constant 0 : i32
      %dma_start3A_89 = arith.constant 0 : i32
      %dma_start3A_90 = tpu.memref_slice %arg22[%dma_start3A_88, %dma_start3A_89] : memref<10000x64xf32, #tpu.memory_space<vmem_shared>> -> memref<10000x64xf32, #tpu.memory_space<vmem_shared>>
      tpu.enqueue_indirect_dma source(%arg10 : memref<125x64xf32, #tpu.memory_space<vmem>>) target(%dma_start3A_90 : memref<10000x64xf32, #tpu.memory_space<vmem_shared>>) offsets(%dma_start3A_87 : memref<125xi32, #tpu.memory_space<vmem>>) semaphore(%arg18 : memref<!tpu.dma_semaphore, #tpu.memory_space<semaphore_mem>>) {add = true}
      %ge3A = arith.constant 2 : i32
      %ge3A_91 = arith.cmpi sge, %add3A_77, %ge3A : i32
      %convert_element_type3A = arith.extui %ge3A_91 : i1 to i32
      %cond3A = arith.constant 0 : i32
      %cond3A_92 = arith.cmpi ne, %convert_element_type3A, %cond3A : i32
      scf.if %cond3A_92 {
        %dma_wait3A_186 = arith.constant 0 : i32
        %dma_wait3A_187 = arith.constant 0 : i32
        %dma_wait3A_188 = tpu.memref_slice %arg9[%dma_wait3A_186, %dma_wait3A_187] : memref<80x125xi32, #tpu.memory_space<vmem>> -> memref<1x125xi32, #tpu.memory_space<vmem>>
        %dma_wait3A_189 = tpu.memref_squeeze %dma_wait3A_188 : memref<1x125xi32, #tpu.memory_space<vmem>> -> memref<125xi32, #tpu.memory_space<vmem>>
        %dma_wait3A_190 = arith.constant 0 : i32
        %dma_wait3A_191 = arith.constant 0 : i32
        %dma_wait3A_192 = tpu.memref_slice %arg22[%dma_wait3A_190, %dma_wait3A_191] : memref<10000x64xf32, #tpu.memory_space<vmem_shared>> -> memref<10000x64xf32, #tpu.memory_space<vmem_shared>>
        tpu.wait_indirect_dma semaphore(%arg20 : memref<!tpu.dma_semaphore, #tpu.memory_space<semaphore_mem>>) src(%arg12 : memref<125x64xf32, #tpu.memory_space<vmem>>) dst(%dma_wait3A_192 : memref<10000x64xf32, #tpu.memory_space<vmem_shared>>)
      } else {
      }
      %add3A_93 = arith.constant 2 : i32
      %add3A_94 = arith.addi %add3A_77, %add3A_93 : i32
      %lt3A = arith.constant 80 : i32
      %lt3A_95 = arith.cmpi slt, %add3A_94, %lt3A : i32
      %convert_element_type3A_96 = arith.extui %lt3A_95 : i1 to i32
      %cond3A_97 = arith.constant 0 : i32
      %cond3A_98 = arith.cmpi ne, %convert_element_type3A_96, %cond3A_97 : i32
      scf.if %cond3A_98 {
        %add3A_186 = arith.constant 2 : i32
        %add3A_187 = arith.addi %add3A_77, %add3A_186 : i32
        %dma_start3A_188 = arith.constant 0 : i32
        %dma_start3A_189 = tpu.memref_slice %arg8[%add3A_187, %dma_start3A_188] : memref<80x125xi32, #tpu.memory_space<vmem>> -> memref<1x125xi32, #tpu.memory_space<vmem>>
        %dma_start3A_190 = tpu.memref_squeeze %dma_start3A_189 : memref<1x125xi32, #tpu.memory_space<vmem>> -> memref<125xi32, #tpu.memory_space<vmem>>
        %dma_start3A_191 = arith.constant 0 : i32
        %dma_start3A_192 = arith.constant 0 : i32
        %dma_start3A_193 = tpu.memref_slice %arg3[%dma_start3A_191, %dma_start3A_192] : memref<10000x64xf32, #tpu.memory_space<hbm>> -> memref<10000x64xf32, #tpu.memory_space<hbm>>
        tpu.enqueue_indirect_dma source(%dma_start3A_193 : memref<10000x64xf32, #tpu.memory_space<hbm>>) target(%arg12 : memref<125x64xf32, #tpu.memory_space<vmem>>) offsets(%dma_start3A_190 : memref<125xi32, #tpu.memory_space<vmem>>) semaphore(%arg16 : memref<!tpu.dma_semaphore, #tpu.memory_space<semaphore_mem>>)
      } else {
      }
      %mul3A_99 = arith.constant 4 : i32
      %mul3A_100 = arith.muli %mul3A_99, %scan3A_73 : i32
      %add3A_101 = arith.constant 1 : i32
      %add3A_102 = arith.addi %mul3A_100, %add3A_101 : i32
      %dma_wait3A_103 = arith.constant 0 : i32
      %dma_wait3A_104 = arith.constant 0 : i32
      %dma_wait3A_105 = tpu.memref_slice %arg8[%dma_wait3A_103, %dma_wait3A_104] : memref<80x125xi32, #tpu.memory_space<vmem>> -> memref<1x125xi32, #tpu.memory_space<vmem>>
      %dma_wait3A_106 = tpu.memref_squeeze %dma_wait3A_105 : memref<1x125xi32, #tpu.memory_space<vmem>> -> memref<125xi32, #tpu.memory_space<vmem>>
      %dma_wait3A_107 = arith.constant 0 : i32
      %dma_wait3A_108 = arith.constant 0 : i32
      %dma_wait3A_109 = tpu.memref_slice %arg3[%dma_wait3A_107, %dma_wait3A_108] : memref<10000x64xf32, #tpu.memory_space<hbm>> -> memref<10000x64xf32, #tpu.memory_space<hbm>>
      tpu.wait_indirect_dma semaphore(%arg15 : memref<!tpu.dma_semaphore, #tpu.memory_space<semaphore_mem>>) src(%dma_wait3A_109 : memref<10000x64xf32, #tpu.memory_space<hbm>>) dst(%arg11 : memref<125x64xf32, #tpu.memory_space<vmem>>)
      %dma_start3A_110 = arith.constant 0 : i32
      %dma_start3A_111 = tpu.memref_slice %arg9[%add3A_102, %dma_start3A_110] : memref<80x125xi32, #tpu.memory_space<vmem>> -> memref<1x125xi32, #tpu.memory_space<vmem>>
      %dma_start3A_112 = tpu.memref_squeeze %dma_start3A_111 : memref<1x125xi32, #tpu.memory_space<vmem>> -> memref<125xi32, #tpu.memory_space<vmem>>
      %dma_start3A_113 = arith.constant 0 : i32
      %dma_start3A_114 = arith.constant 0 : i32
      %dma_start3A_115 = tpu.memref_slice %arg22[%dma_start3A_113, %dma_start3A_114] : memref<10000x64xf32, #tpu.memory_space<vmem_shared>> -> memref<10000x64xf32, #tpu.memory_space<vmem_shared>>
      tpu.enqueue_indirect_dma source(%arg11 : memref<125x64xf32, #tpu.memory_space<vmem>>) target(%dma_start3A_115 : memref<10000x64xf32, #tpu.memory_space<vmem_shared>>) offsets(%dma_start3A_112 : memref<125xi32, #tpu.memory_space<vmem>>) semaphore(%arg19 : memref<!tpu.dma_semaphore, #tpu.memory_space<semaphore_mem>>) {add = true}
      %ge3A_116 = arith.constant 2 : i32
      %ge3A_117 = arith.cmpi sge, %add3A_102, %ge3A_116 : i32
      %convert_element_type3A_118 = arith.extui %ge3A_117 : i1 to i32
      %cond3A_119 = arith.constant 0 : i32
      %cond3A_120 = arith.cmpi ne, %convert_element_type3A_118, %cond3A_119 : i32
      scf.if %cond3A_120 {
        %dma_wait3A_186 = arith.constant 0 : i32
        %dma_wait3A_187 = arith.constant 0 : i32
        %dma_wait3A_188 = tpu.memref_slice %arg9[%dma_wait3A_186, %dma_wait3A_187] : memref<80x125xi32, #tpu.memory_space<vmem>> -> memref<1x125xi32, #tpu.memory_space<vmem>>
        %dma_wait3A_189 = tpu.memref_squeeze %dma_wait3A_188 : memref<1x125xi32, #tpu.memory_space<vmem>> -> memref<125xi32, #tpu.memory_space<vmem>>
        %dma_wait3A_190 = arith.constant 0 : i32
        %dma_wait3A_191 = arith.constant 0 : i32
        %dma_wait3A_192 = tpu.memref_slice %arg22[%dma_wait3A_190, %dma_wait3A_191] : memref<10000x64xf32, #tpu.memory_space<vmem_shared>> -> memref<10000x64xf32, #tpu.memory_space<vmem_shared>>
        tpu.wait_indirect_dma semaphore(%arg21 : memref<!tpu.dma_semaphore, #tpu.memory_space<semaphore_mem>>) src(%arg13 : memref<125x64xf32, #tpu.memory_space<vmem>>) dst(%dma_wait3A_192 : memref<10000x64xf32, #tpu.memory_space<vmem_shared>>)
      } else {
      }
      %add3A_121 = arith.constant 2 : i32
      %add3A_122 = arith.addi %add3A_102, %add3A_121 : i32
      %lt3A_123 = arith.constant 80 : i32
      %lt3A_124 = arith.cmpi slt, %add3A_122, %lt3A_123 : i32
      %convert_element_type3A_125 = arith.extui %lt3A_124 : i1 to i32
      %cond3A_126 = arith.constant 0 : i32
      %cond3A_127 = arith.cmpi ne, %convert_element_type3A_125, %cond3A_126 : i32
      scf.if %cond3A_127 {
        %add3A_186 = arith.constant 2 : i32
        %add3A_187 = arith.addi %add3A_102, %add3A_186 : i32
        %dma_start3A_188 = arith.constant 0 : i32
        %dma_start3A_189 = tpu.memref_slice %arg8[%add3A_187, %dma_start3A_188] : memref<80x125xi32, #tpu.memory_space<vmem>> -> memref<1x125xi32, #tpu.memory_space<vmem>>
        %dma_start3A_190 = tpu.memref_squeeze %dma_start3A_189 : memref<1x125xi32, #tpu.memory_space<vmem>> -> memref<125xi32, #tpu.memory_space<vmem>>
        %dma_start3A_191 = arith.constant 0 : i32
        %dma_start3A_192 = arith.constant 0 : i32
        %dma_start3A_193 = tpu.memref_slice %arg3[%dma_start3A_191, %dma_start3A_192] : memref<10000x64xf32, #tpu.memory_space<hbm>> -> memref<10000x64xf32, #tpu.memory_space<hbm>>
        tpu.enqueue_indirect_dma source(%dma_start3A_193 : memref<10000x64xf32, #tpu.memory_space<hbm>>) target(%arg13 : memref<125x64xf32, #tpu.memory_space<vmem>>) offsets(%dma_start3A_190 : memref<125xi32, #tpu.memory_space<vmem>>) semaphore(%arg17 : memref<!tpu.dma_semaphore, #tpu.memory_space<semaphore_mem>>)
      } else {
      }
      %mul3A_128 = arith.constant 4 : i32
      %mul3A_129 = arith.muli %mul3A_128, %scan3A_73 : i32
      %add3A_130 = arith.constant 2 : i32
      %add3A_131 = arith.addi %mul3A_129, %add3A_130 : i32
      %dma_wait3A_132 = arith.constant 0 : i32
      %dma_wait3A_133 = arith.constant 0 : i32
      %dma_wait3A_134 = tpu.memref_slice %arg8[%dma_wait3A_132, %dma_wait3A_133] : memref<80x125xi32, #tpu.memory_space<vmem>> -> memref<1x125xi32, #tpu.memory_space<vmem>>
      %dma_wait3A_135 = tpu.memref_squeeze %dma_wait3A_134 : memref<1x125xi32, #tpu.memory_space<vmem>> -> memref<125xi32, #tpu.memory_space<vmem>>
      %dma_wait3A_136 = arith.constant 0 : i32
      %dma_wait3A_137 = arith.constant 0 : i32
      %dma_wait3A_138 = tpu.memref_slice %arg3[%dma_wait3A_136, %dma_wait3A_137] : memref<10000x64xf32, #tpu.memory_space<hbm>> -> memref<10000x64xf32, #tpu.memory_space<hbm>>
      tpu.wait_indirect_dma semaphore(%arg16 : memref<!tpu.dma_semaphore, #tpu.memory_space<semaphore_mem>>) src(%dma_wait3A_138 : memref<10000x64xf32, #tpu.memory_space<hbm>>) dst(%arg12 : memref<125x64xf32, #tpu.memory_space<vmem>>)
      %dma_start3A_139 = arith.constant 0 : i32
      %dma_start3A_140 = tpu.memref_slice %arg9[%add3A_131, %dma_start3A_139] : memref<80x125xi32, #tpu.memory_space<vmem>> -> memref<1x125xi32, #tpu.memory_space<vmem>>
      %dma_start3A_141 = tpu.memref_squeeze %dma_start3A_140 : memref<1x125xi32, #tpu.memory_space<vmem>> -> memref<125xi32, #tpu.memory_space<vmem>>
      %dma_start3A_142 = arith.constant 0 : i32
      %dma_start3A_143 = arith.constant 0 : i32
      %dma_start3A_144 = tpu.memref_slice %arg22[%dma_start3A_142, %dma_start3A_143] : memref<10000x64xf32, #tpu.memory_space<vmem_shared>> -> memref<10000x64xf32, #tpu.memory_space<vmem_shared>>
      tpu.enqueue_indirect_dma source(%arg12 : memref<125x64xf32, #tpu.memory_space<vmem>>) target(%dma_start3A_144 : memref<10000x64xf32, #tpu.memory_space<vmem_shared>>) offsets(%dma_start3A_141 : memref<125xi32, #tpu.memory_space<vmem>>) semaphore(%arg20 : memref<!tpu.dma_semaphore, #tpu.memory_space<semaphore_mem>>) {add = true}
      %ge3A_145 = arith.constant 2 : i32
      %ge3A_146 = arith.cmpi sge, %add3A_131, %ge3A_145 : i32
      %convert_element_type3A_147 = arith.extui %ge3A_146 : i1 to i32
      %cond3A_148 = arith.constant 0 : i32
      %cond3A_149 = arith.cmpi ne, %convert_element_type3A_147, %cond3A_148 : i32
      scf.if %cond3A_149 {
        %dma_wait3A_186 = arith.constant 0 : i32
        %dma_wait3A_187 = arith.constant 0 : i32
        %dma_wait3A_188 = tpu.memref_slice %arg9[%dma_wait3A_186, %dma_wait3A_187] : memref<80x125xi32, #tpu.memory_space<vmem>> -> memref<1x125xi32, #tpu.memory_space<vmem>>
        %dma_wait3A_189 = tpu.memref_squeeze %dma_wait3A_188 : memref<1x125xi32, #tpu.memory_space<vmem>> -> memref<125xi32, #tpu.memory_space<vmem>>
        %dma_wait3A_190 = arith.constant 0 : i32
        %dma_wait3A_191 = arith.constant 0 : i32
        %dma_wait3A_192 = tpu.memref_slice %arg22[%dma_wait3A_190, %dma_wait3A_191] : memref<10000x64xf32, #tpu.memory_space<vmem_shared>> -> memref<10000x64xf32, #tpu.memory_space<vmem_shared>>
        tpu.wait_indirect_dma semaphore(%arg18 : memref<!tpu.dma_semaphore, #tpu.memory_space<semaphore_mem>>) src(%arg10 : memref<125x64xf32, #tpu.memory_space<vmem>>) dst(%dma_wait3A_192 : memref<10000x64xf32, #tpu.memory_space<vmem_shared>>)
      } else {
      }
      %add3A_150 = arith.constant 2 : i32
      %add3A_151 = arith.addi %add3A_131, %add3A_150 : i32
      %lt3A_152 = arith.constant 80 : i32
      %lt3A_153 = arith.cmpi slt, %add3A_151, %lt3A_152 : i32
      %convert_element_type3A_154 = arith.extui %lt3A_153 : i1 to i32
      %cond3A_155 = arith.constant 0 : i32
      %cond3A_156 = arith.cmpi ne, %convert_element_type3A_154, %cond3A_155 : i32
      scf.if %cond3A_156 {
        %add3A_186 = arith.constant 2 : i32
        %add3A_187 = arith.addi %add3A_131, %add3A_186 : i32
        %dma_start3A_188 = arith.constant 0 : i32
        %dma_start3A_189 = tpu.memref_slice %arg8[%add3A_187, %dma_start3A_188] : memref<80x125xi32, #tpu.memory_space<vmem>> -> memref<1x125xi32, #tpu.memory_space<vmem>>
        %dma_start3A_190 = tpu.memref_squeeze %dma_start3A_189 : memref<1x125xi32, #tpu.memory_space<vmem>> -> memref<125xi32, #tpu.memory_space<vmem>>
        %dma_start3A_191 = arith.constant 0 : i32
        %dma_start3A_192 = arith.constant 0 : i32
        %dma_start3A_193 = tpu.memref_slice %arg3[%dma_start3A_191, %dma_start3A_192] : memref<10000x64xf32, #tpu.memory_space<hbm>> -> memref<10000x64xf32, #tpu.memory_space<hbm>>
        tpu.enqueue_indirect_dma source(%dma_start3A_193 : memref<10000x64xf32, #tpu.memory_space<hbm>>) target(%arg10 : memref<125x64xf32, #tpu.memory_space<vmem>>) offsets(%dma_start3A_190 : memref<125xi32, #tpu.memory_space<vmem>>) semaphore(%arg14 : memref<!tpu.dma_semaphore, #tpu.memory_space<semaphore_mem>>)
      } else {
      }
      %mul3A_157 = arith.constant 4 : i32
      %mul3A_158 = arith.muli %mul3A_157, %scan3A_73 : i32
      %add3A_159 = arith.constant 3 : i32
      %add3A_160 = arith.addi %mul3A_158, %add3A_159 : i32
      %dma_wait3A_161 = arith.constant 0 : i32
      %dma_wait3A_162 = arith.constant 0 : i32
      %dma_wait3A_163 = tpu.memref_slice %arg8[%dma_wait3A_161, %dma_wait3A_162] : memref<80x125xi32, #tpu.memory_space<vmem>> -> memref<1x125xi32, #tpu.memory_space<vmem>>
      %dma_wait3A_164 = tpu.memref_squeeze %dma_wait3A_163 : memref<1x125xi32, #tpu.memory_space<vmem>> -> memref<125xi32, #tpu.memory_space<vmem>>
      %dma_wait3A_165 = arith.constant 0 : i32
      %dma_wait3A_166 = arith.constant 0 : i32
      %dma_wait3A_167 = tpu.memref_slice %arg3[%dma_wait3A_165, %dma_wait3A_166] : memref<10000x64xf32, #tpu.memory_space<hbm>> -> memref<10000x64xf32, #tpu.memory_space<hbm>>
      tpu.wait_indirect_dma semaphore(%arg17 : memref<!tpu.dma_semaphore, #tpu.memory_space<semaphore_mem>>) src(%dma_wait3A_167 : memref<10000x64xf32, #tpu.memory_space<hbm>>) dst(%arg13 : memref<125x64xf32, #tpu.memory_space<vmem>>)
      %dma_start3A_168 = arith.constant 0 : i32
      %dma_start3A_169 = tpu.memref_slice %arg9[%add3A_160, %dma_start3A_168] : memref<80x125xi32, #tpu.memory_space<vmem>> -> memref<1x125xi32, #tpu.memory_space<vmem>>
      %dma_start3A_170 = tpu.memref_squeeze %dma_start3A_169 : memref<1x125xi32, #tpu.memory_space<vmem>> -> memref<125xi32, #tpu.memory_space<vmem>>
      %dma_start3A_171 = arith.constant 0 : i32
      %dma_start3A_172 = arith.constant 0 : i32
      %dma_start3A_173 = tpu.memref_slice %arg22[%dma_start3A_171, %dma_start3A_172] : memref<10000x64xf32, #tpu.memory_space<vmem_shared>> -> memref<10000x64xf32, #tpu.memory_space<vmem_shared>>
      tpu.enqueue_indirect_dma source(%arg13 : memref<125x64xf32, #tpu.memory_space<vmem>>) target(%dma_start3A_173 : memref<10000x64xf32, #tpu.memory_space<vmem_shared>>) offsets(%dma_start3A_170 : memref<125xi32, #tpu.memory_space<vmem>>) semaphore(%arg21 : memref<!tpu.dma_semaphore, #tpu.memory_space<semaphore_mem>>) {add = true}
      %ge3A_174 = arith.constant 2 : i32
      %ge3A_175 = arith.cmpi sge, %add3A_160, %ge3A_174 : i32
      %convert_element_type3A_176 = arith.extui %ge3A_175 : i1 to i32
      %cond3A_177 = arith.constant 0 : i32
      %cond3A_178 = arith.cmpi ne, %convert_element_type3A_176, %cond3A_177 : i32
      scf.if %cond3A_178 {
        %dma_wait3A_186 = arith.constant 0 : i32
        %dma_wait3A_187 = arith.constant 0 : i32
        %dma_wait3A_188 = tpu.memref_slice %arg9[%dma_wait3A_186, %dma_wait3A_187] : memref<80x125xi32, #tpu.memory_space<vmem>> -> memref<1x125xi32, #tpu.memory_space<vmem>>
        %dma_wait3A_189 = tpu.memref_squeeze %dma_wait3A_188 : memref<1x125xi32, #tpu.memory_space<vmem>> -> memref<125xi32, #tpu.memory_space<vmem>>
        %dma_wait3A_190 = arith.constant 0 : i32
        %dma_wait3A_191 = arith.constant 0 : i32
        %dma_wait3A_192 = tpu.memref_slice %arg22[%dma_wait3A_190, %dma_wait3A_191] : memref<10000x64xf32, #tpu.memory_space<vmem_shared>> -> memref<10000x64xf32, #tpu.memory_space<vmem_shared>>
        tpu.wait_indirect_dma semaphore(%arg19 : memref<!tpu.dma_semaphore, #tpu.memory_space<semaphore_mem>>) src(%arg11 : memref<125x64xf32, #tpu.memory_space<vmem>>) dst(%dma_wait3A_192 : memref<10000x64xf32, #tpu.memory_space<vmem_shared>>)
      } else {
      }
      %add3A_179 = arith.constant 2 : i32
      %add3A_180 = arith.addi %add3A_160, %add3A_179 : i32
      %lt3A_181 = arith.constant 80 : i32
      %lt3A_182 = arith.cmpi slt, %add3A_180, %lt3A_181 : i32
      %convert_element_type3A_183 = arith.extui %lt3A_182 : i1 to i32
      %cond3A_184 = arith.constant 0 : i32
      %cond3A_185 = arith.cmpi ne, %convert_element_type3A_183, %cond3A_184 : i32
      scf.if %cond3A_185 {
        %add3A_186 = arith.constant 2 : i32
        %add3A_187 = arith.addi %add3A_160, %add3A_186 : i32
        %dma_start3A_188 = arith.constant 0 : i32
        %dma_start3A_189 = tpu.memref_slice %arg8[%add3A_187, %dma_start3A_188] : memref<80x125xi32, #tpu.memory_space<vmem>> -> memref<1x125xi32, #tpu.memory_space<vmem>>
        %dma_start3A_190 = tpu.memref_squeeze %dma_start3A_189 : memref<1x125xi32, #tpu.memory_space<vmem>> -> memref<125xi32, #tpu.memory_space<vmem>>
        %dma_start3A_191 = arith.constant 0 : i32
        %dma_start3A_192 = arith.constant 0 : i32
        %dma_start3A_193 = tpu.memref_slice %arg3[%dma_start3A_191, %dma_start3A_192] : memref<10000x64xf32, #tpu.memory_space<hbm>> -> memref<10000x64xf32, #tpu.memory_space<hbm>>
        tpu.enqueue_indirect_dma source(%dma_start3A_193 : memref<10000x64xf32, #tpu.memory_space<hbm>>) target(%arg11 : memref<125x64xf32, #tpu.memory_space<vmem>>) offsets(%dma_start3A_190 : memref<125xi32, #tpu.memory_space<vmem>>) semaphore(%arg15 : memref<!tpu.dma_semaphore, #tpu.memory_space<semaphore_mem>>)
      } else {
      }
    }
    %scan3A_57 = arith.constant 20 : i32
    %dma_wait3A_58 = arith.constant 0 : i32
    %dma_wait3A_59 = arith.constant 0 : i32
    %dma_wait3A_60 = tpu.memref_slice %arg9[%dma_wait3A_58, %dma_wait3A_59] : memref<80x125xi32, #tpu.memory_space<vmem>> -> memref<1x125xi32, #tpu.memory_space<vmem>>
    %dma_wait3A_61 = tpu.memref_squeeze %dma_wait3A_60 : memref<1x125xi32, #tpu.memory_space<vmem>> -> memref<125xi32, #tpu.memory_space<vmem>>
    %dma_wait3A_62 = arith.constant 0 : i32
    %dma_wait3A_63 = arith.constant 0 : i32
    %dma_wait3A_64 = tpu.memref_slice %arg22[%dma_wait3A_62, %dma_wait3A_63] : memref<10000x64xf32, #tpu.memory_space<vmem_shared>> -> memref<10000x64xf32, #tpu.memory_space<vmem_shared>>
    tpu.wait_indirect_dma semaphore(%arg20 : memref<!tpu.dma_semaphore, #tpu.memory_space<semaphore_mem>>) src(%arg12 : memref<125x64xf32, #tpu.memory_space<vmem>>) dst(%dma_wait3A_64 : memref<10000x64xf32, #tpu.memory_space<vmem_shared>>)
    %dma_wait3A_65 = arith.constant 0 : i32
    %dma_wait3A_66 = arith.constant 0 : i32
    %dma_wait3A_67 = tpu.memref_slice %arg9[%dma_wait3A_65, %dma_wait3A_66] : memref<80x125xi32, #tpu.memory_space<vmem>> -> memref<1x125xi32, #tpu.memory_space<vmem>>
    %dma_wait3A_68 = tpu.memref_squeeze %dma_wait3A_67 : memref<1x125xi32, #tpu.memory_space<vmem>> -> memref<125xi32, #tpu.memory_space<vmem>>
    %dma_wait3A_69 = arith.constant 0 : i32
    %dma_wait3A_70 = arith.constant 0 : i32
    %dma_wait3A_71 = tpu.memref_slice %arg22[%dma_wait3A_69, %dma_wait3A_70] : memref<10000x64xf32, #tpu.memory_space<vmem_shared>> -> memref<10000x64xf32, #tpu.memory_space<vmem_shared>>
    tpu.wait_indirect_dma semaphore(%arg21 : memref<!tpu.dma_semaphore, #tpu.memory_space<semaphore_mem>>) src(%arg13 : memref<125x64xf32, #tpu.memory_space<vmem>>) dst(%dma_wait3A_71 : memref<10000x64xf32, #tpu.memory_space<vmem_shared>>)
    %barrier3A_72 = arith.constant 0 : index
    tpu.barrier barrier_id(%barrier3A_72)
    "tpu.region"() ({
      %run_scoped3A_73 = tpu.sem_alloc : memref<!tpu.dma_semaphore, #tpu.memory_space<semaphore_mem>>
      %dma_start3A_74 = arith.constant 0 : i32
      %dma_start3A_75 = tpu.memref_slice %arg7[%arg0, %multiple_of3A, %dma_start3A_74] : memref<2x10000x64xf32, #tpu.memory_space<hbm>> -> memref<1x632x64xf32, #tpu.memory_space<hbm>>
      %dma_start3A_76 = tpu.memref_squeeze %dma_start3A_75 : memref<1x632x64xf32, #tpu.memory_space<hbm>> -> memref<632x64xf32, #tpu.memory_space<hbm>>
      %dma_start3A_77 = arith.constant 0 : i32
      %dma_start3A_78 = tpu.memref_slice %arg22[%multiple_of3A, %dma_start3A_77] : memref<10000x64xf32, #tpu.memory_space<vmem_shared>> -> memref<632x64xf32, #tpu.memory_space<vmem_shared>>
      tpu.enqueue_dma source(%dma_start3A_78 : memref<632x64xf32, #tpu.memory_space<vmem_shared>>) target(%dma_start3A_76 : memref<632x64xf32, #tpu.memory_space<hbm>>) target_semaphore(%run_scoped3A_73 : memref<!tpu.dma_semaphore, #tpu.memory_space<semaphore_mem>>)
      %dma_wait3A_79 = arith.constant 0 : i32
      %dma_wait3A_80 = tpu.memref_slice %arg7[%arg0, %multiple_of3A, %dma_wait3A_79] : memref<2x10000x64xf32, #tpu.memory_space<hbm>> -> memref<1x632x64xf32, #tpu.memory_space<hbm>>
      %dma_wait3A_81 = tpu.memref_squeeze %dma_wait3A_80 : memref<1x632x64xf32, #tpu.memory_space<hbm>> -> memref<632x64xf32, #tpu.memory_space<hbm>>
      %dma_wait3A_82 = arith.constant 0 : i32
      %dma_wait3A_83 = tpu.memref_slice %arg22[%multiple_of3A, %dma_wait3A_82] : memref<10000x64xf32, #tpu.memory_space<vmem_shared>> -> memref<632x64xf32, #tpu.memory_space<vmem_shared>>
      tpu.wait_dma2 semaphore(%run_scoped3A_73 : memref<!tpu.dma_semaphore, #tpu.memory_space<semaphore_mem>>) src(%dma_wait3A_83 : memref<632x64xf32, #tpu.memory_space<vmem_shared>>) dst(%dma_wait3A_81 : memref<632x64xf32, #tpu.memory_space<hbm>>)
      tpu.yield
    }) : () -> ()
    return
  }
}

#map = affine_map<(d0, d1) -> (0, 0, 0, 0)>
#map1 = affine_map<(d0, d1) -> (0, 0)>
#map2 = affine_map<(d0, d1) -> (0, 0, 0)>
module attributes {stable_mosaic.version = 14 : i64} {
  func.func @deg_kernel(%arg0: i32, %arg1: i32, %arg2: memref<2x32x80x125xi32, #tpu.memory_space<hbm>>, %arg3: memref<632x16xf32, #tpu.memory_space<hbm>>, %arg4: memref<2x10000x16xf32, #tpu.memory_space<hbm>>, %arg5: memref<80x125xi32, #tpu.memory_space<vmem>>, %arg6: memref<125x16xf32, #tpu.memory_space<vmem>>, %arg7: memref<10000x16xf32, #tpu.memory_space<vmem_shared>>, %arg8: memref<!tpu.dma_semaphore, #tpu.memory_space<semaphore_mem>>) attributes {dimension_semantics = [#tpu.dimension_semantics<core_parallel>, #tpu.dimension_semantics<subcore_parallel>], iteration_bounds = array<i64: 2, 16>, scalar_prefetch = 0 : i64, scratch_operands = 4 : i64, tpu.core_type = #tpu.core_type<sc_vector_subcore>, window_params = [{transform_indices = #map}, {transform_indices = #map1}, {transform_indices = #map2}]} {
    %mul3A = arith.constant 2 : i32
    %mul3A_0 = arith.muli %arg1, %mul3A : i32
    %add3A = arith.addi %mul3A_0, %arg0 : i32
    %mul3A_1 = arith.constant 632 : i32
    %mul3A_2 = arith.muli %arg1, %mul3A_1 : i32
    %min3A = arith.constant 9368 : i32
    %min3A_3 = arith.minsi %mul3A_2, %min3A : i32
    %multiple_of3A = tpu.assume_multiple %min3A_3, 8 : i32
    %run_scoped3A = arith.constant 1 : i32
    "tpu.region"() ({
      %run_scoped3A_22 = tpu.sem_alloc : memref<!tpu.dma_semaphore, #tpu.memory_space<semaphore_mem>>
      %dma_start3A = arith.constant 0 : i32
      %dma_start3A_23 = arith.constant 0 : i32
      %dma_start3A_24 = tpu.memref_slice %arg2[%run_scoped3A, %add3A, %dma_start3A, %dma_start3A_23] : memref<2x32x80x125xi32, #tpu.memory_space<hbm>> -> memref<1x1x80x125xi32, #tpu.memory_space<hbm>>
      %dma_start3A_25 = tpu.memref_squeeze %dma_start3A_24 : memref<1x1x80x125xi32, #tpu.memory_space<hbm>> -> memref<80x125xi32, #tpu.memory_space<hbm>>
      %dma_start3A_26 = arith.constant 0 : i32
      %dma_start3A_27 = arith.constant 0 : i32
      %dma_start3A_28 = tpu.memref_slice %arg2[%run_scoped3A, %add3A, %dma_start3A_26, %dma_start3A_27] : memref<2x32x80x125xi32, #tpu.memory_space<hbm>> -> memref<1x1x80x125xi32, #tpu.memory_space<hbm>>
      %dma_start3A_29 = tpu.memref_squeeze %dma_start3A_28 : memref<1x1x80x125xi32, #tpu.memory_space<hbm>> -> memref<80x125xi32, #tpu.memory_space<hbm>>
      tpu.enqueue_dma source(%dma_start3A_29 : memref<80x125xi32, #tpu.memory_space<hbm>>) target(%arg5 : memref<80x125xi32, #tpu.memory_space<vmem>>) target_semaphore(%run_scoped3A_22 : memref<!tpu.dma_semaphore, #tpu.memory_space<semaphore_mem>>)
      %dma_wait3A = arith.constant 0 : i32
      %dma_wait3A_30 = arith.constant 0 : i32
      %dma_wait3A_31 = tpu.memref_slice %arg2[%run_scoped3A, %add3A, %dma_wait3A, %dma_wait3A_30] : memref<2x32x80x125xi32, #tpu.memory_space<hbm>> -> memref<1x1x80x125xi32, #tpu.memory_space<hbm>>
      %dma_wait3A_32 = tpu.memref_squeeze %dma_wait3A_31 : memref<1x1x80x125xi32, #tpu.memory_space<hbm>> -> memref<80x125xi32, #tpu.memory_space<hbm>>
      %dma_wait3A_33 = arith.constant 0 : i32
      %dma_wait3A_34 = arith.constant 0 : i32
      %dma_wait3A_35 = tpu.memref_slice %arg2[%run_scoped3A, %add3A, %dma_wait3A_33, %dma_wait3A_34] : memref<2x32x80x125xi32, #tpu.memory_space<hbm>> -> memref<1x1x80x125xi32, #tpu.memory_space<hbm>>
      %dma_wait3A_36 = tpu.memref_squeeze %dma_wait3A_35 : memref<1x1x80x125xi32, #tpu.memory_space<hbm>> -> memref<80x125xi32, #tpu.memory_space<hbm>>
      tpu.wait_dma2 semaphore(%run_scoped3A_22 : memref<!tpu.dma_semaphore, #tpu.memory_space<semaphore_mem>>) src(%dma_wait3A_36 : memref<80x125xi32, #tpu.memory_space<hbm>>) dst(%arg5 : memref<80x125xi32, #tpu.memory_space<vmem>>)
      tpu.yield
    }) : () -> ()
    %scan3A = arith.constant 0 : i32
    %scan3A_4 = arith.constant 0 : i32
    %scan3A_5 = arith.constant 125 : i32
    %scan3A_6 = arith.addi %scan3A_4, %scan3A_5 : i32
    %scan3A_7 = arith.constant 1 : i32
    scf.for %scan3A_22 = %scan3A_4 to %scan3A_6 step %scan3A_7  : i32 {
      %broadcast_in_dim3A = arith.constant 1.000000e+00 : f32
      %broadcast_in_dim3A_23 = vector.broadcast %broadcast_in_dim3A : f32 to vector<16xf32>
      %swap3A = arith.index_cast %scan3A_22 : i32 to index
      %swap3A_24 = arith.constant 0 : index
      %swap3A_25 = tpu.vector_load %arg6[%swap3A, %swap3A_24] {strides = array<i32>} : memref<125x16xf32, #tpu.memory_space<vmem>>, vector<1x16xf32>,
      %swap3A_26 = vector.shape_cast %swap3A_25 : vector<1x16xf32> to vector<16xf32>
      %swap3A_27 = vector.shape_cast %broadcast_in_dim3A_23 : vector<16xf32> to vector<1x16xf32>
      tpu.vector_store %arg6[%swap3A, %swap3A_24], %swap3A_27 {strides = array<i32>} : memref<125x16xf32, #tpu.memory_space<vmem>>, vector<1x16xf32>,
    }
    %scan3A_8 = arith.constant 125 : i32
    "tpu.region"() ({
      %run_scoped3A_22 = tpu.sem_alloc : memref<!tpu.dma_semaphore, #tpu.memory_space<semaphore_mem>>
      %dma_start3A = arith.constant 0 : i32
      %dma_start3A_23 = tpu.memref_slice %arg7[%multiple_of3A, %dma_start3A] : memref<10000x16xf32, #tpu.memory_space<vmem_shared>> -> memref<632x16xf32, #tpu.memory_space<vmem_shared>>
      tpu.enqueue_dma source(%arg3 : memref<632x16xf32, #tpu.memory_space<hbm>>) target(%dma_start3A_23 : memref<632x16xf32, #tpu.memory_space<vmem_shared>>) target_semaphore(%run_scoped3A_22 : memref<!tpu.dma_semaphore, #tpu.memory_space<semaphore_mem>>)
      %dma_wait3A = arith.constant 0 : i32
      %dma_wait3A_24 = tpu.memref_slice %arg7[%multiple_of3A, %dma_wait3A] : memref<10000x16xf32, #tpu.memory_space<vmem_shared>> -> memref<632x16xf32, #tpu.memory_space<vmem_shared>>
      tpu.wait_dma2 semaphore(%run_scoped3A_22 : memref<!tpu.dma_semaphore, #tpu.memory_space<semaphore_mem>>) src(%arg3 : memref<632x16xf32, #tpu.memory_space<hbm>>) dst(%dma_wait3A_24 : memref<632x16xf32, #tpu.memory_space<vmem_shared>>)
      tpu.yield
    }) : () -> ()
    %barrier3A = arith.constant 0 : index
    tpu.barrier barrier_id(%barrier3A)
    %scan3A_9 = arith.constant 0 : i32
    %scan3A_10 = arith.constant 0 : i32
    %scan3A_11 = arith.constant 80 : i32
    %scan3A_12 = arith.addi %scan3A_10, %scan3A_11 : i32
    %scan3A_13 = arith.constant 1 : i32
    scf.for %scan3A_22 = %scan3A_10 to %scan3A_12 step %scan3A_13  : i32 {
      %ge3A = arith.constant 8 : i32
      %ge3A_23 = arith.cmpi sge, %scan3A_22, %ge3A : i32
      %convert_element_type3A = arith.extui %ge3A_23 : i1 to i32
      %cond3A = arith.constant 0 : i32
      %cond3A_24 = arith.cmpi ne, %convert_element_type3A, %cond3A : i32
      scf.if %cond3A_24 {
        %dma_wait3A = arith.constant 0 : i32
        %dma_wait3A_30 = arith.constant 0 : i32
        %dma_wait3A_31 = tpu.memref_slice %arg5[%dma_wait3A, %dma_wait3A_30] : memref<80x125xi32, #tpu.memory_space<vmem>> -> memref<1x125xi32, #tpu.memory_space<vmem>>
        %dma_wait3A_32 = tpu.memref_squeeze %dma_wait3A_31 : memref<1x125xi32, #tpu.memory_space<vmem>> -> memref<125xi32, #tpu.memory_space<vmem>>
        %dma_wait3A_33 = arith.constant 0 : i32
        %dma_wait3A_34 = arith.constant 0 : i32
        %dma_wait3A_35 = tpu.memref_slice %arg7[%dma_wait3A_33, %dma_wait3A_34] : memref<10000x16xf32, #tpu.memory_space<vmem_shared>> -> memref<10000x16xf32, #tpu.memory_space<vmem_shared>>
        tpu.wait_indirect_dma semaphore(%arg8 : memref<!tpu.dma_semaphore, #tpu.memory_space<semaphore_mem>>) src(%arg6 : memref<125x16xf32, #tpu.memory_space<vmem>>) dst(%dma_wait3A_35 : memref<10000x16xf32, #tpu.memory_space<vmem_shared>>)
      } else {
      }
      %dma_start3A = arith.constant 0 : i32
      %dma_start3A_25 = tpu.memref_slice %arg5[%scan3A_22, %dma_start3A] : memref<80x125xi32, #tpu.memory_space<vmem>> -> memref<1x125xi32, #tpu.memory_space<vmem>>
      %dma_start3A_26 = tpu.memref_squeeze %dma_start3A_25 : memref<1x125xi32, #tpu.memory_space<vmem>> -> memref<125xi32, #tpu.memory_space<vmem>>
      %dma_start3A_27 = arith.constant 0 : i32
      %dma_start3A_28 = arith.constant 0 : i32
      %dma_start3A_29 = tpu.memref_slice %arg7[%dma_start3A_27, %dma_start3A_28] : memref<10000x16xf32, #tpu.memory_space<vmem_shared>> -> memref<10000x16xf32, #tpu.memory_space<vmem_shared>>
      tpu.enqueue_indirect_dma source(%arg6 : memref<125x16xf32, #tpu.memory_space<vmem>>) target(%dma_start3A_29 : memref<10000x16xf32, #tpu.memory_space<vmem_shared>>) offsets(%dma_start3A_26 : memref<125xi32, #tpu.memory_space<vmem>>) semaphore(%arg8 : memref<!tpu.dma_semaphore, #tpu.memory_space<semaphore_mem>>) {add = true}
    }
    %scan3A_14 = arith.constant 80 : i32
    %scan3A_15 = arith.constant 0 : i32
    %scan3A_16 = arith.constant 0 : i32
    %scan3A_17 = arith.constant 8 : i32
    %scan3A_18 = arith.addi %scan3A_16, %scan3A_17 : i32
    %scan3A_19 = arith.constant 1 : i32
    scf.for %scan3A_22 = %scan3A_16 to %scan3A_18 step %scan3A_19  : i32 {
      %dma_wait3A = arith.constant 0 : i32
      %dma_wait3A_23 = arith.constant 0 : i32
      %dma_wait3A_24 = tpu.memref_slice %arg5[%dma_wait3A, %dma_wait3A_23] : memref<80x125xi32, #tpu.memory_space<vmem>> -> memref<1x125xi32, #tpu.memory_space<vmem>>
      %dma_wait3A_25 = tpu.memref_squeeze %dma_wait3A_24 : memref<1x125xi32, #tpu.memory_space<vmem>> -> memref<125xi32, #tpu.memory_space<vmem>>
      %dma_wait3A_26 = arith.constant 0 : i32
      %dma_wait3A_27 = arith.constant 0 : i32
      %dma_wait3A_28 = tpu.memref_slice %arg7[%dma_wait3A_26, %dma_wait3A_27] : memref<10000x16xf32, #tpu.memory_space<vmem_shared>> -> memref<10000x16xf32, #tpu.memory_space<vmem_shared>>
      tpu.wait_indirect_dma semaphore(%arg8 : memref<!tpu.dma_semaphore, #tpu.memory_space<semaphore_mem>>) src(%arg6 : memref<125x16xf32, #tpu.memory_space<vmem>>) dst(%dma_wait3A_28 : memref<10000x16xf32, #tpu.memory_space<vmem_shared>>)
    }
    %scan3A_20 = arith.constant 8 : i32
    %barrier3A_21 = arith.constant 0 : index
    tpu.barrier barrier_id(%barrier3A_21)
    "tpu.region"() ({
      %run_scoped3A_22 = tpu.sem_alloc : memref<!tpu.dma_semaphore, #tpu.memory_space<semaphore_mem>>
      %dma_start3A = arith.constant 0 : i32
      %dma_start3A_23 = tpu.memref_slice %arg4[%arg0, %multiple_of3A, %dma_start3A] : memref<2x10000x16xf32, #tpu.memory_space<hbm>> -> memref<1x632x16xf32, #tpu.memory_space<hbm>>
      %dma_start3A_24 = tpu.memref_squeeze %dma_start3A_23 : memref<1x632x16xf32, #tpu.memory_space<hbm>> -> memref<632x16xf32, #tpu.memory_space<hbm>>
      %dma_start3A_25 = arith.constant 0 : i32
      %dma_start3A_26 = tpu.memref_slice %arg7[%multiple_of3A, %dma_start3A_25] : memref<10000x16xf32, #tpu.memory_space<vmem_shared>> -> memref<632x16xf32, #tpu.memory_space<vmem_shared>>
      tpu.enqueue_dma source(%dma_start3A_26 : memref<632x16xf32, #tpu.memory_space<vmem_shared>>) target(%dma_start3A_24 : memref<632x16xf32, #tpu.memory_space<hbm>>) target_semaphore(%run_scoped3A_22 : memref<!tpu.dma_semaphore, #tpu.memory_space<semaphore_mem>>)
      %dma_wait3A = arith.constant 0 : i32
      %dma_wait3A_27 = tpu.memref_slice %arg4[%arg0, %multiple_of3A, %dma_wait3A] : memref<2x10000x16xf32, #tpu.memory_space<hbm>> -> memref<1x632x16xf32, #tpu.memory_space<hbm>>
      %dma_wait3A_28 = tpu.memref_squeeze %dma_wait3A_27 : memref<1x632x16xf32, #tpu.memory_space<hbm>> -> memref<632x16xf32, #tpu.memory_space<hbm>>
      %dma_wait3A_29 = arith.constant 0 : i32
      %dma_wait3A_30 = tpu.memref_slice %arg7[%multiple_of3A, %dma_wait3A_29] : memref<10000x16xf32, #tpu.memory_space<vmem_shared>> -> memref<632x16xf32, #tpu.memory_space<vmem_shared>>
      tpu.wait_dma2 semaphore(%run_scoped3A_22 : memref<!tpu.dma_semaphore, #tpu.memory_space<semaphore_mem>>) src(%dma_wait3A_30 : memref<632x16xf32, #tpu.memory_space<vmem_shared>>) dst(%dma_wait3A_28 : memref<632x16xf32, #tpu.memory_space<hbm>>)
      tpu.yield
    }) : () -> ()
    return
  }
}

#map = affine_map<(d0, d1) -> (0, 0)>
#map1 = affine_map<(d0, d1) -> (0, 0, 0, 0)>
#map2 = affine_map<(d0, d1) -> (0, 0, 0)>
module attributes {stable_mosaic.version = 14 : i64} {
  func.func @agg_kernel(%arg0: i32, %arg1: i32, %arg2: memref<10000x64xf32, #tpu.memory_space<hbm>>, %arg3: memref<10000x64xf32, #tpu.memory_space<hbm>>, %arg4: memref<2x32x80x125xi32, #tpu.memory_space<hbm>>, %arg5: memref<632x64xf32, #tpu.memory_space<hbm>>, %arg6: memref<2x10000x64xf32, #tpu.memory_space<hbm>>, %arg7: memref<2x10000x64xf32, #tpu.memory_space<hbm>>, %arg8: memref<80x125xi32, #tpu.memory_space<vmem>>, %arg9: memref<80x125xi32, #tpu.memory_space<vmem>>, %arg10: memref<125x64xf32, #tpu.memory_space<vmem>>, %arg11: memref<125x64xf32, #tpu.memory_space<vmem>>, %arg12: memref<125x64xf32, #tpu.memory_space<vmem>>, %arg13: memref<125x64xf32, #tpu.memory_space<vmem>>, %arg14: memref<!tpu.dma_semaphore, #tpu.memory_space<semaphore_mem>>, %arg15: memref<!tpu.dma_semaphore, #tpu.memory_space<semaphore_mem>>, %arg16: memref<!tpu.dma_semaphore, #tpu.memory_space<semaphore_mem>>, %arg17: memref<!tpu.dma_semaphore, #tpu.memory_space<semaphore_mem>>, %arg18: memref<!tpu.dma_semaphore, #tpu.memory_space<semaphore_mem>>, %arg19: memref<!tpu.dma_semaphore, #tpu.memory_space<semaphore_mem>>, %arg20: memref<!tpu.dma_semaphore, #tpu.memory_space<semaphore_mem>>, %arg21: memref<!tpu.dma_semaphore, #tpu.memory_space<semaphore_mem>>, %arg22: memref<10000x64xf32, #tpu.memory_space<vmem_shared>>) attributes {dimension_semantics = [#tpu.dimension_semantics<core_parallel>, #tpu.dimension_semantics<subcore_parallel>], iteration_bounds = array<i64: 2, 16>, scalar_prefetch = 0 : i64, scratch_operands = 15 : i64, tpu.core_type = #tpu.core_type<sc_vector_subcore>, window_params = [{transform_indices = #map}, {transform_indices = #map}, {transform_indices = #map1}, {transform_indices = #map}, {transform_indices = #map2}, {transform_indices = #map2}]} {
    %mul3A = arith.constant 2 : i32
    %mul3A_0 = arith.muli %arg1, %mul3A : i32
    %add3A = arith.addi %mul3A_0, %arg0 : i32
    %mul3A_1 = arith.constant 632 : i32
    %mul3A_2 = arith.muli %arg1, %mul3A_1 : i32
    %min3A = arith.constant 9368 : i32
    %min3A_3 = arith.minsi %mul3A_2, %min3A : i32
    %multiple_of3A = tpu.assume_multiple %min3A_3, 8 : i32
    %run_scoped3A = arith.constant 0 : i32
    "tpu.region"() ({
      %run_scoped3A_73 = tpu.sem_alloc : memref<!tpu.dma_semaphore, #tpu.memory_space<semaphore_mem>>
      %dma_start3A_74 = arith.constant 0 : i32
      %dma_start3A_75 = arith.constant 0 : i32
      %dma_start3A_76 = tpu.memref_slice %arg4[%run_scoped3A, %add3A, %dma_start3A_74, %dma_start3A_75] : memref<2x32x80x125xi32, #tpu.memory_space<hbm>> -> memref<1x1x80x125xi32, #tpu.memory_space<hbm>>
      %dma_start3A_77 = tpu.memref_squeeze %dma_start3A_76 : memref<1x1x80x125xi32, #tpu.memory_space<hbm>> -> memref<80x125xi32, #tpu.memory_space<hbm>>
      %dma_start3A_78 = arith.constant 0 : i32
      %dma_start3A_79 = arith.constant 0 : i32
      %dma_start3A_80 = tpu.memref_slice %arg4[%run_scoped3A, %add3A, %dma_start3A_78, %dma_start3A_79] : memref<2x32x80x125xi32, #tpu.memory_space<hbm>> -> memref<1x1x80x125xi32, #tpu.memory_space<hbm>>
      %dma_start3A_81 = tpu.memref_squeeze %dma_start3A_80 : memref<1x1x80x125xi32, #tpu.memory_space<hbm>> -> memref<80x125xi32, #tpu.memory_space<hbm>>
      tpu.enqueue_dma source(%dma_start3A_81 : memref<80x125xi32, #tpu.memory_space<hbm>>) target(%arg8 : memref<80x125xi32, #tpu.memory_space<vmem>>) target_semaphore(%run_scoped3A_73 : memref<!tpu.dma_semaphore, #tpu.memory_space<semaphore_mem>>)
      %dma_wait3A_82 = arith.constant 0 : i32
      %dma_wait3A_83 = arith.constant 0 : i32
      %dma_wait3A_84 = tpu.memref_slice %arg4[%run_scoped3A, %add3A, %dma_wait3A_82, %dma_wait3A_83] : memref<2x32x80x125xi32, #tpu.memory_space<hbm>> -> memref<1x1x80x125xi32, #tpu.memory_space<hbm>>
      %dma_wait3A_85 = tpu.memref_squeeze %dma_wait3A_84 : memref<1x1x80x125xi32, #tpu.memory_space<hbm>> -> memref<80x125xi32, #tpu.memory_space<hbm>>
      %dma_wait3A_86 = arith.constant 0 : i32
      %dma_wait3A_87 = arith.constant 0 : i32
      %dma_wait3A_88 = tpu.memref_slice %arg4[%run_scoped3A, %add3A, %dma_wait3A_86, %dma_wait3A_87] : memref<2x32x80x125xi32, #tpu.memory_space<hbm>> -> memref<1x1x80x125xi32, #tpu.memory_space<hbm>>
      %dma_wait3A_89 = tpu.memref_squeeze %dma_wait3A_88 : memref<1x1x80x125xi32, #tpu.memory_space<hbm>> -> memref<80x125xi32, #tpu.memory_space<hbm>>
      tpu.wait_dma2 semaphore(%run_scoped3A_73 : memref<!tpu.dma_semaphore, #tpu.memory_space<semaphore_mem>>) src(%dma_wait3A_89 : memref<80x125xi32, #tpu.memory_space<hbm>>) dst(%arg8 : memref<80x125xi32, #tpu.memory_space<vmem>>)
      tpu.yield
    }) : () -> ()
    %run_scoped3A_4 = arith.constant 1 : i32
    "tpu.region"() ({
      %run_scoped3A_73 = tpu.sem_alloc : memref<!tpu.dma_semaphore, #tpu.memory_space<semaphore_mem>>
      %dma_start3A_74 = arith.constant 0 : i32
      %dma_start3A_75 = arith.constant 0 : i32
      %dma_start3A_76 = tpu.memref_slice %arg4[%run_scoped3A_4, %add3A, %dma_start3A_74, %dma_start3A_75] : memref<2x32x80x125xi32, #tpu.memory_space<hbm>> -> memref<1x1x80x125xi32, #tpu.memory_space<hbm>>
      %dma_start3A_77 = tpu.memref_squeeze %dma_start3A_76 : memref<1x1x80x125xi32, #tpu.memory_space<hbm>> -> memref<80x125xi32, #tpu.memory_space<hbm>>
      %dma_start3A_78 = arith.constant 0 : i32
      %dma_start3A_79 = arith.constant 0 : i32
      %dma_start3A_80 = tpu.memref_slice %arg4[%run_scoped3A_4, %add3A, %dma_start3A_78, %dma_start3A_79] : memref<2x32x80x125xi32, #tpu.memory_space<hbm>> -> memref<1x1x80x125xi32, #tpu.memory_space<hbm>>
      %dma_start3A_81 = tpu.memref_squeeze %dma_start3A_80 : memref<1x1x80x125xi32, #tpu.memory_space<hbm>> -> memref<80x125xi32, #tpu.memory_space<hbm>>
      tpu.enqueue_dma source(%dma_start3A_81 : memref<80x125xi32, #tpu.memory_space<hbm>>) target(%arg9 : memref<80x125xi32, #tpu.memory_space<vmem>>) target_semaphore(%run_scoped3A_73 : memref<!tpu.dma_semaphore, #tpu.memory_space<semaphore_mem>>)
      %dma_wait3A_82 = arith.constant 0 : i32
      %dma_wait3A_83 = arith.constant 0 : i32
      %dma_wait3A_84 = tpu.memref_slice %arg4[%run_scoped3A_4, %add3A, %dma_wait3A_82, %dma_wait3A_83] : memref<2x32x80x125xi32, #tpu.memory_space<hbm>> -> memref<1x1x80x125xi32, #tpu.memory_space<hbm>>
      %dma_wait3A_85 = tpu.memref_squeeze %dma_wait3A_84 : memref<1x1x80x125xi32, #tpu.memory_space<hbm>> -> memref<80x125xi32, #tpu.memory_space<hbm>>
      %dma_wait3A_86 = arith.constant 0 : i32
      %dma_wait3A_87 = arith.constant 0 : i32
      %dma_wait3A_88 = tpu.memref_slice %arg4[%run_scoped3A_4, %add3A, %dma_wait3A_86, %dma_wait3A_87] : memref<2x32x80x125xi32, #tpu.memory_space<hbm>> -> memref<1x1x80x125xi32, #tpu.memory_space<hbm>>
      %dma_wait3A_89 = tpu.memref_squeeze %dma_wait3A_88 : memref<1x1x80x125xi32, #tpu.memory_space<hbm>> -> memref<80x125xi32, #tpu.memory_space<hbm>>
      tpu.wait_dma2 semaphore(%run_scoped3A_73 : memref<!tpu.dma_semaphore, #tpu.memory_space<semaphore_mem>>) src(%dma_wait3A_89 : memref<80x125xi32, #tpu.memory_space<hbm>>) dst(%arg9 : memref<80x125xi32, #tpu.memory_space<vmem>>)
      tpu.yield
    }) : () -> ()
    "tpu.region"() ({
      %run_scoped3A_73 = tpu.sem_alloc : memref<!tpu.dma_semaphore, #tpu.memory_space<semaphore_mem>>
      %dma_start3A_74 = arith.constant 0 : i32
      %dma_start3A_75 = tpu.memref_slice %arg22[%multiple_of3A, %dma_start3A_74] : memref<10000x64xf32, #tpu.memory_space<vmem_shared>> -> memref<632x64xf32, #tpu.memory_space<vmem_shared>>
      tpu.enqueue_dma source(%arg5 : memref<632x64xf32, #tpu.memory_space<hbm>>) target(%dma_start3A_75 : memref<632x64xf32, #tpu.memory_space<vmem_shared>>) target_semaphore(%run_scoped3A_73 : memref<!tpu.dma_semaphore, #tpu.memory_space<semaphore_mem>>)
      %dma_wait3A_76 = arith.constant 0 : i32
      %dma_wait3A_77 = tpu.memref_slice %arg22[%multiple_of3A, %dma_wait3A_76] : memref<10000x64xf32, #tpu.memory_space<vmem_shared>> -> memref<632x64xf32, #tpu.memory_space<vmem_shared>>
      tpu.wait_dma2 semaphore(%run_scoped3A_73 : memref<!tpu.dma_semaphore, #tpu.memory_space<semaphore_mem>>) src(%arg5 : memref<632x64xf32, #tpu.memory_space<hbm>>) dst(%dma_wait3A_77 : memref<632x64xf32, #tpu.memory_space<vmem_shared>>)
      tpu.yield
    }) : () -> ()
    %barrier3A = arith.constant 0 : index
    tpu.barrier barrier_id(%barrier3A)
    %dma_start3A = arith.constant 0 : i32
    %dma_start3A_5 = arith.constant 0 : i32
    %dma_start3A_6 = tpu.memref_slice %arg8[%dma_start3A, %dma_start3A_5] : memref<80x125xi32, #tpu.memory_space<vmem>> -> memref<1x125xi32, #tpu.memory_space<vmem>>
    %dma_start3A_7 = tpu.memref_squeeze %dma_start3A_6 : memref<1x125xi32, #tpu.memory_space<vmem>> -> memref<125xi32, #tpu.memory_space<vmem>>
    %dma_start3A_8 = arith.constant 0 : i32
    %dma_start3A_9 = arith.constant 0 : i32
    %dma_start3A_10 = tpu.memref_slice %arg2[%dma_start3A_8, %dma_start3A_9] : memref<10000x64xf32, #tpu.memory_space<hbm>> -> memref<10000x64xf32, #tpu.memory_space<hbm>>
    tpu.enqueue_indirect_dma source(%dma_start3A_10 : memref<10000x64xf32, #tpu.memory_space<hbm>>) target(%arg10 : memref<125x64xf32, #tpu.memory_space<vmem>>) offsets(%dma_start3A_7 : memref<125xi32, #tpu.memory_space<vmem>>) semaphore(%arg14 : memref<!tpu.dma_semaphore, #tpu.memory_space<semaphore_mem>>)
    %dma_start3A_11 = arith.constant 1 : i32
    %dma_start3A_12 = arith.constant 0 : i32
    %dma_start3A_13 = tpu.memref_slice %arg8[%dma_start3A_11, %dma_start3A_12] : memref<80x125xi32, #tpu.memory_space<vmem>> -> memref<1x125xi32, #tpu.memory_space<vmem>>
    %dma_start3A_14 = tpu.memref_squeeze %dma_start3A_13 : memref<1x125xi32, #tpu.memory_space<vmem>> -> memref<125xi32, #tpu.memory_space<vmem>>
    %dma_start3A_15 = arith.constant 0 : i32
    %dma_start3A_16 = arith.constant 0 : i32
    %dma_start3A_17 = tpu.memref_slice %arg2[%dma_start3A_15, %dma_start3A_16] : memref<10000x64xf32, #tpu.memory_space<hbm>> -> memref<10000x64xf32, #tpu.memory_space<hbm>>
    tpu.enqueue_indirect_dma source(%dma_start3A_17 : memref<10000x64xf32, #tpu.memory_space<hbm>>) target(%arg11 : memref<125x64xf32, #tpu.memory_space<vmem>>) offsets(%dma_start3A_14 : memref<125xi32, #tpu.memory_space<vmem>>) semaphore(%arg15 : memref<!tpu.dma_semaphore, #tpu.memory_space<semaphore_mem>>)
    %scan3A = arith.constant 0 : i32
    %scan3A_18 = arith.constant 0 : i32
    %scan3A_19 = arith.constant 20 : i32
    %scan3A_20 = arith.addi %scan3A_18, %scan3A_19 : i32
    %scan3A_21 = arith.constant 1 : i32
    scf.for %scan3A_73 = %scan3A_18 to %scan3A_20 step %scan3A_21  : i32 {
      %mul3A_74 = arith.constant 4 : i32
      %mul3A_75 = arith.muli %mul3A_74, %scan3A_73 : i32
      %add3A_76 = arith.constant 0 : i32
      %add3A_77 = arith.addi %mul3A_75, %add3A_76 : i32
      %dma_wait3A_78 = arith.constant 0 : i32
      %dma_wait3A_79 = arith.constant 0 : i32
      %dma_wait3A_80 = tpu.memref_slice %arg8[%dma_wait3A_78, %dma_wait3A_79] : memref<80x125xi32, #tpu.memory_space<vmem>> -> memref<1x125xi32, #tpu.memory_space<vmem>>
      %dma_wait3A_81 = tpu.memref_squeeze %dma_wait3A_80 : memref<1x125xi32, #tpu.memory_space<vmem>> -> memref<125xi32, #tpu.memory_space<vmem>>
      %dma_wait3A_82 = arith.constant 0 : i32
      %dma_wait3A_83 = arith.constant 0 : i32
      %dma_wait3A_84 = tpu.memref_slice %arg2[%dma_wait3A_82, %dma_wait3A_83] : memref<10000x64xf32, #tpu.memory_space<hbm>> -> memref<10000x64xf32, #tpu.memory_space<hbm>>
      tpu.wait_indirect_dma semaphore(%arg14 : memref<!tpu.dma_semaphore, #tpu.memory_space<semaphore_mem>>) src(%dma_wait3A_84 : memref<10000x64xf32, #tpu.memory_space<hbm>>) dst(%arg10 : memref<125x64xf32, #tpu.memory_space<vmem>>)
      %dma_start3A_85 = arith.constant 0 : i32
      %dma_start3A_86 = tpu.memref_slice %arg9[%add3A_77, %dma_start3A_85] : memref<80x125xi32, #tpu.memory_space<vmem>> -> memref<1x125xi32, #tpu.memory_space<vmem>>
      %dma_start3A_87 = tpu.memref_squeeze %dma_start3A_86 : memref<1x125xi32, #tpu.memory_space<vmem>> -> memref<125xi32, #tpu.memory_space<vmem>>
      %dma_start3A_88 = arith.constant 0 : i32
      %dma_start3A_89 = arith.constant 0 : i32
      %dma_start3A_90 = tpu.memref_slice %arg22[%dma_start3A_88, %dma_start3A_89] : memref<10000x64xf32, #tpu.memory_space<vmem_shared>> -> memref<10000x64xf32, #tpu.memory_space<vmem_shared>>
      tpu.enqueue_indirect_dma source(%arg10 : memref<125x64xf32, #tpu.memory_space<vmem>>) target(%dma_start3A_90 : memref<10000x64xf32, #tpu.memory_space<vmem_shared>>) offsets(%dma_start3A_87 : memref<125xi32, #tpu.memory_space<vmem>>) semaphore(%arg18 : memref<!tpu.dma_semaphore, #tpu.memory_space<semaphore_mem>>) {add = true}
      %ge3A = arith.constant 2 : i32
      %ge3A_91 = arith.cmpi sge, %add3A_77, %ge3A : i32
      %convert_element_type3A = arith.extui %ge3A_91 : i1 to i32
      %cond3A = arith.constant 0 : i32
      %cond3A_92 = arith.cmpi ne, %convert_element_type3A, %cond3A : i32
      scf.if %cond3A_92 {
        %dma_wait3A_186 = arith.constant 0 : i32
        %dma_wait3A_187 = arith.constant 0 : i32
        %dma_wait3A_188 = tpu.memref_slice %arg9[%dma_wait3A_186, %dma_wait3A_187] : memref<80x125xi32, #tpu.memory_space<vmem>> -> memref<1x125xi32, #tpu.memory_space<vmem>>
        %dma_wait3A_189 = tpu.memref_squeeze %dma_wait3A_188 : memref<1x125xi32, #tpu.memory_space<vmem>> -> memref<125xi32, #tpu.memory_space<vmem>>
        %dma_wait3A_190 = arith.constant 0 : i32
        %dma_wait3A_191 = arith.constant 0 : i32
        %dma_wait3A_192 = tpu.memref_slice %arg22[%dma_wait3A_190, %dma_wait3A_191] : memref<10000x64xf32, #tpu.memory_space<vmem_shared>> -> memref<10000x64xf32, #tpu.memory_space<vmem_shared>>
        tpu.wait_indirect_dma semaphore(%arg20 : memref<!tpu.dma_semaphore, #tpu.memory_space<semaphore_mem>>) src(%arg12 : memref<125x64xf32, #tpu.memory_space<vmem>>) dst(%dma_wait3A_192 : memref<10000x64xf32, #tpu.memory_space<vmem_shared>>)
      } else {
      }
      %add3A_93 = arith.constant 2 : i32
      %add3A_94 = arith.addi %add3A_77, %add3A_93 : i32
      %lt3A = arith.constant 80 : i32
      %lt3A_95 = arith.cmpi slt, %add3A_94, %lt3A : i32
      %convert_element_type3A_96 = arith.extui %lt3A_95 : i1 to i32
      %cond3A_97 = arith.constant 0 : i32
      %cond3A_98 = arith.cmpi ne, %convert_element_type3A_96, %cond3A_97 : i32
      scf.if %cond3A_98 {
        %add3A_186 = arith.constant 2 : i32
        %add3A_187 = arith.addi %add3A_77, %add3A_186 : i32
        %dma_start3A_188 = arith.constant 0 : i32
        %dma_start3A_189 = tpu.memref_slice %arg8[%add3A_187, %dma_start3A_188] : memref<80x125xi32, #tpu.memory_space<vmem>> -> memref<1x125xi32, #tpu.memory_space<vmem>>
        %dma_start3A_190 = tpu.memref_squeeze %dma_start3A_189 : memref<1x125xi32, #tpu.memory_space<vmem>> -> memref<125xi32, #tpu.memory_space<vmem>>
        %dma_start3A_191 = arith.constant 0 : i32
        %dma_start3A_192 = arith.constant 0 : i32
        %dma_start3A_193 = tpu.memref_slice %arg2[%dma_start3A_191, %dma_start3A_192] : memref<10000x64xf32, #tpu.memory_space<hbm>> -> memref<10000x64xf32, #tpu.memory_space<hbm>>
        tpu.enqueue_indirect_dma source(%dma_start3A_193 : memref<10000x64xf32, #tpu.memory_space<hbm>>) target(%arg12 : memref<125x64xf32, #tpu.memory_space<vmem>>) offsets(%dma_start3A_190 : memref<125xi32, #tpu.memory_space<vmem>>) semaphore(%arg16 : memref<!tpu.dma_semaphore, #tpu.memory_space<semaphore_mem>>)
      } else {
      }
      %mul3A_99 = arith.constant 4 : i32
      %mul3A_100 = arith.muli %mul3A_99, %scan3A_73 : i32
      %add3A_101 = arith.constant 1 : i32
      %add3A_102 = arith.addi %mul3A_100, %add3A_101 : i32
      %dma_wait3A_103 = arith.constant 0 : i32
      %dma_wait3A_104 = arith.constant 0 : i32
      %dma_wait3A_105 = tpu.memref_slice %arg8[%dma_wait3A_103, %dma_wait3A_104] : memref<80x125xi32, #tpu.memory_space<vmem>> -> memref<1x125xi32, #tpu.memory_space<vmem>>
      %dma_wait3A_106 = tpu.memref_squeeze %dma_wait3A_105 : memref<1x125xi32, #tpu.memory_space<vmem>> -> memref<125xi32, #tpu.memory_space<vmem>>
      %dma_wait3A_107 = arith.constant 0 : i32
      %dma_wait3A_108 = arith.constant 0 : i32
      %dma_wait3A_109 = tpu.memref_slice %arg2[%dma_wait3A_107, %dma_wait3A_108] : memref<10000x64xf32, #tpu.memory_space<hbm>> -> memref<10000x64xf32, #tpu.memory_space<hbm>>
      tpu.wait_indirect_dma semaphore(%arg15 : memref<!tpu.dma_semaphore, #tpu.memory_space<semaphore_mem>>) src(%dma_wait3A_109 : memref<10000x64xf32, #tpu.memory_space<hbm>>) dst(%arg11 : memref<125x64xf32, #tpu.memory_space<vmem>>)
      %dma_start3A_110 = arith.constant 0 : i32
      %dma_start3A_111 = tpu.memref_slice %arg9[%add3A_102, %dma_start3A_110] : memref<80x125xi32, #tpu.memory_space<vmem>> -> memref<1x125xi32, #tpu.memory_space<vmem>>
      %dma_start3A_112 = tpu.memref_squeeze %dma_start3A_111 : memref<1x125xi32, #tpu.memory_space<vmem>> -> memref<125xi32, #tpu.memory_space<vmem>>
      %dma_start3A_113 = arith.constant 0 : i32
      %dma_start3A_114 = arith.constant 0 : i32
      %dma_start3A_115 = tpu.memref_slice %arg22[%dma_start3A_113, %dma_start3A_114] : memref<10000x64xf32, #tpu.memory_space<vmem_shared>> -> memref<10000x64xf32, #tpu.memory_space<vmem_shared>>
      tpu.enqueue_indirect_dma source(%arg11 : memref<125x64xf32, #tpu.memory_space<vmem>>) target(%dma_start3A_115 : memref<10000x64xf32, #tpu.memory_space<vmem_shared>>) offsets(%dma_start3A_112 : memref<125xi32, #tpu.memory_space<vmem>>) semaphore(%arg19 : memref<!tpu.dma_semaphore, #tpu.memory_space<semaphore_mem>>) {add = true}
      %ge3A_116 = arith.constant 2 : i32
      %ge3A_117 = arith.cmpi sge, %add3A_102, %ge3A_116 : i32
      %convert_element_type3A_118 = arith.extui %ge3A_117 : i1 to i32
      %cond3A_119 = arith.constant 0 : i32
      %cond3A_120 = arith.cmpi ne, %convert_element_type3A_118, %cond3A_119 : i32
      scf.if %cond3A_120 {
        %dma_wait3A_186 = arith.constant 0 : i32
        %dma_wait3A_187 = arith.constant 0 : i32
        %dma_wait3A_188 = tpu.memref_slice %arg9[%dma_wait3A_186, %dma_wait3A_187] : memref<80x125xi32, #tpu.memory_space<vmem>> -> memref<1x125xi32, #tpu.memory_space<vmem>>
        %dma_wait3A_189 = tpu.memref_squeeze %dma_wait3A_188 : memref<1x125xi32, #tpu.memory_space<vmem>> -> memref<125xi32, #tpu.memory_space<vmem>>
        %dma_wait3A_190 = arith.constant 0 : i32
        %dma_wait3A_191 = arith.constant 0 : i32
        %dma_wait3A_192 = tpu.memref_slice %arg22[%dma_wait3A_190, %dma_wait3A_191] : memref<10000x64xf32, #tpu.memory_space<vmem_shared>> -> memref<10000x64xf32, #tpu.memory_space<vmem_shared>>
        tpu.wait_indirect_dma semaphore(%arg21 : memref<!tpu.dma_semaphore, #tpu.memory_space<semaphore_mem>>) src(%arg13 : memref<125x64xf32, #tpu.memory_space<vmem>>) dst(%dma_wait3A_192 : memref<10000x64xf32, #tpu.memory_space<vmem_shared>>)
      } else {
      }
      %add3A_121 = arith.constant 2 : i32
      %add3A_122 = arith.addi %add3A_102, %add3A_121 : i32
      %lt3A_123 = arith.constant 80 : i32
      %lt3A_124 = arith.cmpi slt, %add3A_122, %lt3A_123 : i32
      %convert_element_type3A_125 = arith.extui %lt3A_124 : i1 to i32
      %cond3A_126 = arith.constant 0 : i32
      %cond3A_127 = arith.cmpi ne, %convert_element_type3A_125, %cond3A_126 : i32
      scf.if %cond3A_127 {
        %add3A_186 = arith.constant 2 : i32
        %add3A_187 = arith.addi %add3A_102, %add3A_186 : i32
        %dma_start3A_188 = arith.constant 0 : i32
        %dma_start3A_189 = tpu.memref_slice %arg8[%add3A_187, %dma_start3A_188] : memref<80x125xi32, #tpu.memory_space<vmem>> -> memref<1x125xi32, #tpu.memory_space<vmem>>
        %dma_start3A_190 = tpu.memref_squeeze %dma_start3A_189 : memref<1x125xi32, #tpu.memory_space<vmem>> -> memref<125xi32, #tpu.memory_space<vmem>>
        %dma_start3A_191 = arith.constant 0 : i32
        %dma_start3A_192 = arith.constant 0 : i32
        %dma_start3A_193 = tpu.memref_slice %arg2[%dma_start3A_191, %dma_start3A_192] : memref<10000x64xf32, #tpu.memory_space<hbm>> -> memref<10000x64xf32, #tpu.memory_space<hbm>>
        tpu.enqueue_indirect_dma source(%dma_start3A_193 : memref<10000x64xf32, #tpu.memory_space<hbm>>) target(%arg13 : memref<125x64xf32, #tpu.memory_space<vmem>>) offsets(%dma_start3A_190 : memref<125xi32, #tpu.memory_space<vmem>>) semaphore(%arg17 : memref<!tpu.dma_semaphore, #tpu.memory_space<semaphore_mem>>)
      } else {
      }
      %mul3A_128 = arith.constant 4 : i32
      %mul3A_129 = arith.muli %mul3A_128, %scan3A_73 : i32
      %add3A_130 = arith.constant 2 : i32
      %add3A_131 = arith.addi %mul3A_129, %add3A_130 : i32
      %dma_wait3A_132 = arith.constant 0 : i32
      %dma_wait3A_133 = arith.constant 0 : i32
      %dma_wait3A_134 = tpu.memref_slice %arg8[%dma_wait3A_132, %dma_wait3A_133] : memref<80x125xi32, #tpu.memory_space<vmem>> -> memref<1x125xi32, #tpu.memory_space<vmem>>
      %dma_wait3A_135 = tpu.memref_squeeze %dma_wait3A_134 : memref<1x125xi32, #tpu.memory_space<vmem>> -> memref<125xi32, #tpu.memory_space<vmem>>
      %dma_wait3A_136 = arith.constant 0 : i32
      %dma_wait3A_137 = arith.constant 0 : i32
      %dma_wait3A_138 = tpu.memref_slice %arg2[%dma_wait3A_136, %dma_wait3A_137] : memref<10000x64xf32, #tpu.memory_space<hbm>> -> memref<10000x64xf32, #tpu.memory_space<hbm>>
      tpu.wait_indirect_dma semaphore(%arg16 : memref<!tpu.dma_semaphore, #tpu.memory_space<semaphore_mem>>) src(%dma_wait3A_138 : memref<10000x64xf32, #tpu.memory_space<hbm>>) dst(%arg12 : memref<125x64xf32, #tpu.memory_space<vmem>>)
      %dma_start3A_139 = arith.constant 0 : i32
      %dma_start3A_140 = tpu.memref_slice %arg9[%add3A_131, %dma_start3A_139] : memref<80x125xi32, #tpu.memory_space<vmem>> -> memref<1x125xi32, #tpu.memory_space<vmem>>
      %dma_start3A_141 = tpu.memref_squeeze %dma_start3A_140 : memref<1x125xi32, #tpu.memory_space<vmem>> -> memref<125xi32, #tpu.memory_space<vmem>>
      %dma_start3A_142 = arith.constant 0 : i32
      %dma_start3A_143 = arith.constant 0 : i32
      %dma_start3A_144 = tpu.memref_slice %arg22[%dma_start3A_142, %dma_start3A_143] : memref<10000x64xf32, #tpu.memory_space<vmem_shared>> -> memref<10000x64xf32, #tpu.memory_space<vmem_shared>>
      tpu.enqueue_indirect_dma source(%arg12 : memref<125x64xf32, #tpu.memory_space<vmem>>) target(%dma_start3A_144 : memref<10000x64xf32, #tpu.memory_space<vmem_shared>>) offsets(%dma_start3A_141 : memref<125xi32, #tpu.memory_space<vmem>>) semaphore(%arg20 : memref<!tpu.dma_semaphore, #tpu.memory_space<semaphore_mem>>) {add = true}
      %ge3A_145 = arith.constant 2 : i32
      %ge3A_146 = arith.cmpi sge, %add3A_131, %ge3A_145 : i32
      %convert_element_type3A_147 = arith.extui %ge3A_146 : i1 to i32
      %cond3A_148 = arith.constant 0 : i32
      %cond3A_149 = arith.cmpi ne, %convert_element_type3A_147, %cond3A_148 : i32
      scf.if %cond3A_149 {
        %dma_wait3A_186 = arith.constant 0 : i32
        %dma_wait3A_187 = arith.constant 0 : i32
        %dma_wait3A_188 = tpu.memref_slice %arg9[%dma_wait3A_186, %dma_wait3A_187] : memref<80x125xi32, #tpu.memory_space<vmem>> -> memref<1x125xi32, #tpu.memory_space<vmem>>
        %dma_wait3A_189 = tpu.memref_squeeze %dma_wait3A_188 : memref<1x125xi32, #tpu.memory_space<vmem>> -> memref<125xi32, #tpu.memory_space<vmem>>
        %dma_wait3A_190 = arith.constant 0 : i32
        %dma_wait3A_191 = arith.constant 0 : i32
        %dma_wait3A_192 = tpu.memref_slice %arg22[%dma_wait3A_190, %dma_wait3A_191] : memref<10000x64xf32, #tpu.memory_space<vmem_shared>> -> memref<10000x64xf32, #tpu.memory_space<vmem_shared>>
        tpu.wait_indirect_dma semaphore(%arg18 : memref<!tpu.dma_semaphore, #tpu.memory_space<semaphore_mem>>) src(%arg10 : memref<125x64xf32, #tpu.memory_space<vmem>>) dst(%dma_wait3A_192 : memref<10000x64xf32, #tpu.memory_space<vmem_shared>>)
      } else {
      }
      %add3A_150 = arith.constant 2 : i32
      %add3A_151 = arith.addi %add3A_131, %add3A_150 : i32
      %lt3A_152 = arith.constant 80 : i32
      %lt3A_153 = arith.cmpi slt, %add3A_151, %lt3A_152 : i32
      %convert_element_type3A_154 = arith.extui %lt3A_153 : i1 to i32
      %cond3A_155 = arith.constant 0 : i32
      %cond3A_156 = arith.cmpi ne, %convert_element_type3A_154, %cond3A_155 : i32
      scf.if %cond3A_156 {
        %add3A_186 = arith.constant 2 : i32
        %add3A_187 = arith.addi %add3A_131, %add3A_186 : i32
        %dma_start3A_188 = arith.constant 0 : i32
        %dma_start3A_189 = tpu.memref_slice %arg8[%add3A_187, %dma_start3A_188] : memref<80x125xi32, #tpu.memory_space<vmem>> -> memref<1x125xi32, #tpu.memory_space<vmem>>
        %dma_start3A_190 = tpu.memref_squeeze %dma_start3A_189 : memref<1x125xi32, #tpu.memory_space<vmem>> -> memref<125xi32, #tpu.memory_space<vmem>>
        %dma_start3A_191 = arith.constant 0 : i32
        %dma_start3A_192 = arith.constant 0 : i32
        %dma_start3A_193 = tpu.memref_slice %arg2[%dma_start3A_191, %dma_start3A_192] : memref<10000x64xf32, #tpu.memory_space<hbm>> -> memref<10000x64xf32, #tpu.memory_space<hbm>>
        tpu.enqueue_indirect_dma source(%dma_start3A_193 : memref<10000x64xf32, #tpu.memory_space<hbm>>) target(%arg10 : memref<125x64xf32, #tpu.memory_space<vmem>>) offsets(%dma_start3A_190 : memref<125xi32, #tpu.memory_space<vmem>>) semaphore(%arg14 : memref<!tpu.dma_semaphore, #tpu.memory_space<semaphore_mem>>)
      } else {
      }
      %mul3A_157 = arith.constant 4 : i32
      %mul3A_158 = arith.muli %mul3A_157, %scan3A_73 : i32
      %add3A_159 = arith.constant 3 : i32
      %add3A_160 = arith.addi %mul3A_158, %add3A_159 : i32
      %dma_wait3A_161 = arith.constant 0 : i32
      %dma_wait3A_162 = arith.constant 0 : i32
      %dma_wait3A_163 = tpu.memref_slice %arg8[%dma_wait3A_161, %dma_wait3A_162] : memref<80x125xi32, #tpu.memory_space<vmem>> -> memref<1x125xi32, #tpu.memory_space<vmem>>
      %dma_wait3A_164 = tpu.memref_squeeze %dma_wait3A_163 : memref<1x125xi32, #tpu.memory_space<vmem>> -> memref<125xi32, #tpu.memory_space<vmem>>
      %dma_wait3A_165 = arith.constant 0 : i32
      %dma_wait3A_166 = arith.constant 0 : i32
      %dma_wait3A_167 = tpu.memref_slice %arg2[%dma_wait3A_165, %dma_wait3A_166] : memref<10000x64xf32, #tpu.memory_space<hbm>> -> memref<10000x64xf32, #tpu.memory_space<hbm>>
      tpu.wait_indirect_dma semaphore(%arg17 : memref<!tpu.dma_semaphore, #tpu.memory_space<semaphore_mem>>) src(%dma_wait3A_167 : memref<10000x64xf32, #tpu.memory_space<hbm>>) dst(%arg13 : memref<125x64xf32, #tpu.memory_space<vmem>>)
      %dma_start3A_168 = arith.constant 0 : i32
      %dma_start3A_169 = tpu.memref_slice %arg9[%add3A_160, %dma_start3A_168] : memref<80x125xi32, #tpu.memory_space<vmem>> -> memref<1x125xi32, #tpu.memory_space<vmem>>
      %dma_start3A_170 = tpu.memref_squeeze %dma_start3A_169 : memref<1x125xi32, #tpu.memory_space<vmem>> -> memref<125xi32, #tpu.memory_space<vmem>>
      %dma_start3A_171 = arith.constant 0 : i32
      %dma_start3A_172 = arith.constant 0 : i32
      %dma_start3A_173 = tpu.memref_slice %arg22[%dma_start3A_171, %dma_start3A_172] : memref<10000x64xf32, #tpu.memory_space<vmem_shared>> -> memref<10000x64xf32, #tpu.memory_space<vmem_shared>>
      tpu.enqueue_indirect_dma source(%arg13 : memref<125x64xf32, #tpu.memory_space<vmem>>) target(%dma_start3A_173 : memref<10000x64xf32, #tpu.memory_space<vmem_shared>>) offsets(%dma_start3A_170 : memref<125xi32, #tpu.memory_space<vmem>>) semaphore(%arg21 : memref<!tpu.dma_semaphore, #tpu.memory_space<semaphore_mem>>) {add = true}
      %ge3A_174 = arith.constant 2 : i32
      %ge3A_175 = arith.cmpi sge, %add3A_160, %ge3A_174 : i32
      %convert_element_type3A_176 = arith.extui %ge3A_175 : i1 to i32
      %cond3A_177 = arith.constant 0 : i32
      %cond3A_178 = arith.cmpi ne, %convert_element_type3A_176, %cond3A_177 : i32
      scf.if %cond3A_178 {
        %dma_wait3A_186 = arith.constant 0 : i32
        %dma_wait3A_187 = arith.constant 0 : i32
        %dma_wait3A_188 = tpu.memref_slice %arg9[%dma_wait3A_186, %dma_wait3A_187] : memref<80x125xi32, #tpu.memory_space<vmem>> -> memref<1x125xi32, #tpu.memory_space<vmem>>
        %dma_wait3A_189 = tpu.memref_squeeze %dma_wait3A_188 : memref<1x125xi32, #tpu.memory_space<vmem>> -> memref<125xi32, #tpu.memory_space<vmem>>
        %dma_wait3A_190 = arith.constant 0 : i32
        %dma_wait3A_191 = arith.constant 0 : i32
        %dma_wait3A_192 = tpu.memref_slice %arg22[%dma_wait3A_190, %dma_wait3A_191] : memref<10000x64xf32, #tpu.memory_space<vmem_shared>> -> memref<10000x64xf32, #tpu.memory_space<vmem_shared>>
        tpu.wait_indirect_dma semaphore(%arg19 : memref<!tpu.dma_semaphore, #tpu.memory_space<semaphore_mem>>) src(%arg11 : memref<125x64xf32, #tpu.memory_space<vmem>>) dst(%dma_wait3A_192 : memref<10000x64xf32, #tpu.memory_space<vmem_shared>>)
      } else {
      }
      %add3A_179 = arith.constant 2 : i32
      %add3A_180 = arith.addi %add3A_160, %add3A_179 : i32
      %lt3A_181 = arith.constant 80 : i32
      %lt3A_182 = arith.cmpi slt, %add3A_180, %lt3A_181 : i32
      %convert_element_type3A_183 = arith.extui %lt3A_182 : i1 to i32
      %cond3A_184 = arith.constant 0 : i32
      %cond3A_185 = arith.cmpi ne, %convert_element_type3A_183, %cond3A_184 : i32
      scf.if %cond3A_185 {
        %add3A_186 = arith.constant 2 : i32
        %add3A_187 = arith.addi %add3A_160, %add3A_186 : i32
        %dma_start3A_188 = arith.constant 0 : i32
        %dma_start3A_189 = tpu.memref_slice %arg8[%add3A_187, %dma_start3A_188] : memref<80x125xi32, #tpu.memory_space<vmem>> -> memref<1x125xi32, #tpu.memory_space<vmem>>
        %dma_start3A_190 = tpu.memref_squeeze %dma_start3A_189 : memref<1x125xi32, #tpu.memory_space<vmem>> -> memref<125xi32, #tpu.memory_space<vmem>>
        %dma_start3A_191 = arith.constant 0 : i32
        %dma_start3A_192 = arith.constant 0 : i32
        %dma_start3A_193 = tpu.memref_slice %arg2[%dma_start3A_191, %dma_start3A_192] : memref<10000x64xf32, #tpu.memory_space<hbm>> -> memref<10000x64xf32, #tpu.memory_space<hbm>>
        tpu.enqueue_indirect_dma source(%dma_start3A_193 : memref<10000x64xf32, #tpu.memory_space<hbm>>) target(%arg11 : memref<125x64xf32, #tpu.memory_space<vmem>>) offsets(%dma_start3A_190 : memref<125xi32, #tpu.memory_space<vmem>>) semaphore(%arg15 : memref<!tpu.dma_semaphore, #tpu.memory_space<semaphore_mem>>)
      } else {
      }
    }
    %scan3A_22 = arith.constant 20 : i32
    %dma_wait3A = arith.constant 0 : i32
    %dma_wait3A_23 = arith.constant 0 : i32
    %dma_wait3A_24 = tpu.memref_slice %arg9[%dma_wait3A, %dma_wait3A_23] : memref<80x125xi32, #tpu.memory_space<vmem>> -> memref<1x125xi32, #tpu.memory_space<vmem>>
    %dma_wait3A_25 = tpu.memref_squeeze %dma_wait3A_24 : memref<1x125xi32, #tpu.memory_space<vmem>> -> memref<125xi32, #tpu.memory_space<vmem>>
    %dma_wait3A_26 = arith.constant 0 : i32
    %dma_wait3A_27 = arith.constant 0 : i32
    %dma_wait3A_28 = tpu.memref_slice %arg22[%dma_wait3A_26, %dma_wait3A_27] : memref<10000x64xf32, #tpu.memory_space<vmem_shared>> -> memref<10000x64xf32, #tpu.memory_space<vmem_shared>>
    tpu.wait_indirect_dma semaphore(%arg20 : memref<!tpu.dma_semaphore, #tpu.memory_space<semaphore_mem>>) src(%arg12 : memref<125x64xf32, #tpu.memory_space<vmem>>) dst(%dma_wait3A_28 : memref<10000x64xf32, #tpu.memory_space<vmem_shared>>)
    %dma_wait3A_29 = arith.constant 0 : i32
    %dma_wait3A_30 = arith.constant 0 : i32
    %dma_wait3A_31 = tpu.memref_slice %arg9[%dma_wait3A_29, %dma_wait3A_30] : memref<80x125xi32, #tpu.memory_space<vmem>> -> memref<1x125xi32, #tpu.memory_space<vmem>>
    %dma_wait3A_32 = tpu.memref_squeeze %dma_wait3A_31 : memref<1x125xi32, #tpu.memory_space<vmem>> -> memref<125xi32, #tpu.memory_space<vmem>>
    %dma_wait3A_33 = arith.constant 0 : i32
    %dma_wait3A_34 = arith.constant 0 : i32
    %dma_wait3A_35 = tpu.memref_slice %arg22[%dma_wait3A_33, %dma_wait3A_34] : memref<10000x64xf32, #tpu.memory_space<vmem_shared>> -> memref<10000x64xf32, #tpu.memory_space<vmem_shared>>
    tpu.wait_indirect_dma semaphore(%arg21 : memref<!tpu.dma_semaphore, #tpu.memory_space<semaphore_mem>>) src(%arg13 : memref<125x64xf32, #tpu.memory_space<vmem>>) dst(%dma_wait3A_35 : memref<10000x64xf32, #tpu.memory_space<vmem_shared>>)
    %barrier3A_36 = arith.constant 0 : index
    tpu.barrier barrier_id(%barrier3A_36)
    "tpu.region"() ({
      %run_scoped3A_73 = tpu.sem_alloc : memref<!tpu.dma_semaphore, #tpu.memory_space<semaphore_mem>>
      %dma_start3A_74 = arith.constant 0 : i32
      %dma_start3A_75 = tpu.memref_slice %arg6[%arg0, %multiple_of3A, %dma_start3A_74] : memref<2x10000x64xf32, #tpu.memory_space<hbm>> -> memref<1x632x64xf32, #tpu.memory_space<hbm>>
      %dma_start3A_76 = tpu.memref_squeeze %dma_start3A_75 : memref<1x632x64xf32, #tpu.memory_space<hbm>> -> memref<632x64xf32, #tpu.memory_space<hbm>>
      %dma_start3A_77 = arith.constant 0 : i32
      %dma_start3A_78 = tpu.memref_slice %arg22[%multiple_of3A, %dma_start3A_77] : memref<10000x64xf32, #tpu.memory_space<vmem_shared>> -> memref<632x64xf32, #tpu.memory_space<vmem_shared>>
      tpu.enqueue_dma source(%dma_start3A_78 : memref<632x64xf32, #tpu.memory_space<vmem_shared>>) target(%dma_start3A_76 : memref<632x64xf32, #tpu.memory_space<hbm>>) target_semaphore(%run_scoped3A_73 : memref<!tpu.dma_semaphore, #tpu.memory_space<semaphore_mem>>)
      %dma_wait3A_79 = arith.constant 0 : i32
      %dma_wait3A_80 = tpu.memref_slice %arg6[%arg0, %multiple_of3A, %dma_wait3A_79] : memref<2x10000x64xf32, #tpu.memory_space<hbm>> -> memref<1x632x64xf32, #tpu.memory_space<hbm>>
      %dma_wait3A_81 = tpu.memref_squeeze %dma_wait3A_80 : memref<1x632x64xf32, #tpu.memory_space<hbm>> -> memref<632x64xf32, #tpu.memory_space<hbm>>
      %dma_wait3A_82 = arith.constant 0 : i32
      %dma_wait3A_83 = tpu.memref_slice %arg22[%multiple_of3A, %dma_wait3A_82] : memref<10000x64xf32, #tpu.memory_space<vmem_shared>> -> memref<632x64xf32, #tpu.memory_space<vmem_shared>>
      tpu.wait_dma2 semaphore(%run_scoped3A_73 : memref<!tpu.dma_semaphore, #tpu.memory_space<semaphore_mem>>) src(%dma_wait3A_83 : memref<632x64xf32, #tpu.memory_space<vmem_shared>>) dst(%dma_wait3A_81 : memref<632x64xf32, #tpu.memory_space<hbm>>)
      tpu.yield
    }) : () -> ()
    "tpu.region"() ({
      %run_scoped3A_73 = tpu.sem_alloc : memref<!tpu.dma_semaphore, #tpu.memory_space<semaphore_mem>>
      %dma_start3A_74 = arith.constant 0 : i32
      %dma_start3A_75 = tpu.memref_slice %arg22[%multiple_of3A, %dma_start3A_74] : memref<10000x64xf32, #tpu.memory_space<vmem_shared>> -> memref<632x64xf32, #tpu.memory_space<vmem_shared>>
      tpu.enqueue_dma source(%arg5 : memref<632x64xf32, #tpu.memory_space<hbm>>) target(%dma_start3A_75 : memref<632x64xf32, #tpu.memory_space<vmem_shared>>) target_semaphore(%run_scoped3A_73 : memref<!tpu.dma_semaphore, #tpu.memory_space<semaphore_mem>>)
      %dma_wait3A_76 = arith.constant 0 : i32
      %dma_wait3A_77 = tpu.memref_slice %arg22[%multiple_of3A, %dma_wait3A_76] : memref<10000x64xf32, #tpu.memory_space<vmem_shared>> -> memref<632x64xf32, #tpu.memory_space<vmem_shared>>
      tpu.wait_dma2 semaphore(%run_scoped3A_73 : memref<!tpu.dma_semaphore, #tpu.memory_space<semaphore_mem>>) src(%arg5 : memref<632x64xf32, #tpu.memory_space<hbm>>) dst(%dma_wait3A_77 : memref<632x64xf32, #tpu.memory_space<vmem_shared>>)
      tpu.yield
    }) : () -> ()
    %barrier3A_37 = arith.constant 0 : index
    tpu.barrier barrier_id(%barrier3A_37)
    %dma_start3A_38 = arith.constant 0 : i32
    %dma_start3A_39 = arith.constant 0 : i32
    %dma_start3A_40 = tpu.memref_slice %arg8[%dma_start3A_38, %dma_start3A_39] : memref<80x125xi32, #tpu.memory_space<vmem>> -> memref<1x125xi32, #tpu.memory_space<vmem>>
    %dma_start3A_41 = tpu.memref_squeeze %dma_start3A_40 : memref<1x125xi32, #tpu.memory_space<vmem>> -> memref<125xi32, #tpu.memory_space<vmem>>
    %dma_start3A_42 = arith.constant 0 : i32
    %dma_start3A_43 = arith.constant 0 : i32
    %dma_start3A_44 = tpu.memref_slice %arg3[%dma_start3A_42, %dma_start3A_43] : memref<10000x64xf32, #tpu.memory_space<hbm>> -> memref<10000x64xf32, #tpu.memory_space<hbm>>
    tpu.enqueue_indirect_dma source(%dma_start3A_44 : memref<10000x64xf32, #tpu.memory_space<hbm>>) target(%arg10 : memref<125x64xf32, #tpu.memory_space<vmem>>) offsets(%dma_start3A_41 : memref<125xi32, #tpu.memory_space<vmem>>) semaphore(%arg14 : memref<!tpu.dma_semaphore, #tpu.memory_space<semaphore_mem>>)
    %dma_start3A_45 = arith.constant 1 : i32
    %dma_start3A_46 = arith.constant 0 : i32
    %dma_start3A_47 = tpu.memref_slice %arg8[%dma_start3A_45, %dma_start3A_46] : memref<80x125xi32, #tpu.memory_space<vmem>> -> memref<1x125xi32, #tpu.memory_space<vmem>>
    %dma_start3A_48 = tpu.memref_squeeze %dma_start3A_47 : memref<1x125xi32, #tpu.memory_space<vmem>> -> memref<125xi32, #tpu.memory_space<vmem>>
    %dma_start3A_49 = arith.constant 0 : i32
    %dma_start3A_50 = arith.constant 0 : i32
    %dma_start3A_51 = tpu.memref_slice %arg3[%dma_start3A_49, %dma_start3A_50] : memref<10000x64xf32, #tpu.memory_space<hbm>> -> memref<10000x64xf32, #tpu.memory_space<hbm>>
    tpu.enqueue_indirect_dma source(%dma_start3A_51 : memref<10000x64xf32, #tpu.memory_space<hbm>>) target(%arg11 : memref<125x64xf32, #tpu.memory_space<vmem>>) offsets(%dma_start3A_48 : memref<125xi32, #tpu.memory_space<vmem>>) semaphore(%arg15 : memref<!tpu.dma_semaphore, #tpu.memory_space<semaphore_mem>>)
    %scan3A_52 = arith.constant 0 : i32
    %scan3A_53 = arith.constant 0 : i32
    %scan3A_54 = arith.constant 20 : i32
    %scan3A_55 = arith.addi %scan3A_53, %scan3A_54 : i32
    %scan3A_56 = arith.constant 1 : i32
    scf.for %scan3A_73 = %scan3A_53 to %scan3A_55 step %scan3A_56  : i32 {
      %mul3A_74 = arith.constant 4 : i32
      %mul3A_75 = arith.muli %mul3A_74, %scan3A_73 : i32
      %add3A_76 = arith.constant 0 : i32
      %add3A_77 = arith.addi %mul3A_75, %add3A_76 : i32
      %dma_wait3A_78 = arith.constant 0 : i32
      %dma_wait3A_79 = arith.constant 0 : i32
      %dma_wait3A_80 = tpu.memref_slice %arg8[%dma_wait3A_78, %dma_wait3A_79] : memref<80x125xi32, #tpu.memory_space<vmem>> -> memref<1x125xi32, #tpu.memory_space<vmem>>
      %dma_wait3A_81 = tpu.memref_squeeze %dma_wait3A_80 : memref<1x125xi32, #tpu.memory_space<vmem>> -> memref<125xi32, #tpu.memory_space<vmem>>
      %dma_wait3A_82 = arith.constant 0 : i32
      %dma_wait3A_83 = arith.constant 0 : i32
      %dma_wait3A_84 = tpu.memref_slice %arg3[%dma_wait3A_82, %dma_wait3A_83] : memref<10000x64xf32, #tpu.memory_space<hbm>> -> memref<10000x64xf32, #tpu.memory_space<hbm>>
      tpu.wait_indirect_dma semaphore(%arg14 : memref<!tpu.dma_semaphore, #tpu.memory_space<semaphore_mem>>) src(%dma_wait3A_84 : memref<10000x64xf32, #tpu.memory_space<hbm>>) dst(%arg10 : memref<125x64xf32, #tpu.memory_space<vmem>>)
      %dma_start3A_85 = arith.constant 0 : i32
      %dma_start3A_86 = tpu.memref_slice %arg9[%add3A_77, %dma_start3A_85] : memref<80x125xi32, #tpu.memory_space<vmem>> -> memref<1x125xi32, #tpu.memory_space<vmem>>
      %dma_start3A_87 = tpu.memref_squeeze %dma_start3A_86 : memref<1x125xi32, #tpu.memory_space<vmem>> -> memref<125xi32, #tpu.memory_space<vmem>>
      %dma_start3A_88 = arith.constant 0 : i32
      %dma_start3A_89 = arith.constant 0 : i32
      %dma_start3A_90 = tpu.memref_slice %arg22[%dma_start3A_88, %dma_start3A_89] : memref<10000x64xf32, #tpu.memory_space<vmem_shared>> -> memref<10000x64xf32, #tpu.memory_space<vmem_shared>>
      tpu.enqueue_indirect_dma source(%arg10 : memref<125x64xf32, #tpu.memory_space<vmem>>) target(%dma_start3A_90 : memref<10000x64xf32, #tpu.memory_space<vmem_shared>>) offsets(%dma_start3A_87 : memref<125xi32, #tpu.memory_space<vmem>>) semaphore(%arg18 : memref<!tpu.dma_semaphore, #tpu.memory_space<semaphore_mem>>) {add = true}
      %ge3A = arith.constant 2 : i32
      %ge3A_91 = arith.cmpi sge, %add3A_77, %ge3A : i32
      %convert_element_type3A = arith.extui %ge3A_91 : i1 to i32
      %cond3A = arith.constant 0 : i32
      %cond3A_92 = arith.cmpi ne, %convert_element_type3A, %cond3A : i32
      scf.if %cond3A_92 {
        %dma_wait3A_186 = arith.constant 0 : i32
        %dma_wait3A_187 = arith.constant 0 : i32
        %dma_wait3A_188 = tpu.memref_slice %arg9[%dma_wait3A_186, %dma_wait3A_187] : memref<80x125xi32, #tpu.memory_space<vmem>> -> memref<1x125xi32, #tpu.memory_space<vmem>>
        %dma_wait3A_189 = tpu.memref_squeeze %dma_wait3A_188 : memref<1x125xi32, #tpu.memory_space<vmem>> -> memref<125xi32, #tpu.memory_space<vmem>>
        %dma_wait3A_190 = arith.constant 0 : i32
        %dma_wait3A_191 = arith.constant 0 : i32
        %dma_wait3A_192 = tpu.memref_slice %arg22[%dma_wait3A_190, %dma_wait3A_191] : memref<10000x64xf32, #tpu.memory_space<vmem_shared>> -> memref<10000x64xf32, #tpu.memory_space<vmem_shared>>
        tpu.wait_indirect_dma semaphore(%arg20 : memref<!tpu.dma_semaphore, #tpu.memory_space<semaphore_mem>>) src(%arg12 : memref<125x64xf32, #tpu.memory_space<vmem>>) dst(%dma_wait3A_192 : memref<10000x64xf32, #tpu.memory_space<vmem_shared>>)
      } else {
      }
      %add3A_93 = arith.constant 2 : i32
      %add3A_94 = arith.addi %add3A_77, %add3A_93 : i32
      %lt3A = arith.constant 80 : i32
      %lt3A_95 = arith.cmpi slt, %add3A_94, %lt3A : i32
      %convert_element_type3A_96 = arith.extui %lt3A_95 : i1 to i32
      %cond3A_97 = arith.constant 0 : i32
      %cond3A_98 = arith.cmpi ne, %convert_element_type3A_96, %cond3A_97 : i32
      scf.if %cond3A_98 {
        %add3A_186 = arith.constant 2 : i32
        %add3A_187 = arith.addi %add3A_77, %add3A_186 : i32
        %dma_start3A_188 = arith.constant 0 : i32
        %dma_start3A_189 = tpu.memref_slice %arg8[%add3A_187, %dma_start3A_188] : memref<80x125xi32, #tpu.memory_space<vmem>> -> memref<1x125xi32, #tpu.memory_space<vmem>>
        %dma_start3A_190 = tpu.memref_squeeze %dma_start3A_189 : memref<1x125xi32, #tpu.memory_space<vmem>> -> memref<125xi32, #tpu.memory_space<vmem>>
        %dma_start3A_191 = arith.constant 0 : i32
        %dma_start3A_192 = arith.constant 0 : i32
        %dma_start3A_193 = tpu.memref_slice %arg3[%dma_start3A_191, %dma_start3A_192] : memref<10000x64xf32, #tpu.memory_space<hbm>> -> memref<10000x64xf32, #tpu.memory_space<hbm>>
        tpu.enqueue_indirect_dma source(%dma_start3A_193 : memref<10000x64xf32, #tpu.memory_space<hbm>>) target(%arg12 : memref<125x64xf32, #tpu.memory_space<vmem>>) offsets(%dma_start3A_190 : memref<125xi32, #tpu.memory_space<vmem>>) semaphore(%arg16 : memref<!tpu.dma_semaphore, #tpu.memory_space<semaphore_mem>>)
      } else {
      }
      %mul3A_99 = arith.constant 4 : i32
      %mul3A_100 = arith.muli %mul3A_99, %scan3A_73 : i32
      %add3A_101 = arith.constant 1 : i32
      %add3A_102 = arith.addi %mul3A_100, %add3A_101 : i32
      %dma_wait3A_103 = arith.constant 0 : i32
      %dma_wait3A_104 = arith.constant 0 : i32
      %dma_wait3A_105 = tpu.memref_slice %arg8[%dma_wait3A_103, %dma_wait3A_104] : memref<80x125xi32, #tpu.memory_space<vmem>> -> memref<1x125xi32, #tpu.memory_space<vmem>>
      %dma_wait3A_106 = tpu.memref_squeeze %dma_wait3A_105 : memref<1x125xi32, #tpu.memory_space<vmem>> -> memref<125xi32, #tpu.memory_space<vmem>>
      %dma_wait3A_107 = arith.constant 0 : i32
      %dma_wait3A_108 = arith.constant 0 : i32
      %dma_wait3A_109 = tpu.memref_slice %arg3[%dma_wait3A_107, %dma_wait3A_108] : memref<10000x64xf32, #tpu.memory_space<hbm>> -> memref<10000x64xf32, #tpu.memory_space<hbm>>
      tpu.wait_indirect_dma semaphore(%arg15 : memref<!tpu.dma_semaphore, #tpu.memory_space<semaphore_mem>>) src(%dma_wait3A_109 : memref<10000x64xf32, #tpu.memory_space<hbm>>) dst(%arg11 : memref<125x64xf32, #tpu.memory_space<vmem>>)
      %dma_start3A_110 = arith.constant 0 : i32
      %dma_start3A_111 = tpu.memref_slice %arg9[%add3A_102, %dma_start3A_110] : memref<80x125xi32, #tpu.memory_space<vmem>> -> memref<1x125xi32, #tpu.memory_space<vmem>>
      %dma_start3A_112 = tpu.memref_squeeze %dma_start3A_111 : memref<1x125xi32, #tpu.memory_space<vmem>> -> memref<125xi32, #tpu.memory_space<vmem>>
      %dma_start3A_113 = arith.constant 0 : i32
      %dma_start3A_114 = arith.constant 0 : i32
      %dma_start3A_115 = tpu.memref_slice %arg22[%dma_start3A_113, %dma_start3A_114] : memref<10000x64xf32, #tpu.memory_space<vmem_shared>> -> memref<10000x64xf32, #tpu.memory_space<vmem_shared>>
      tpu.enqueue_indirect_dma source(%arg11 : memref<125x64xf32, #tpu.memory_space<vmem>>) target(%dma_start3A_115 : memref<10000x64xf32, #tpu.memory_space<vmem_shared>>) offsets(%dma_start3A_112 : memref<125xi32, #tpu.memory_space<vmem>>) semaphore(%arg19 : memref<!tpu.dma_semaphore, #tpu.memory_space<semaphore_mem>>) {add = true}
      %ge3A_116 = arith.constant 2 : i32
      %ge3A_117 = arith.cmpi sge, %add3A_102, %ge3A_116 : i32
      %convert_element_type3A_118 = arith.extui %ge3A_117 : i1 to i32
      %cond3A_119 = arith.constant 0 : i32
      %cond3A_120 = arith.cmpi ne, %convert_element_type3A_118, %cond3A_119 : i32
      scf.if %cond3A_120 {
        %dma_wait3A_186 = arith.constant 0 : i32
        %dma_wait3A_187 = arith.constant 0 : i32
        %dma_wait3A_188 = tpu.memref_slice %arg9[%dma_wait3A_186, %dma_wait3A_187] : memref<80x125xi32, #tpu.memory_space<vmem>> -> memref<1x125xi32, #tpu.memory_space<vmem>>
        %dma_wait3A_189 = tpu.memref_squeeze %dma_wait3A_188 : memref<1x125xi32, #tpu.memory_space<vmem>> -> memref<125xi32, #tpu.memory_space<vmem>>
        %dma_wait3A_190 = arith.constant 0 : i32
        %dma_wait3A_191 = arith.constant 0 : i32
        %dma_wait3A_192 = tpu.memref_slice %arg22[%dma_wait3A_190, %dma_wait3A_191] : memref<10000x64xf32, #tpu.memory_space<vmem_shared>> -> memref<10000x64xf32, #tpu.memory_space<vmem_shared>>
        tpu.wait_indirect_dma semaphore(%arg21 : memref<!tpu.dma_semaphore, #tpu.memory_space<semaphore_mem>>) src(%arg13 : memref<125x64xf32, #tpu.memory_space<vmem>>) dst(%dma_wait3A_192 : memref<10000x64xf32, #tpu.memory_space<vmem_shared>>)
      } else {
      }
      %add3A_121 = arith.constant 2 : i32
      %add3A_122 = arith.addi %add3A_102, %add3A_121 : i32
      %lt3A_123 = arith.constant 80 : i32
      %lt3A_124 = arith.cmpi slt, %add3A_122, %lt3A_123 : i32
      %convert_element_type3A_125 = arith.extui %lt3A_124 : i1 to i32
      %cond3A_126 = arith.constant 0 : i32
      %cond3A_127 = arith.cmpi ne, %convert_element_type3A_125, %cond3A_126 : i32
      scf.if %cond3A_127 {
        %add3A_186 = arith.constant 2 : i32
        %add3A_187 = arith.addi %add3A_102, %add3A_186 : i32
        %dma_start3A_188 = arith.constant 0 : i32
        %dma_start3A_189 = tpu.memref_slice %arg8[%add3A_187, %dma_start3A_188] : memref<80x125xi32, #tpu.memory_space<vmem>> -> memref<1x125xi32, #tpu.memory_space<vmem>>
        %dma_start3A_190 = tpu.memref_squeeze %dma_start3A_189 : memref<1x125xi32, #tpu.memory_space<vmem>> -> memref<125xi32, #tpu.memory_space<vmem>>
        %dma_start3A_191 = arith.constant 0 : i32
        %dma_start3A_192 = arith.constant 0 : i32
        %dma_start3A_193 = tpu.memref_slice %arg3[%dma_start3A_191, %dma_start3A_192] : memref<10000x64xf32, #tpu.memory_space<hbm>> -> memref<10000x64xf32, #tpu.memory_space<hbm>>
        tpu.enqueue_indirect_dma source(%dma_start3A_193 : memref<10000x64xf32, #tpu.memory_space<hbm>>) target(%arg13 : memref<125x64xf32, #tpu.memory_space<vmem>>) offsets(%dma_start3A_190 : memref<125xi32, #tpu.memory_space<vmem>>) semaphore(%arg17 : memref<!tpu.dma_semaphore, #tpu.memory_space<semaphore_mem>>)
      } else {
      }
      %mul3A_128 = arith.constant 4 : i32
      %mul3A_129 = arith.muli %mul3A_128, %scan3A_73 : i32
      %add3A_130 = arith.constant 2 : i32
      %add3A_131 = arith.addi %mul3A_129, %add3A_130 : i32
      %dma_wait3A_132 = arith.constant 0 : i32
      %dma_wait3A_133 = arith.constant 0 : i32
      %dma_wait3A_134 = tpu.memref_slice %arg8[%dma_wait3A_132, %dma_wait3A_133] : memref<80x125xi32, #tpu.memory_space<vmem>> -> memref<1x125xi32, #tpu.memory_space<vmem>>
      %dma_wait3A_135 = tpu.memref_squeeze %dma_wait3A_134 : memref<1x125xi32, #tpu.memory_space<vmem>> -> memref<125xi32, #tpu.memory_space<vmem>>
      %dma_wait3A_136 = arith.constant 0 : i32
      %dma_wait3A_137 = arith.constant 0 : i32
      %dma_wait3A_138 = tpu.memref_slice %arg3[%dma_wait3A_136, %dma_wait3A_137] : memref<10000x64xf32, #tpu.memory_space<hbm>> -> memref<10000x64xf32, #tpu.memory_space<hbm>>
      tpu.wait_indirect_dma semaphore(%arg16 : memref<!tpu.dma_semaphore, #tpu.memory_space<semaphore_mem>>) src(%dma_wait3A_138 : memref<10000x64xf32, #tpu.memory_space<hbm>>) dst(%arg12 : memref<125x64xf32, #tpu.memory_space<vmem>>)
      %dma_start3A_139 = arith.constant 0 : i32
      %dma_start3A_140 = tpu.memref_slice %arg9[%add3A_131, %dma_start3A_139] : memref<80x125xi32, #tpu.memory_space<vmem>> -> memref<1x125xi32, #tpu.memory_space<vmem>>
      %dma_start3A_141 = tpu.memref_squeeze %dma_start3A_140 : memref<1x125xi32, #tpu.memory_space<vmem>> -> memref<125xi32, #tpu.memory_space<vmem>>
      %dma_start3A_142 = arith.constant 0 : i32
      %dma_start3A_143 = arith.constant 0 : i32
      %dma_start3A_144 = tpu.memref_slice %arg22[%dma_start3A_142, %dma_start3A_143] : memref<10000x64xf32, #tpu.memory_space<vmem_shared>> -> memref<10000x64xf32, #tpu.memory_space<vmem_shared>>
      tpu.enqueue_indirect_dma source(%arg12 : memref<125x64xf32, #tpu.memory_space<vmem>>) target(%dma_start3A_144 : memref<10000x64xf32, #tpu.memory_space<vmem_shared>>) offsets(%dma_start3A_141 : memref<125xi32, #tpu.memory_space<vmem>>) semaphore(%arg20 : memref<!tpu.dma_semaphore, #tpu.memory_space<semaphore_mem>>) {add = true}
      %ge3A_145 = arith.constant 2 : i32
      %ge3A_146 = arith.cmpi sge, %add3A_131, %ge3A_145 : i32
      %convert_element_type3A_147 = arith.extui %ge3A_146 : i1 to i32
      %cond3A_148 = arith.constant 0 : i32
      %cond3A_149 = arith.cmpi ne, %convert_element_type3A_147, %cond3A_148 : i32
      scf.if %cond3A_149 {
        %dma_wait3A_186 = arith.constant 0 : i32
        %dma_wait3A_187 = arith.constant 0 : i32
        %dma_wait3A_188 = tpu.memref_slice %arg9[%dma_wait3A_186, %dma_wait3A_187] : memref<80x125xi32, #tpu.memory_space<vmem>> -> memref<1x125xi32, #tpu.memory_space<vmem>>
        %dma_wait3A_189 = tpu.memref_squeeze %dma_wait3A_188 : memref<1x125xi32, #tpu.memory_space<vmem>> -> memref<125xi32, #tpu.memory_space<vmem>>
        %dma_wait3A_190 = arith.constant 0 : i32
        %dma_wait3A_191 = arith.constant 0 : i32
        %dma_wait3A_192 = tpu.memref_slice %arg22[%dma_wait3A_190, %dma_wait3A_191] : memref<10000x64xf32, #tpu.memory_space<vmem_shared>> -> memref<10000x64xf32, #tpu.memory_space<vmem_shared>>
        tpu.wait_indirect_dma semaphore(%arg18 : memref<!tpu.dma_semaphore, #tpu.memory_space<semaphore_mem>>) src(%arg10 : memref<125x64xf32, #tpu.memory_space<vmem>>) dst(%dma_wait3A_192 : memref<10000x64xf32, #tpu.memory_space<vmem_shared>>)
      } else {
      }
      %add3A_150 = arith.constant 2 : i32
      %add3A_151 = arith.addi %add3A_131, %add3A_150 : i32
      %lt3A_152 = arith.constant 80 : i32
      %lt3A_153 = arith.cmpi slt, %add3A_151, %lt3A_152 : i32
      %convert_element_type3A_154 = arith.extui %lt3A_153 : i1 to i32
      %cond3A_155 = arith.constant 0 : i32
      %cond3A_156 = arith.cmpi ne, %convert_element_type3A_154, %cond3A_155 : i32
      scf.if %cond3A_156 {
        %add3A_186 = arith.constant 2 : i32
        %add3A_187 = arith.addi %add3A_131, %add3A_186 : i32
        %dma_start3A_188 = arith.constant 0 : i32
        %dma_start3A_189 = tpu.memref_slice %arg8[%add3A_187, %dma_start3A_188] : memref<80x125xi32, #tpu.memory_space<vmem>> -> memref<1x125xi32, #tpu.memory_space<vmem>>
        %dma_start3A_190 = tpu.memref_squeeze %dma_start3A_189 : memref<1x125xi32, #tpu.memory_space<vmem>> -> memref<125xi32, #tpu.memory_space<vmem>>
        %dma_start3A_191 = arith.constant 0 : i32
        %dma_start3A_192 = arith.constant 0 : i32
        %dma_start3A_193 = tpu.memref_slice %arg3[%dma_start3A_191, %dma_start3A_192] : memref<10000x64xf32, #tpu.memory_space<hbm>> -> memref<10000x64xf32, #tpu.memory_space<hbm>>
        tpu.enqueue_indirect_dma source(%dma_start3A_193 : memref<10000x64xf32, #tpu.memory_space<hbm>>) target(%arg10 : memref<125x64xf32, #tpu.memory_space<vmem>>) offsets(%dma_start3A_190 : memref<125xi32, #tpu.memory_space<vmem>>) semaphore(%arg14 : memref<!tpu.dma_semaphore, #tpu.memory_space<semaphore_mem>>)
      } else {
      }
      %mul3A_157 = arith.constant 4 : i32
      %mul3A_158 = arith.muli %mul3A_157, %scan3A_73 : i32
      %add3A_159 = arith.constant 3 : i32
      %add3A_160 = arith.addi %mul3A_158, %add3A_159 : i32
      %dma_wait3A_161 = arith.constant 0 : i32
      %dma_wait3A_162 = arith.constant 0 : i32
      %dma_wait3A_163 = tpu.memref_slice %arg8[%dma_wait3A_161, %dma_wait3A_162] : memref<80x125xi32, #tpu.memory_space<vmem>> -> memref<1x125xi32, #tpu.memory_space<vmem>>
      %dma_wait3A_164 = tpu.memref_squeeze %dma_wait3A_163 : memref<1x125xi32, #tpu.memory_space<vmem>> -> memref<125xi32, #tpu.memory_space<vmem>>
      %dma_wait3A_165 = arith.constant 0 : i32
      %dma_wait3A_166 = arith.constant 0 : i32
      %dma_wait3A_167 = tpu.memref_slice %arg3[%dma_wait3A_165, %dma_wait3A_166] : memref<10000x64xf32, #tpu.memory_space<hbm>> -> memref<10000x64xf32, #tpu.memory_space<hbm>>
      tpu.wait_indirect_dma semaphore(%arg17 : memref<!tpu.dma_semaphore, #tpu.memory_space<semaphore_mem>>) src(%dma_wait3A_167 : memref<10000x64xf32, #tpu.memory_space<hbm>>) dst(%arg13 : memref<125x64xf32, #tpu.memory_space<vmem>>)
      %dma_start3A_168 = arith.constant 0 : i32
      %dma_start3A_169 = tpu.memref_slice %arg9[%add3A_160, %dma_start3A_168] : memref<80x125xi32, #tpu.memory_space<vmem>> -> memref<1x125xi32, #tpu.memory_space<vmem>>
      %dma_start3A_170 = tpu.memref_squeeze %dma_start3A_169 : memref<1x125xi32, #tpu.memory_space<vmem>> -> memref<125xi32, #tpu.memory_space<vmem>>
      %dma_start3A_171 = arith.constant 0 : i32
      %dma_start3A_172 = arith.constant 0 : i32
      %dma_start3A_173 = tpu.memref_slice %arg22[%dma_start3A_171, %dma_start3A_172] : memref<10000x64xf32, #tpu.memory_space<vmem_shared>> -> memref<10000x64xf32, #tpu.memory_space<vmem_shared>>
      tpu.enqueue_indirect_dma source(%arg13 : memref<125x64xf32, #tpu.memory_space<vmem>>) target(%dma_start3A_173 : memref<10000x64xf32, #tpu.memory_space<vmem_shared>>) offsets(%dma_start3A_170 : memref<125xi32, #tpu.memory_space<vmem>>) semaphore(%arg21 : memref<!tpu.dma_semaphore, #tpu.memory_space<semaphore_mem>>) {add = true}
      %ge3A_174 = arith.constant 2 : i32
      %ge3A_175 = arith.cmpi sge, %add3A_160, %ge3A_174 : i32
      %convert_element_type3A_176 = arith.extui %ge3A_175 : i1 to i32
      %cond3A_177 = arith.constant 0 : i32
      %cond3A_178 = arith.cmpi ne, %convert_element_type3A_176, %cond3A_177 : i32
      scf.if %cond3A_178 {
        %dma_wait3A_186 = arith.constant 0 : i32
        %dma_wait3A_187 = arith.constant 0 : i32
        %dma_wait3A_188 = tpu.memref_slice %arg9[%dma_wait3A_186, %dma_wait3A_187] : memref<80x125xi32, #tpu.memory_space<vmem>> -> memref<1x125xi32, #tpu.memory_space<vmem>>
        %dma_wait3A_189 = tpu.memref_squeeze %dma_wait3A_188 : memref<1x125xi32, #tpu.memory_space<vmem>> -> memref<125xi32, #tpu.memory_space<vmem>>
        %dma_wait3A_190 = arith.constant 0 : i32
        %dma_wait3A_191 = arith.constant 0 : i32
        %dma_wait3A_192 = tpu.memref_slice %arg22[%dma_wait3A_190, %dma_wait3A_191] : memref<10000x64xf32, #tpu.memory_space<vmem_shared>> -> memref<10000x64xf32, #tpu.memory_space<vmem_shared>>
        tpu.wait_indirect_dma semaphore(%arg19 : memref<!tpu.dma_semaphore, #tpu.memory_space<semaphore_mem>>) src(%arg11 : memref<125x64xf32, #tpu.memory_space<vmem>>) dst(%dma_wait3A_192 : memref<10000x64xf32, #tpu.memory_space<vmem_shared>>)
      } else {
      }
      %add3A_179 = arith.constant 2 : i32
      %add3A_180 = arith.addi %add3A_160, %add3A_179 : i32
      %lt3A_181 = arith.constant 80 : i32
      %lt3A_182 = arith.cmpi slt, %add3A_180, %lt3A_181 : i32
      %convert_element_type3A_183 = arith.extui %lt3A_182 : i1 to i32
      %cond3A_184 = arith.constant 0 : i32
      %cond3A_185 = arith.cmpi ne, %convert_element_type3A_183, %cond3A_184 : i32
      scf.if %cond3A_185 {
        %add3A_186 = arith.constant 2 : i32
        %add3A_187 = arith.addi %add3A_160, %add3A_186 : i32
        %dma_start3A_188 = arith.constant 0 : i32
        %dma_start3A_189 = tpu.memref_slice %arg8[%add3A_187, %dma_start3A_188] : memref<80x125xi32, #tpu.memory_space<vmem>> -> memref<1x125xi32, #tpu.memory_space<vmem>>
        %dma_start3A_190 = tpu.memref_squeeze %dma_start3A_189 : memref<1x125xi32, #tpu.memory_space<vmem>> -> memref<125xi32, #tpu.memory_space<vmem>>
        %dma_start3A_191 = arith.constant 0 : i32
        %dma_start3A_192 = arith.constant 0 : i32
        %dma_start3A_193 = tpu.memref_slice %arg3[%dma_start3A_191, %dma_start3A_192] : memref<10000x64xf32, #tpu.memory_space<hbm>> -> memref<10000x64xf32, #tpu.memory_space<hbm>>
        tpu.enqueue_indirect_dma source(%dma_start3A_193 : memref<10000x64xf32, #tpu.memory_space<hbm>>) target(%arg11 : memref<125x64xf32, #tpu.memory_space<vmem>>) offsets(%dma_start3A_190 : memref<125xi32, #tpu.memory_space<vmem>>) semaphore(%arg15 : memref<!tpu.dma_semaphore, #tpu.memory_space<semaphore_mem>>)
      } else {
      }
    }
    %scan3A_57 = arith.constant 20 : i32
    %dma_wait3A_58 = arith.constant 0 : i32
    %dma_wait3A_59 = arith.constant 0 : i32
    %dma_wait3A_60 = tpu.memref_slice %arg9[%dma_wait3A_58, %dma_wait3A_59] : memref<80x125xi32, #tpu.memory_space<vmem>> -> memref<1x125xi32, #tpu.memory_space<vmem>>
    %dma_wait3A_61 = tpu.memref_squeeze %dma_wait3A_60 : memref<1x125xi32, #tpu.memory_space<vmem>> -> memref<125xi32, #tpu.memory_space<vmem>>
    %dma_wait3A_62 = arith.constant 0 : i32
    %dma_wait3A_63 = arith.constant 0 : i32
    %dma_wait3A_64 = tpu.memref_slice %arg22[%dma_wait3A_62, %dma_wait3A_63] : memref<10000x64xf32, #tpu.memory_space<vmem_shared>> -> memref<10000x64xf32, #tpu.memory_space<vmem_shared>>
    tpu.wait_indirect_dma semaphore(%arg20 : memref<!tpu.dma_semaphore, #tpu.memory_space<semaphore_mem>>) src(%arg12 : memref<125x64xf32, #tpu.memory_space<vmem>>) dst(%dma_wait3A_64 : memref<10000x64xf32, #tpu.memory_space<vmem_shared>>)
    %dma_wait3A_65 = arith.constant 0 : i32
    %dma_wait3A_66 = arith.constant 0 : i32
    %dma_wait3A_67 = tpu.memref_slice %arg9[%dma_wait3A_65, %dma_wait3A_66] : memref<80x125xi32, #tpu.memory_space<vmem>> -> memref<1x125xi32, #tpu.memory_space<vmem>>
    %dma_wait3A_68 = tpu.memref_squeeze %dma_wait3A_67 : memref<1x125xi32, #tpu.memory_space<vmem>> -> memref<125xi32, #tpu.memory_space<vmem>>
    %dma_wait3A_69 = arith.constant 0 : i32
    %dma_wait3A_70 = arith.constant 0 : i32
    %dma_wait3A_71 = tpu.memref_slice %arg22[%dma_wait3A_69, %dma_wait3A_70] : memref<10000x64xf32, #tpu.memory_space<vmem_shared>> -> memref<10000x64xf32, #tpu.memory_space<vmem_shared>>
    tpu.wait_indirect_dma semaphore(%arg21 : memref<!tpu.dma_semaphore, #tpu.memory_space<semaphore_mem>>) src(%arg13 : memref<125x64xf32, #tpu.memory_space<vmem>>) dst(%dma_wait3A_71 : memref<10000x64xf32, #tpu.memory_space<vmem_shared>>)
    %barrier3A_72 = arith.constant 0 : index
    tpu.barrier barrier_id(%barrier3A_72)
    "tpu.region"() ({
      %run_scoped3A_73 = tpu.sem_alloc : memref<!tpu.dma_semaphore, #tpu.memory_space<semaphore_mem>>
      %dma_start3A_74 = arith.constant 0 : i32
      %dma_start3A_75 = tpu.memref_slice %arg7[%arg0, %multiple_of3A, %dma_start3A_74] : memref<2x10000x64xf32, #tpu.memory_space<hbm>> -> memref<1x632x64xf32, #tpu.memory_space<hbm>>
      %dma_start3A_76 = tpu.memref_squeeze %dma_start3A_75 : memref<1x632x64xf32, #tpu.memory_space<hbm>> -> memref<632x64xf32, #tpu.memory_space<hbm>>
      %dma_start3A_77 = arith.constant 0 : i32
      %dma_start3A_78 = tpu.memref_slice %arg22[%multiple_of3A, %dma_start3A_77] : memref<10000x64xf32, #tpu.memory_space<vmem_shared>> -> memref<632x64xf32, #tpu.memory_space<vmem_shared>>
      tpu.enqueue_dma source(%dma_start3A_78 : memref<632x64xf32, #tpu.memory_space<vmem_shared>>) target(%dma_start3A_76 : memref<632x64xf32, #tpu.memory_space<hbm>>) target_semaphore(%run_scoped3A_73 : memref<!tpu.dma_semaphore, #tpu.memory_space<semaphore_mem>>)
      %dma_wait3A_79 = arith.constant 0 : i32
      %dma_wait3A_80 = tpu.memref_slice %arg7[%arg0, %multiple_of3A, %dma_wait3A_79] : memref<2x10000x64xf32, #tpu.memory_space<hbm>> -> memref<1x632x64xf32, #tpu.memory_space<hbm>>
      %dma_wait3A_81 = tpu.memref_squeeze %dma_wait3A_80 : memref<1x632x64xf32, #tpu.memory_space<hbm>> -> memref<632x64xf32, #tpu.memory_space<hbm>>
      %dma_wait3A_82 = arith.constant 0 : i32
      %dma_wait3A_83 = tpu.memref_slice %arg22[%multiple_of3A, %dma_wait3A_82] : memref<10000x64xf32, #tpu.memory_space<vmem_shared>> -> memref<632x64xf32, #tpu.memory_space<vmem_shared>>
      tpu.wait_dma2 semaphore(%run_scoped3A_73 : memref<!tpu.dma_semaphore, #tpu.memory_space<semaphore_mem>>) src(%dma_wait3A_83 : memref<632x64xf32, #tpu.memory_space<vmem_shared>>) dst(%dma_wait3A_81 : memref<632x64xf32, #tpu.memory_space<hbm>>)
      tpu.yield
    }) : () -> ()
    return
  }
}

#map = affine_map<(d0, d1) -> (0, 0)>
#map1 = affine_map<(d0, d1) -> (0, 0, 0, 0)>
#map2 = affine_map<(d0, d1) -> (0, 0, 0)>
module attributes {stable_mosaic.version = 14 : i64} {
  func.func @agg_kernel(%arg0: i32, %arg1: i32, %arg2: memref<10000x64xf32, #tpu.memory_space<hbm>>, %arg3: memref<2x32x80x125xi32, #tpu.memory_space<hbm>>, %arg4: memref<632x64xf32, #tpu.memory_space<hbm>>, %arg5: memref<2x10000x64xf32, #tpu.memory_space<hbm>>, %arg6: memref<80x125xi32, #tpu.memory_space<vmem>>, %arg7: memref<80x125xi32, #tpu.memory_space<vmem>>, %arg8: memref<125x64xf32, #tpu.memory_space<vmem>>, %arg9: memref<125x64xf32, #tpu.memory_space<vmem>>, %arg10: memref<125x64xf32, #tpu.memory_space<vmem>>, %arg11: memref<125x64xf32, #tpu.memory_space<vmem>>, %arg12: memref<!tpu.dma_semaphore, #tpu.memory_space<semaphore_mem>>, %arg13: memref<!tpu.dma_semaphore, #tpu.memory_space<semaphore_mem>>, %arg14: memref<!tpu.dma_semaphore, #tpu.memory_space<semaphore_mem>>, %arg15: memref<!tpu.dma_semaphore, #tpu.memory_space<semaphore_mem>>, %arg16: memref<!tpu.dma_semaphore, #tpu.memory_space<semaphore_mem>>, %arg17: memref<!tpu.dma_semaphore, #tpu.memory_space<semaphore_mem>>, %arg18: memref<!tpu.dma_semaphore, #tpu.memory_space<semaphore_mem>>, %arg19: memref<!tpu.dma_semaphore, #tpu.memory_space<semaphore_mem>>, %arg20: memref<10000x64xf32, #tpu.memory_space<vmem_shared>>) attributes {dimension_semantics = [#tpu.dimension_semantics<core_parallel>, #tpu.dimension_semantics<subcore_parallel>], iteration_bounds = array<i64: 2, 16>, scalar_prefetch = 0 : i64, scratch_operands = 15 : i64, tpu.core_type = #tpu.core_type<sc_vector_subcore>, window_params = [{transform_indices = #map}, {transform_indices = #map1}, {transform_indices = #map}, {transform_indices = #map2}]} {
    %mul3A = arith.constant 2 : i32
    %mul3A_0 = arith.muli %arg1, %mul3A : i32
    %add3A = arith.addi %mul3A_0, %arg0 : i32
    %mul3A_1 = arith.constant 632 : i32
    %mul3A_2 = arith.muli %arg1, %mul3A_1 : i32
    %min3A = arith.constant 9368 : i32
    %min3A_3 = arith.minsi %mul3A_2, %min3A : i32
    %multiple_of3A = tpu.assume_multiple %min3A_3, 8 : i32
    %run_scoped3A = arith.constant 0 : i32
    "tpu.region"() ({
      %run_scoped3A_37 = tpu.sem_alloc : memref<!tpu.dma_semaphore, #tpu.memory_space<semaphore_mem>>
      %dma_start3A_38 = arith.constant 0 : i32
      %dma_start3A_39 = arith.constant 0 : i32
      %dma_start3A_40 = tpu.memref_slice %arg3[%run_scoped3A, %add3A, %dma_start3A_38, %dma_start3A_39] : memref<2x32x80x125xi32, #tpu.memory_space<hbm>> -> memref<1x1x80x125xi32, #tpu.memory_space<hbm>>
      %dma_start3A_41 = tpu.memref_squeeze %dma_start3A_40 : memref<1x1x80x125xi32, #tpu.memory_space<hbm>> -> memref<80x125xi32, #tpu.memory_space<hbm>>
      %dma_start3A_42 = arith.constant 0 : i32
      %dma_start3A_43 = arith.constant 0 : i32
      %dma_start3A_44 = tpu.memref_slice %arg3[%run_scoped3A, %add3A, %dma_start3A_42, %dma_start3A_43] : memref<2x32x80x125xi32, #tpu.memory_space<hbm>> -> memref<1x1x80x125xi32, #tpu.memory_space<hbm>>
      %dma_start3A_45 = tpu.memref_squeeze %dma_start3A_44 : memref<1x1x80x125xi32, #tpu.memory_space<hbm>> -> memref<80x125xi32, #tpu.memory_space<hbm>>
      tpu.enqueue_dma source(%dma_start3A_45 : memref<80x125xi32, #tpu.memory_space<hbm>>) target(%arg6 : memref<80x125xi32, #tpu.memory_space<vmem>>) target_semaphore(%run_scoped3A_37 : memref<!tpu.dma_semaphore, #tpu.memory_space<semaphore_mem>>)
      %dma_wait3A_46 = arith.constant 0 : i32
      %dma_wait3A_47 = arith.constant 0 : i32
      %dma_wait3A_48 = tpu.memref_slice %arg3[%run_scoped3A, %add3A, %dma_wait3A_46, %dma_wait3A_47] : memref<2x32x80x125xi32, #tpu.memory_space<hbm>> -> memref<1x1x80x125xi32, #tpu.memory_space<hbm>>
      %dma_wait3A_49 = tpu.memref_squeeze %dma_wait3A_48 : memref<1x1x80x125xi32, #tpu.memory_space<hbm>> -> memref<80x125xi32, #tpu.memory_space<hbm>>
      %dma_wait3A_50 = arith.constant 0 : i32
      %dma_wait3A_51 = arith.constant 0 : i32
      %dma_wait3A_52 = tpu.memref_slice %arg3[%run_scoped3A, %add3A, %dma_wait3A_50, %dma_wait3A_51] : memref<2x32x80x125xi32, #tpu.memory_space<hbm>> -> memref<1x1x80x125xi32, #tpu.memory_space<hbm>>
      %dma_wait3A_53 = tpu.memref_squeeze %dma_wait3A_52 : memref<1x1x80x125xi32, #tpu.memory_space<hbm>> -> memref<80x125xi32, #tpu.memory_space<hbm>>
      tpu.wait_dma2 semaphore(%run_scoped3A_37 : memref<!tpu.dma_semaphore, #tpu.memory_space<semaphore_mem>>) src(%dma_wait3A_53 : memref<80x125xi32, #tpu.memory_space<hbm>>) dst(%arg6 : memref<80x125xi32, #tpu.memory_space<vmem>>)
      tpu.yield
    }) : () -> ()
    %run_scoped3A_4 = arith.constant 1 : i32
    "tpu.region"() ({
      %run_scoped3A_37 = tpu.sem_alloc : memref<!tpu.dma_semaphore, #tpu.memory_space<semaphore_mem>>
      %dma_start3A_38 = arith.constant 0 : i32
      %dma_start3A_39 = arith.constant 0 : i32
      %dma_start3A_40 = tpu.memref_slice %arg3[%run_scoped3A_4, %add3A, %dma_start3A_38, %dma_start3A_39] : memref<2x32x80x125xi32, #tpu.memory_space<hbm>> -> memref<1x1x80x125xi32, #tpu.memory_space<hbm>>
      %dma_start3A_41 = tpu.memref_squeeze %dma_start3A_40 : memref<1x1x80x125xi32, #tpu.memory_space<hbm>> -> memref<80x125xi32, #tpu.memory_space<hbm>>
      %dma_start3A_42 = arith.constant 0 : i32
      %dma_start3A_43 = arith.constant 0 : i32
      %dma_start3A_44 = tpu.memref_slice %arg3[%run_scoped3A_4, %add3A, %dma_start3A_42, %dma_start3A_43] : memref<2x32x80x125xi32, #tpu.memory_space<hbm>> -> memref<1x1x80x125xi32, #tpu.memory_space<hbm>>
      %dma_start3A_45 = tpu.memref_squeeze %dma_start3A_44 : memref<1x1x80x125xi32, #tpu.memory_space<hbm>> -> memref<80x125xi32, #tpu.memory_space<hbm>>
      tpu.enqueue_dma source(%dma_start3A_45 : memref<80x125xi32, #tpu.memory_space<hbm>>) target(%arg7 : memref<80x125xi32, #tpu.memory_space<vmem>>) target_semaphore(%run_scoped3A_37 : memref<!tpu.dma_semaphore, #tpu.memory_space<semaphore_mem>>)
      %dma_wait3A_46 = arith.constant 0 : i32
      %dma_wait3A_47 = arith.constant 0 : i32
      %dma_wait3A_48 = tpu.memref_slice %arg3[%run_scoped3A_4, %add3A, %dma_wait3A_46, %dma_wait3A_47] : memref<2x32x80x125xi32, #tpu.memory_space<hbm>> -> memref<1x1x80x125xi32, #tpu.memory_space<hbm>>
      %dma_wait3A_49 = tpu.memref_squeeze %dma_wait3A_48 : memref<1x1x80x125xi32, #tpu.memory_space<hbm>> -> memref<80x125xi32, #tpu.memory_space<hbm>>
      %dma_wait3A_50 = arith.constant 0 : i32
      %dma_wait3A_51 = arith.constant 0 : i32
      %dma_wait3A_52 = tpu.memref_slice %arg3[%run_scoped3A_4, %add3A, %dma_wait3A_50, %dma_wait3A_51] : memref<2x32x80x125xi32, #tpu.memory_space<hbm>> -> memref<1x1x80x125xi32, #tpu.memory_space<hbm>>
      %dma_wait3A_53 = tpu.memref_squeeze %dma_wait3A_52 : memref<1x1x80x125xi32, #tpu.memory_space<hbm>> -> memref<80x125xi32, #tpu.memory_space<hbm>>
      tpu.wait_dma2 semaphore(%run_scoped3A_37 : memref<!tpu.dma_semaphore, #tpu.memory_space<semaphore_mem>>) src(%dma_wait3A_53 : memref<80x125xi32, #tpu.memory_space<hbm>>) dst(%arg7 : memref<80x125xi32, #tpu.memory_space<vmem>>)
      tpu.yield
    }) : () -> ()
    "tpu.region"() ({
      %run_scoped3A_37 = tpu.sem_alloc : memref<!tpu.dma_semaphore, #tpu.memory_space<semaphore_mem>>
      %dma_start3A_38 = arith.constant 0 : i32
      %dma_start3A_39 = tpu.memref_slice %arg20[%multiple_of3A, %dma_start3A_38] : memref<10000x64xf32, #tpu.memory_space<vmem_shared>> -> memref<632x64xf32, #tpu.memory_space<vmem_shared>>
      tpu.enqueue_dma source(%arg4 : memref<632x64xf32, #tpu.memory_space<hbm>>) target(%dma_start3A_39 : memref<632x64xf32, #tpu.memory_space<vmem_shared>>) target_semaphore(%run_scoped3A_37 : memref<!tpu.dma_semaphore, #tpu.memory_space<semaphore_mem>>)
      %dma_wait3A_40 = arith.constant 0 : i32
      %dma_wait3A_41 = tpu.memref_slice %arg20[%multiple_of3A, %dma_wait3A_40] : memref<10000x64xf32, #tpu.memory_space<vmem_shared>> -> memref<632x64xf32, #tpu.memory_space<vmem_shared>>
      tpu.wait_dma2 semaphore(%run_scoped3A_37 : memref<!tpu.dma_semaphore, #tpu.memory_space<semaphore_mem>>) src(%arg4 : memref<632x64xf32, #tpu.memory_space<hbm>>) dst(%dma_wait3A_41 : memref<632x64xf32, #tpu.memory_space<vmem_shared>>)
      tpu.yield
    }) : () -> ()
    %barrier3A = arith.constant 0 : index
    tpu.barrier barrier_id(%barrier3A)
    %dma_start3A = arith.constant 0 : i32
    %dma_start3A_5 = arith.constant 0 : i32
    %dma_start3A_6 = tpu.memref_slice %arg6[%dma_start3A, %dma_start3A_5] : memref<80x125xi32, #tpu.memory_space<vmem>> -> memref<1x125xi32, #tpu.memory_space<vmem>>
    %dma_start3A_7 = tpu.memref_squeeze %dma_start3A_6 : memref<1x125xi32, #tpu.memory_space<vmem>> -> memref<125xi32, #tpu.memory_space<vmem>>
    %dma_start3A_8 = arith.constant 0 : i32
    %dma_start3A_9 = arith.constant 0 : i32
    %dma_start3A_10 = tpu.memref_slice %arg2[%dma_start3A_8, %dma_start3A_9] : memref<10000x64xf32, #tpu.memory_space<hbm>> -> memref<10000x64xf32, #tpu.memory_space<hbm>>
    tpu.enqueue_indirect_dma source(%dma_start3A_10 : memref<10000x64xf32, #tpu.memory_space<hbm>>) target(%arg8 : memref<125x64xf32, #tpu.memory_space<vmem>>) offsets(%dma_start3A_7 : memref<125xi32, #tpu.memory_space<vmem>>) semaphore(%arg12 : memref<!tpu.dma_semaphore, #tpu.memory_space<semaphore_mem>>)
    %dma_start3A_11 = arith.constant 1 : i32
    %dma_start3A_12 = arith.constant 0 : i32
    %dma_start3A_13 = tpu.memref_slice %arg6[%dma_start3A_11, %dma_start3A_12] : memref<80x125xi32, #tpu.memory_space<vmem>> -> memref<1x125xi32, #tpu.memory_space<vmem>>
    %dma_start3A_14 = tpu.memref_squeeze %dma_start3A_13 : memref<1x125xi32, #tpu.memory_space<vmem>> -> memref<125xi32, #tpu.memory_space<vmem>>
    %dma_start3A_15 = arith.constant 0 : i32
    %dma_start3A_16 = arith.constant 0 : i32
    %dma_start3A_17 = tpu.memref_slice %arg2[%dma_start3A_15, %dma_start3A_16] : memref<10000x64xf32, #tpu.memory_space<hbm>> -> memref<10000x64xf32, #tpu.memory_space<hbm>>
    tpu.enqueue_indirect_dma source(%dma_start3A_17 : memref<10000x64xf32, #tpu.memory_space<hbm>>) target(%arg9 : memref<125x64xf32, #tpu.memory_space<vmem>>) offsets(%dma_start3A_14 : memref<125xi32, #tpu.memory_space<vmem>>) semaphore(%arg13 : memref<!tpu.dma_semaphore, #tpu.memory_space<semaphore_mem>>)
    %scan3A = arith.constant 0 : i32
    %scan3A_18 = arith.constant 0 : i32
    %scan3A_19 = arith.constant 20 : i32
    %scan3A_20 = arith.addi %scan3A_18, %scan3A_19 : i32
    %scan3A_21 = arith.constant 1 : i32
    scf.for %scan3A_37 = %scan3A_18 to %scan3A_20 step %scan3A_21  : i32 {
      %mul3A_38 = arith.constant 4 : i32
      %mul3A_39 = arith.muli %mul3A_38, %scan3A_37 : i32
      %add3A_40 = arith.constant 0 : i32
      %add3A_41 = arith.addi %mul3A_39, %add3A_40 : i32
      %dma_wait3A_42 = arith.constant 0 : i32
      %dma_wait3A_43 = arith.constant 0 : i32
      %dma_wait3A_44 = tpu.memref_slice %arg6[%dma_wait3A_42, %dma_wait3A_43] : memref<80x125xi32, #tpu.memory_space<vmem>> -> memref<1x125xi32, #tpu.memory_space<vmem>>
      %dma_wait3A_45 = tpu.memref_squeeze %dma_wait3A_44 : memref<1x125xi32, #tpu.memory_space<vmem>> -> memref<125xi32, #tpu.memory_space<vmem>>
      %dma_wait3A_46 = arith.constant 0 : i32
      %dma_wait3A_47 = arith.constant 0 : i32
      %dma_wait3A_48 = tpu.memref_slice %arg2[%dma_wait3A_46, %dma_wait3A_47] : memref<10000x64xf32, #tpu.memory_space<hbm>> -> memref<10000x64xf32, #tpu.memory_space<hbm>>
      tpu.wait_indirect_dma semaphore(%arg12 : memref<!tpu.dma_semaphore, #tpu.memory_space<semaphore_mem>>) src(%dma_wait3A_48 : memref<10000x64xf32, #tpu.memory_space<hbm>>) dst(%arg8 : memref<125x64xf32, #tpu.memory_space<vmem>>)
      %dma_start3A_49 = arith.constant 0 : i32
      %dma_start3A_50 = tpu.memref_slice %arg7[%add3A_41, %dma_start3A_49] : memref<80x125xi32, #tpu.memory_space<vmem>> -> memref<1x125xi32, #tpu.memory_space<vmem>>
      %dma_start3A_51 = tpu.memref_squeeze %dma_start3A_50 : memref<1x125xi32, #tpu.memory_space<vmem>> -> memref<125xi32, #tpu.memory_space<vmem>>
      %dma_start3A_52 = arith.constant 0 : i32
      %dma_start3A_53 = arith.constant 0 : i32
      %dma_start3A_54 = tpu.memref_slice %arg20[%dma_start3A_52, %dma_start3A_53] : memref<10000x64xf32, #tpu.memory_space<vmem_shared>> -> memref<10000x64xf32, #tpu.memory_space<vmem_shared>>
      tpu.enqueue_indirect_dma source(%arg8 : memref<125x64xf32, #tpu.memory_space<vmem>>) target(%dma_start3A_54 : memref<10000x64xf32, #tpu.memory_space<vmem_shared>>) offsets(%dma_start3A_51 : memref<125xi32, #tpu.memory_space<vmem>>) semaphore(%arg16 : memref<!tpu.dma_semaphore, #tpu.memory_space<semaphore_mem>>) {add = true}
      %ge3A = arith.constant 2 : i32
      %ge3A_55 = arith.cmpi sge, %add3A_41, %ge3A : i32
      %convert_element_type3A = arith.extui %ge3A_55 : i1 to i32
      %cond3A = arith.constant 0 : i32
      %cond3A_56 = arith.cmpi ne, %convert_element_type3A, %cond3A : i32
      scf.if %cond3A_56 {
        %dma_wait3A_150 = arith.constant 0 : i32
        %dma_wait3A_151 = arith.constant 0 : i32
        %dma_wait3A_152 = tpu.memref_slice %arg7[%dma_wait3A_150, %dma_wait3A_151] : memref<80x125xi32, #tpu.memory_space<vmem>> -> memref<1x125xi32, #tpu.memory_space<vmem>>
        %dma_wait3A_153 = tpu.memref_squeeze %dma_wait3A_152 : memref<1x125xi32, #tpu.memory_space<vmem>> -> memref<125xi32, #tpu.memory_space<vmem>>
        %dma_wait3A_154 = arith.constant 0 : i32
        %dma_wait3A_155 = arith.constant 0 : i32
        %dma_wait3A_156 = tpu.memref_slice %arg20[%dma_wait3A_154, %dma_wait3A_155] : memref<10000x64xf32, #tpu.memory_space<vmem_shared>> -> memref<10000x64xf32, #tpu.memory_space<vmem_shared>>
        tpu.wait_indirect_dma semaphore(%arg18 : memref<!tpu.dma_semaphore, #tpu.memory_space<semaphore_mem>>) src(%arg10 : memref<125x64xf32, #tpu.memory_space<vmem>>) dst(%dma_wait3A_156 : memref<10000x64xf32, #tpu.memory_space<vmem_shared>>)
      } else {
      }
      %add3A_57 = arith.constant 2 : i32
      %add3A_58 = arith.addi %add3A_41, %add3A_57 : i32
      %lt3A = arith.constant 80 : i32
      %lt3A_59 = arith.cmpi slt, %add3A_58, %lt3A : i32
      %convert_element_type3A_60 = arith.extui %lt3A_59 : i1 to i32
      %cond3A_61 = arith.constant 0 : i32
      %cond3A_62 = arith.cmpi ne, %convert_element_type3A_60, %cond3A_61 : i32
      scf.if %cond3A_62 {
        %add3A_150 = arith.constant 2 : i32
        %add3A_151 = arith.addi %add3A_41, %add3A_150 : i32
        %dma_start3A_152 = arith.constant 0 : i32
        %dma_start3A_153 = tpu.memref_slice %arg6[%add3A_151, %dma_start3A_152] : memref<80x125xi32, #tpu.memory_space<vmem>> -> memref<1x125xi32, #tpu.memory_space<vmem>>
        %dma_start3A_154 = tpu.memref_squeeze %dma_start3A_153 : memref<1x125xi32, #tpu.memory_space<vmem>> -> memref<125xi32, #tpu.memory_space<vmem>>
        %dma_start3A_155 = arith.constant 0 : i32
        %dma_start3A_156 = arith.constant 0 : i32
        %dma_start3A_157 = tpu.memref_slice %arg2[%dma_start3A_155, %dma_start3A_156] : memref<10000x64xf32, #tpu.memory_space<hbm>> -> memref<10000x64xf32, #tpu.memory_space<hbm>>
        tpu.enqueue_indirect_dma source(%dma_start3A_157 : memref<10000x64xf32, #tpu.memory_space<hbm>>) target(%arg10 : memref<125x64xf32, #tpu.memory_space<vmem>>) offsets(%dma_start3A_154 : memref<125xi32, #tpu.memory_space<vmem>>) semaphore(%arg14 : memref<!tpu.dma_semaphore, #tpu.memory_space<semaphore_mem>>)
      } else {
      }
      %mul3A_63 = arith.constant 4 : i32
      %mul3A_64 = arith.muli %mul3A_63, %scan3A_37 : i32
      %add3A_65 = arith.constant 1 : i32
      %add3A_66 = arith.addi %mul3A_64, %add3A_65 : i32
      %dma_wait3A_67 = arith.constant 0 : i32
      %dma_wait3A_68 = arith.constant 0 : i32
      %dma_wait3A_69 = tpu.memref_slice %arg6[%dma_wait3A_67, %dma_wait3A_68] : memref<80x125xi32, #tpu.memory_space<vmem>> -> memref<1x125xi32, #tpu.memory_space<vmem>>
      %dma_wait3A_70 = tpu.memref_squeeze %dma_wait3A_69 : memref<1x125xi32, #tpu.memory_space<vmem>> -> memref<125xi32, #tpu.memory_space<vmem>>
      %dma_wait3A_71 = arith.constant 0 : i32
      %dma_wait3A_72 = arith.constant 0 : i32
      %dma_wait3A_73 = tpu.memref_slice %arg2[%dma_wait3A_71, %dma_wait3A_72] : memref<10000x64xf32, #tpu.memory_space<hbm>> -> memref<10000x64xf32, #tpu.memory_space<hbm>>
      tpu.wait_indirect_dma semaphore(%arg13 : memref<!tpu.dma_semaphore, #tpu.memory_space<semaphore_mem>>) src(%dma_wait3A_73 : memref<10000x64xf32, #tpu.memory_space<hbm>>) dst(%arg9 : memref<125x64xf32, #tpu.memory_space<vmem>>)
      %dma_start3A_74 = arith.constant 0 : i32
      %dma_start3A_75 = tpu.memref_slice %arg7[%add3A_66, %dma_start3A_74] : memref<80x125xi32, #tpu.memory_space<vmem>> -> memref<1x125xi32, #tpu.memory_space<vmem>>
      %dma_start3A_76 = tpu.memref_squeeze %dma_start3A_75 : memref<1x125xi32, #tpu.memory_space<vmem>> -> memref<125xi32, #tpu.memory_space<vmem>>
      %dma_start3A_77 = arith.constant 0 : i32
      %dma_start3A_78 = arith.constant 0 : i32
      %dma_start3A_79 = tpu.memref_slice %arg20[%dma_start3A_77, %dma_start3A_78] : memref<10000x64xf32, #tpu.memory_space<vmem_shared>> -> memref<10000x64xf32, #tpu.memory_space<vmem_shared>>
      tpu.enqueue_indirect_dma source(%arg9 : memref<125x64xf32, #tpu.memory_space<vmem>>) target(%dma_start3A_79 : memref<10000x64xf32, #tpu.memory_space<vmem_shared>>) offsets(%dma_start3A_76 : memref<125xi32, #tpu.memory_space<vmem>>) semaphore(%arg17 : memref<!tpu.dma_semaphore, #tpu.memory_space<semaphore_mem>>) {add = true}
      %ge3A_80 = arith.constant 2 : i32
      %ge3A_81 = arith.cmpi sge, %add3A_66, %ge3A_80 : i32
      %convert_element_type3A_82 = arith.extui %ge3A_81 : i1 to i32
      %cond3A_83 = arith.constant 0 : i32
      %cond3A_84 = arith.cmpi ne, %convert_element_type3A_82, %cond3A_83 : i32
      scf.if %cond3A_84 {
        %dma_wait3A_150 = arith.constant 0 : i32
        %dma_wait3A_151 = arith.constant 0 : i32
        %dma_wait3A_152 = tpu.memref_slice %arg7[%dma_wait3A_150, %dma_wait3A_151] : memref<80x125xi32, #tpu.memory_space<vmem>> -> memref<1x125xi32, #tpu.memory_space<vmem>>
        %dma_wait3A_153 = tpu.memref_squeeze %dma_wait3A_152 : memref<1x125xi32, #tpu.memory_space<vmem>> -> memref<125xi32, #tpu.memory_space<vmem>>
        %dma_wait3A_154 = arith.constant 0 : i32
        %dma_wait3A_155 = arith.constant 0 : i32
        %dma_wait3A_156 = tpu.memref_slice %arg20[%dma_wait3A_154, %dma_wait3A_155] : memref<10000x64xf32, #tpu.memory_space<vmem_shared>> -> memref<10000x64xf32, #tpu.memory_space<vmem_shared>>
        tpu.wait_indirect_dma semaphore(%arg19 : memref<!tpu.dma_semaphore, #tpu.memory_space<semaphore_mem>>) src(%arg11 : memref<125x64xf32, #tpu.memory_space<vmem>>) dst(%dma_wait3A_156 : memref<10000x64xf32, #tpu.memory_space<vmem_shared>>)
      } else {
      }
      %add3A_85 = arith.constant 2 : i32
      %add3A_86 = arith.addi %add3A_66, %add3A_85 : i32
      %lt3A_87 = arith.constant 80 : i32
      %lt3A_88 = arith.cmpi slt, %add3A_86, %lt3A_87 : i32
      %convert_element_type3A_89 = arith.extui %lt3A_88 : i1 to i32
      %cond3A_90 = arith.constant 0 : i32
      %cond3A_91 = arith.cmpi ne, %convert_element_type3A_89, %cond3A_90 : i32
      scf.if %cond3A_91 {
        %add3A_150 = arith.constant 2 : i32
        %add3A_151 = arith.addi %add3A_66, %add3A_150 : i32
        %dma_start3A_152 = arith.constant 0 : i32
        %dma_start3A_153 = tpu.memref_slice %arg6[%add3A_151, %dma_start3A_152] : memref<80x125xi32, #tpu.memory_space<vmem>> -> memref<1x125xi32, #tpu.memory_space<vmem>>
        %dma_start3A_154 = tpu.memref_squeeze %dma_start3A_153 : memref<1x125xi32, #tpu.memory_space<vmem>> -> memref<125xi32, #tpu.memory_space<vmem>>
        %dma_start3A_155 = arith.constant 0 : i32
        %dma_start3A_156 = arith.constant 0 : i32
        %dma_start3A_157 = tpu.memref_slice %arg2[%dma_start3A_155, %dma_start3A_156] : memref<10000x64xf32, #tpu.memory_space<hbm>> -> memref<10000x64xf32, #tpu.memory_space<hbm>>
        tpu.enqueue_indirect_dma source(%dma_start3A_157 : memref<10000x64xf32, #tpu.memory_space<hbm>>) target(%arg11 : memref<125x64xf32, #tpu.memory_space<vmem>>) offsets(%dma_start3A_154 : memref<125xi32, #tpu.memory_space<vmem>>) semaphore(%arg15 : memref<!tpu.dma_semaphore, #tpu.memory_space<semaphore_mem>>)
      } else {
      }
      %mul3A_92 = arith.constant 4 : i32
      %mul3A_93 = arith.muli %mul3A_92, %scan3A_37 : i32
      %add3A_94 = arith.constant 2 : i32
      %add3A_95 = arith.addi %mul3A_93, %add3A_94 : i32
      %dma_wait3A_96 = arith.constant 0 : i32
      %dma_wait3A_97 = arith.constant 0 : i32
      %dma_wait3A_98 = tpu.memref_slice %arg6[%dma_wait3A_96, %dma_wait3A_97] : memref<80x125xi32, #tpu.memory_space<vmem>> -> memref<1x125xi32, #tpu.memory_space<vmem>>
      %dma_wait3A_99 = tpu.memref_squeeze %dma_wait3A_98 : memref<1x125xi32, #tpu.memory_space<vmem>> -> memref<125xi32, #tpu.memory_space<vmem>>
      %dma_wait3A_100 = arith.constant 0 : i32
      %dma_wait3A_101 = arith.constant 0 : i32
      %dma_wait3A_102 = tpu.memref_slice %arg2[%dma_wait3A_100, %dma_wait3A_101] : memref<10000x64xf32, #tpu.memory_space<hbm>> -> memref<10000x64xf32, #tpu.memory_space<hbm>>
      tpu.wait_indirect_dma semaphore(%arg14 : memref<!tpu.dma_semaphore, #tpu.memory_space<semaphore_mem>>) src(%dma_wait3A_102 : memref<10000x64xf32, #tpu.memory_space<hbm>>) dst(%arg10 : memref<125x64xf32, #tpu.memory_space<vmem>>)
      %dma_start3A_103 = arith.constant 0 : i32
      %dma_start3A_104 = tpu.memref_slice %arg7[%add3A_95, %dma_start3A_103] : memref<80x125xi32, #tpu.memory_space<vmem>> -> memref<1x125xi32, #tpu.memory_space<vmem>>
      %dma_start3A_105 = tpu.memref_squeeze %dma_start3A_104 : memref<1x125xi32, #tpu.memory_space<vmem>> -> memref<125xi32, #tpu.memory_space<vmem>>
      %dma_start3A_106 = arith.constant 0 : i32
      %dma_start3A_107 = arith.constant 0 : i32
      %dma_start3A_108 = tpu.memref_slice %arg20[%dma_start3A_106, %dma_start3A_107] : memref<10000x64xf32, #tpu.memory_space<vmem_shared>> -> memref<10000x64xf32, #tpu.memory_space<vmem_shared>>
      tpu.enqueue_indirect_dma source(%arg10 : memref<125x64xf32, #tpu.memory_space<vmem>>) target(%dma_start3A_108 : memref<10000x64xf32, #tpu.memory_space<vmem_shared>>) offsets(%dma_start3A_105 : memref<125xi32, #tpu.memory_space<vmem>>) semaphore(%arg18 : memref<!tpu.dma_semaphore, #tpu.memory_space<semaphore_mem>>) {add = true}
      %ge3A_109 = arith.constant 2 : i32
      %ge3A_110 = arith.cmpi sge, %add3A_95, %ge3A_109 : i32
      %convert_element_type3A_111 = arith.extui %ge3A_110 : i1 to i32
      %cond3A_112 = arith.constant 0 : i32
      %cond3A_113 = arith.cmpi ne, %convert_element_type3A_111, %cond3A_112 : i32
      scf.if %cond3A_113 {
        %dma_wait3A_150 = arith.constant 0 : i32
        %dma_wait3A_151 = arith.constant 0 : i32
        %dma_wait3A_152 = tpu.memref_slice %arg7[%dma_wait3A_150, %dma_wait3A_151] : memref<80x125xi32, #tpu.memory_space<vmem>> -> memref<1x125xi32, #tpu.memory_space<vmem>>
        %dma_wait3A_153 = tpu.memref_squeeze %dma_wait3A_152 : memref<1x125xi32, #tpu.memory_space<vmem>> -> memref<125xi32, #tpu.memory_space<vmem>>
        %dma_wait3A_154 = arith.constant 0 : i32
        %dma_wait3A_155 = arith.constant 0 : i32
        %dma_wait3A_156 = tpu.memref_slice %arg20[%dma_wait3A_154, %dma_wait3A_155] : memref<10000x64xf32, #tpu.memory_space<vmem_shared>> -> memref<10000x64xf32, #tpu.memory_space<vmem_shared>>
        tpu.wait_indirect_dma semaphore(%arg16 : memref<!tpu.dma_semaphore, #tpu.memory_space<semaphore_mem>>) src(%arg8 : memref<125x64xf32, #tpu.memory_space<vmem>>) dst(%dma_wait3A_156 : memref<10000x64xf32, #tpu.memory_space<vmem_shared>>)
      } else {
      }
      %add3A_114 = arith.constant 2 : i32
      %add3A_115 = arith.addi %add3A_95, %add3A_114 : i32
      %lt3A_116 = arith.constant 80 : i32
      %lt3A_117 = arith.cmpi slt, %add3A_115, %lt3A_116 : i32
      %convert_element_type3A_118 = arith.extui %lt3A_117 : i1 to i32
      %cond3A_119 = arith.constant 0 : i32
      %cond3A_120 = arith.cmpi ne, %convert_element_type3A_118, %cond3A_119 : i32
      scf.if %cond3A_120 {
        %add3A_150 = arith.constant 2 : i32
        %add3A_151 = arith.addi %add3A_95, %add3A_150 : i32
        %dma_start3A_152 = arith.constant 0 : i32
        %dma_start3A_153 = tpu.memref_slice %arg6[%add3A_151, %dma_start3A_152] : memref<80x125xi32, #tpu.memory_space<vmem>> -> memref<1x125xi32, #tpu.memory_space<vmem>>
        %dma_start3A_154 = tpu.memref_squeeze %dma_start3A_153 : memref<1x125xi32, #tpu.memory_space<vmem>> -> memref<125xi32, #tpu.memory_space<vmem>>
        %dma_start3A_155 = arith.constant 0 : i32
        %dma_start3A_156 = arith.constant 0 : i32
        %dma_start3A_157 = tpu.memref_slice %arg2[%dma_start3A_155, %dma_start3A_156] : memref<10000x64xf32, #tpu.memory_space<hbm>> -> memref<10000x64xf32, #tpu.memory_space<hbm>>
        tpu.enqueue_indirect_dma source(%dma_start3A_157 : memref<10000x64xf32, #tpu.memory_space<hbm>>) target(%arg8 : memref<125x64xf32, #tpu.memory_space<vmem>>) offsets(%dma_start3A_154 : memref<125xi32, #tpu.memory_space<vmem>>) semaphore(%arg12 : memref<!tpu.dma_semaphore, #tpu.memory_space<semaphore_mem>>)
      } else {
      }
      %mul3A_121 = arith.constant 4 : i32
      %mul3A_122 = arith.muli %mul3A_121, %scan3A_37 : i32
      %add3A_123 = arith.constant 3 : i32
      %add3A_124 = arith.addi %mul3A_122, %add3A_123 : i32
      %dma_wait3A_125 = arith.constant 0 : i32
      %dma_wait3A_126 = arith.constant 0 : i32
      %dma_wait3A_127 = tpu.memref_slice %arg6[%dma_wait3A_125, %dma_wait3A_126] : memref<80x125xi32, #tpu.memory_space<vmem>> -> memref<1x125xi32, #tpu.memory_space<vmem>>
      %dma_wait3A_128 = tpu.memref_squeeze %dma_wait3A_127 : memref<1x125xi32, #tpu.memory_space<vmem>> -> memref<125xi32, #tpu.memory_space<vmem>>
      %dma_wait3A_129 = arith.constant 0 : i32
      %dma_wait3A_130 = arith.constant 0 : i32
      %dma_wait3A_131 = tpu.memref_slice %arg2[%dma_wait3A_129, %dma_wait3A_130] : memref<10000x64xf32, #tpu.memory_space<hbm>> -> memref<10000x64xf32, #tpu.memory_space<hbm>>
      tpu.wait_indirect_dma semaphore(%arg15 : memref<!tpu.dma_semaphore, #tpu.memory_space<semaphore_mem>>) src(%dma_wait3A_131 : memref<10000x64xf32, #tpu.memory_space<hbm>>) dst(%arg11 : memref<125x64xf32, #tpu.memory_space<vmem>>)
      %dma_start3A_132 = arith.constant 0 : i32
      %dma_start3A_133 = tpu.memref_slice %arg7[%add3A_124, %dma_start3A_132] : memref<80x125xi32, #tpu.memory_space<vmem>> -> memref<1x125xi32, #tpu.memory_space<vmem>>
      %dma_start3A_134 = tpu.memref_squeeze %dma_start3A_133 : memref<1x125xi32, #tpu.memory_space<vmem>> -> memref<125xi32, #tpu.memory_space<vmem>>
      %dma_start3A_135 = arith.constant 0 : i32
      %dma_start3A_136 = arith.constant 0 : i32
      %dma_start3A_137 = tpu.memref_slice %arg20[%dma_start3A_135, %dma_start3A_136] : memref<10000x64xf32, #tpu.memory_space<vmem_shared>> -> memref<10000x64xf32, #tpu.memory_space<vmem_shared>>
      tpu.enqueue_indirect_dma source(%arg11 : memref<125x64xf32, #tpu.memory_space<vmem>>) target(%dma_start3A_137 : memref<10000x64xf32, #tpu.memory_space<vmem_shared>>) offsets(%dma_start3A_134 : memref<125xi32, #tpu.memory_space<vmem>>) semaphore(%arg19 : memref<!tpu.dma_semaphore, #tpu.memory_space<semaphore_mem>>) {add = true}
      %ge3A_138 = arith.constant 2 : i32
      %ge3A_139 = arith.cmpi sge, %add3A_124, %ge3A_138 : i32
      %convert_element_type3A_140 = arith.extui %ge3A_139 : i1 to i32
      %cond3A_141 = arith.constant 0 : i32
      %cond3A_142 = arith.cmpi ne, %convert_element_type3A_140, %cond3A_141 : i32
      scf.if %cond3A_142 {
        %dma_wait3A_150 = arith.constant 0 : i32
        %dma_wait3A_151 = arith.constant 0 : i32
        %dma_wait3A_152 = tpu.memref_slice %arg7[%dma_wait3A_150, %dma_wait3A_151] : memref<80x125xi32, #tpu.memory_space<vmem>> -> memref<1x125xi32, #tpu.memory_space<vmem>>
        %dma_wait3A_153 = tpu.memref_squeeze %dma_wait3A_152 : memref<1x125xi32, #tpu.memory_space<vmem>> -> memref<125xi32, #tpu.memory_space<vmem>>
        %dma_wait3A_154 = arith.constant 0 : i32
        %dma_wait3A_155 = arith.constant 0 : i32
        %dma_wait3A_156 = tpu.memref_slice %arg20[%dma_wait3A_154, %dma_wait3A_155] : memref<10000x64xf32, #tpu.memory_space<vmem_shared>> -> memref<10000x64xf32, #tpu.memory_space<vmem_shared>>
        tpu.wait_indirect_dma semaphore(%arg17 : memref<!tpu.dma_semaphore, #tpu.memory_space<semaphore_mem>>) src(%arg9 : memref<125x64xf32, #tpu.memory_space<vmem>>) dst(%dma_wait3A_156 : memref<10000x64xf32, #tpu.memory_space<vmem_shared>>)
      } else {
      }
      %add3A_143 = arith.constant 2 : i32
      %add3A_144 = arith.addi %add3A_124, %add3A_143 : i32
      %lt3A_145 = arith.constant 80 : i32
      %lt3A_146 = arith.cmpi slt, %add3A_144, %lt3A_145 : i32
      %convert_element_type3A_147 = arith.extui %lt3A_146 : i1 to i32
      %cond3A_148 = arith.constant 0 : i32
      %cond3A_149 = arith.cmpi ne, %convert_element_type3A_147, %cond3A_148 : i32
      scf.if %cond3A_149 {
        %add3A_150 = arith.constant 2 : i32
        %add3A_151 = arith.addi %add3A_124, %add3A_150 : i32
        %dma_start3A_152 = arith.constant 0 : i32
        %dma_start3A_153 = tpu.memref_slice %arg6[%add3A_151, %dma_start3A_152] : memref<80x125xi32, #tpu.memory_space<vmem>> -> memref<1x125xi32, #tpu.memory_space<vmem>>
        %dma_start3A_154 = tpu.memref_squeeze %dma_start3A_153 : memref<1x125xi32, #tpu.memory_space<vmem>> -> memref<125xi32, #tpu.memory_space<vmem>>
        %dma_start3A_155 = arith.constant 0 : i32
        %dma_start3A_156 = arith.constant 0 : i32
        %dma_start3A_157 = tpu.memref_slice %arg2[%dma_start3A_155, %dma_start3A_156] : memref<10000x64xf32, #tpu.memory_space<hbm>> -> memref<10000x64xf32, #tpu.memory_space<hbm>>
        tpu.enqueue_indirect_dma source(%dma_start3A_157 : memref<10000x64xf32, #tpu.memory_space<hbm>>) target(%arg9 : memref<125x64xf32, #tpu.memory_space<vmem>>) offsets(%dma_start3A_154 : memref<125xi32, #tpu.memory_space<vmem>>) semaphore(%arg13 : memref<!tpu.dma_semaphore, #tpu.memory_space<semaphore_mem>>)
      } else {
      }
    }
    %scan3A_22 = arith.constant 20 : i32
    %dma_wait3A = arith.constant 0 : i32
    %dma_wait3A_23 = arith.constant 0 : i32
    %dma_wait3A_24 = tpu.memref_slice %arg7[%dma_wait3A, %dma_wait3A_23] : memref<80x125xi32, #tpu.memory_space<vmem>> -> memref<1x125xi32, #tpu.memory_space<vmem>>
    %dma_wait3A_25 = tpu.memref_squeeze %dma_wait3A_24 : memref<1x125xi32, #tpu.memory_space<vmem>> -> memref<125xi32, #tpu.memory_space<vmem>>
    %dma_wait3A_26 = arith.constant 0 : i32
    %dma_wait3A_27 = arith.constant 0 : i32
    %dma_wait3A_28 = tpu.memref_slice %arg20[%dma_wait3A_26, %dma_wait3A_27] : memref<10000x64xf32, #tpu.memory_space<vmem_shared>> -> memref<10000x64xf32, #tpu.memory_space<vmem_shared>>
    tpu.wait_indirect_dma semaphore(%arg18 : memref<!tpu.dma_semaphore, #tpu.memory_space<semaphore_mem>>) src(%arg10 : memref<125x64xf32, #tpu.memory_space<vmem>>) dst(%dma_wait3A_28 : memref<10000x64xf32, #tpu.memory_space<vmem_shared>>)
    %dma_wait3A_29 = arith.constant 0 : i32
    %dma_wait3A_30 = arith.constant 0 : i32
    %dma_wait3A_31 = tpu.memref_slice %arg7[%dma_wait3A_29, %dma_wait3A_30] : memref<80x125xi32, #tpu.memory_space<vmem>> -> memref<1x125xi32, #tpu.memory_space<vmem>>
    %dma_wait3A_32 = tpu.memref_squeeze %dma_wait3A_31 : memref<1x125xi32, #tpu.memory_space<vmem>> -> memref<125xi32, #tpu.memory_space<vmem>>
    %dma_wait3A_33 = arith.constant 0 : i32
    %dma_wait3A_34 = arith.constant 0 : i32
    %dma_wait3A_35 = tpu.memref_slice %arg20[%dma_wait3A_33, %dma_wait3A_34] : memref<10000x64xf32, #tpu.memory_space<vmem_shared>> -> memref<10000x64xf32, #tpu.memory_space<vmem_shared>>
    tpu.wait_indirect_dma semaphore(%arg19 : memref<!tpu.dma_semaphore, #tpu.memory_space<semaphore_mem>>) src(%arg11 : memref<125x64xf32, #tpu.memory_space<vmem>>) dst(%dma_wait3A_35 : memref<10000x64xf32, #tpu.memory_space<vmem_shared>>)
    %barrier3A_36 = arith.constant 0 : index
    tpu.barrier barrier_id(%barrier3A_36)
    "tpu.region"() ({
      %run_scoped3A_37 = tpu.sem_alloc : memref<!tpu.dma_semaphore, #tpu.memory_space<semaphore_mem>>
      %dma_start3A_38 = arith.constant 0 : i32
      %dma_start3A_39 = tpu.memref_slice %arg5[%arg0, %multiple_of3A, %dma_start3A_38] : memref<2x10000x64xf32, #tpu.memory_space<hbm>> -> memref<1x632x64xf32, #tpu.memory_space<hbm>>
      %dma_start3A_40 = tpu.memref_squeeze %dma_start3A_39 : memref<1x632x64xf32, #tpu.memory_space<hbm>> -> memref<632x64xf32, #tpu.memory_space<hbm>>
      %dma_start3A_41 = arith.constant 0 : i32
      %dma_start3A_42 = tpu.memref_slice %arg20[%multiple_of3A, %dma_start3A_41] : memref<10000x64xf32, #tpu.memory_space<vmem_shared>> -> memref<632x64xf32, #tpu.memory_space<vmem_shared>>
      tpu.enqueue_dma source(%dma_start3A_42 : memref<632x64xf32, #tpu.memory_space<vmem_shared>>) target(%dma_start3A_40 : memref<632x64xf32, #tpu.memory_space<hbm>>) target_semaphore(%run_scoped3A_37 : memref<!tpu.dma_semaphore, #tpu.memory_space<semaphore_mem>>)
      %dma_wait3A_43 = arith.constant 0 : i32
      %dma_wait3A_44 = tpu.memref_slice %arg5[%arg0, %multiple_of3A, %dma_wait3A_43] : memref<2x10000x64xf32, #tpu.memory_space<hbm>> -> memref<1x632x64xf32, #tpu.memory_space<hbm>>
      %dma_wait3A_45 = tpu.memref_squeeze %dma_wait3A_44 : memref<1x632x64xf32, #tpu.memory_space<hbm>> -> memref<632x64xf32, #tpu.memory_space<hbm>>
      %dma_wait3A_46 = arith.constant 0 : i32
      %dma_wait3A_47 = tpu.memref_slice %arg20[%multiple_of3A, %dma_wait3A_46] : memref<10000x64xf32, #tpu.memory_space<vmem_shared>> -> memref<632x64xf32, #tpu.memory_space<vmem_shared>>
      tpu.wait_dma2 semaphore(%run_scoped3A_37 : memref<!tpu.dma_semaphore, #tpu.memory_space<semaphore_mem>>) src(%dma_wait3A_47 : memref<632x64xf32, #tpu.memory_space<vmem_shared>>) dst(%dma_wait3A_45 : memref<632x64xf32, #tpu.memory_space<hbm>>)
      tpu.yield
    }) : () -> ()
    return
  }
}

module attributes {stable_mosaic.version = 14 : i64} {
  func.func @_scale_mm_body(%arg0: i32, %arg1: memref<2x2000x16xf32, #tpu.memory_space<vmem>>, %arg2: memref<2000x128xf32, #tpu.memory_space<vmem>>, %arg3: memref<128x128xf32, #tpu.memory_space<vmem>>, %arg4: memref<2000x64xf32, #tpu.memory_space<vmem>>, %arg5: memref<2000x64xf32, #tpu.memory_space<vmem>>) attributes {dimension_semantics = [#tpu.dimension_semantics<arbitrary>], iteration_bounds = array<i64: 5>, scalar_prefetch = 0 : i64, scratch_operands = 0 : i64, tpu.core_type = #tpu.core_type<tc>, window_params = [{transform_indices = @transform_0, window_bounds = array<i64: 2, 2000, 16>}, {transform_indices = @transform_1, window_bounds = array<i64: 2000, 128>}, {pipeline_mode = #tpu.pipeline_mode<synchronous>, transform_indices = @transform_2, window_bounds = array<i64: 128, 128>}, {transform_indices = @transform_3, window_bounds = array<i64: 2000, 64>}, {transform_indices = @transform_4, window_bounds = array<i64: 2000, 64>}]} {
    %get3A = arith.constant 0 : index
    %get3A_0 = arith.constant 0 : index
    %get3A_1 = arith.constant 0 : index
    %get3A_2 = vector.load %arg1[%get3A, %get3A_0, %get3A_1] : memref<2x2000x16xf32, #tpu.memory_space<vmem>>, vector<1x2000x16xf32>
    %get3A_3 = vector.shape_cast %get3A_2 : vector<1x2000x16xf32> to vector<2000x16xf32>
    %slice3A = vector.extract_strided_slice %get3A_3 {offsets = [0, 0], sizes = [2000, 1], strides = [1, 1]} : vector<2000x16xf32> to vector<2000x1xf32>
    %get3A_4 = arith.constant 1 : index
    %get3A_5 = arith.constant 0 : index
    %get3A_6 = arith.constant 0 : index
    %get3A_7 = vector.load %arg1[%get3A_4, %get3A_5, %get3A_6] : memref<2x2000x16xf32, #tpu.memory_space<vmem>>, vector<1x2000x16xf32>
    %get3A_8 = vector.shape_cast %get3A_7 : vector<1x2000x16xf32> to vector<2000x16xf32>
    %slice3A_9 = vector.extract_strided_slice %get3A_8 {offsets = [0, 0], sizes = [2000, 1], strides = [1, 1]} : vector<2000x16xf32> to vector<2000x1xf32>
    %add3A = arith.addf %slice3A, %slice3A_9 : vector<2000x1xf32>
    %add3A_10 = arith.constant 1.000000e+00 : f32
    %add3A_11 = vector.broadcast %add3A_10 : f32 to vector<2000x1xf32>
    %add3A_12 = arith.addf %add3A, %add3A_11 : vector<2000x1xf32>
    %rsqrt3A = math.rsqrt %add3A_12 : vector<2000x1xf32>
    %get3A_13 = arith.constant 0 : index
    %get3A_14 = arith.constant 0 : index
    %get3A_15 = vector.load %arg2[%get3A_13, %get3A_14] : memref<2000x128xf32, #tpu.memory_space<vmem>>, vector<2000x128xf32>
    %get3A_16 = arith.constant 0 : index
    %get3A_17 = arith.constant 0 : index
    %get3A_18 = vector.load %arg3[%get3A_16, %get3A_17] : memref<128x128xf32, #tpu.memory_space<vmem>>, vector<128x128xf32>
    %dot_general3A = arith.constant dense<0.000000e+00> : vector<2000x128xf32>
    %dot_general3A_19 = tpu.matmul %get3A_15, %get3A_18, %dot_general3A {dimension_numbers = #tpu.dot_dimension_numbers<[1], [0], [0], [1], [0, 0, 1, 1], [], []>, transpose_lhs_hint = false} : vector<2000x128xf32>, vector<128x128xf32>, vector<2000x128xf32> -> vector<2000x128xf32>
    %mul3A = vector.broadcast %rsqrt3A : vector<2000x1xf32> to vector<2000x128xf32>
    %mul3A_20 = arith.mulf %mul3A, %dot_general3A_19 : vector<2000x128xf32>
    %slice3A_21 = vector.extract_strided_slice %mul3A_20 {offsets = [0, 0], sizes = [2000, 64], strides = [1, 1]} : vector<2000x128xf32> to vector<2000x64xf32>
    %swap3A = arith.constant 0 : index
    %swap3A_22 = arith.constant 0 : index
    %swap3A_23 = vector.load %arg4[%swap3A, %swap3A_22] : memref<2000x64xf32, #tpu.memory_space<vmem>>, vector<2000x64xf32>
    tpu.vector_store %arg4[%swap3A, %swap3A_22], %slice3A_21 {strides = array<i32>} : memref<2000x64xf32, #tpu.memory_space<vmem>>, vector<2000x64xf32>,
    %slice3A_24 = vector.extract_strided_slice %mul3A_20 {offsets = [0, 64], sizes = [2000, 64], strides = [1, 1]} : vector<2000x128xf32> to vector<2000x64xf32>
    %swap3A_25 = arith.constant 0 : index
    %swap3A_26 = arith.constant 0 : index
    %swap3A_27 = vector.load %arg5[%swap3A_25, %swap3A_26] : memref<2000x64xf32, #tpu.memory_space<vmem>>, vector<2000x64xf32>
    tpu.vector_store %arg5[%swap3A_25, %swap3A_26], %slice3A_24 {strides = array<i32>} : memref<2000x64xf32, #tpu.memory_space<vmem>>, vector<2000x64xf32>,
    return
  }
  func.func @transform_0(%arg0: i32) -> (i32, i32, i32) {
    %c0_i32 = arith.constant 0 : i32
    %c0_i32_0 = arith.constant 0 : i32
    %c0_i32_1 = arith.constant 0 : i32
    return %c0_i32, %arg0, %c0_i32_0 : i32, i32, i32
  }
  func.func @transform_1(%arg0: i32) -> (i32, i32) {
    %c0_i32 = arith.constant 0 : i32
    %c0_i32_0 = arith.constant 0 : i32
    return %arg0, %c0_i32 : i32, i32
  }
  func.func @transform_2(%arg0: i32) -> (i32, i32) {
    %c0_i32 = arith.constant 0 : i32
    %c0_i32_0 = arith.constant 0 : i32
    %c0_i32_1 = arith.constant 0 : i32
    return %c0_i32, %c0_i32_0 : i32, i32
  }
  func.func @transform_3(%arg0: i32) -> (i32, i32) {
    %c0_i32 = arith.constant 0 : i32
    %c0_i32_0 = arith.constant 0 : i32
    return %arg0, %c0_i32 : i32, i32
  }
  func.func @transform_4(%arg0: i32) -> (i32, i32) {
    %c0_i32 = arith.constant 0 : i32
    %c0_i32_0 = arith.constant 0 : i32
    return %arg0, %c0_i32 : i32, i32
  }
}

module attributes {stable_mosaic.version = 14 : i64} {
  func.func @_combine_mm_body(%arg0: i32, %arg1: memref<2x2000x16xf32, #tpu.memory_space<vmem>>, %arg2: memref<2x2000x64xf32, #tpu.memory_space<vmem>>, %arg3: memref<2x2000x64xf32, #tpu.memory_space<vmem>>, %arg4: memref<2000x64xf32, #tpu.memory_space<vmem>>, %arg5: memref<2000x64xf32, #tpu.memory_space<vmem>>, %arg6: memref<1x128xf32, #tpu.memory_space<vmem>>, %arg7: memref<128x128xf32, #tpu.memory_space<vmem>>, %arg8: memref<2000x64xf32, #tpu.memory_space<vmem>>, %arg9: memref<2000x64xf32, #tpu.memory_space<vmem>>) attributes {dimension_semantics = [#tpu.dimension_semantics<arbitrary>], iteration_bounds = array<i64: 5>, scalar_prefetch = 0 : i64, scratch_operands = 0 : i64, tpu.core_type = #tpu.core_type<tc>, window_params = [{transform_indices = @transform_0, window_bounds = array<i64: 2, 2000, 16>}, {transform_indices = @transform_1, window_bounds = array<i64: 2, 2000, 64>}, {transform_indices = @transform_2, window_bounds = array<i64: 2, 2000, 64>}, {transform_indices = @transform_3, window_bounds = array<i64: 2000, 64>}, {transform_indices = @transform_4, window_bounds = array<i64: 2000, 64>}, {pipeline_mode = #tpu.pipeline_mode<synchronous>, transform_indices = @transform_5, window_bounds = array<i64: 1, 128>}, {pipeline_mode = #tpu.pipeline_mode<synchronous>, transform_indices = @transform_6, window_bounds = array<i64: 128, 128>}, {transform_indices = @transform_7, window_bounds = array<i64: 2000, 64>}, {transform_indices = @transform_8, window_bounds = array<i64: 2000, 64>}]} {
    %get3A = arith.constant 0 : index
    %get3A_0 = arith.constant 0 : index
    %get3A_1 = arith.constant 0 : index
    %get3A_2 = vector.load %arg1[%get3A, %get3A_0, %get3A_1] : memref<2x2000x16xf32, #tpu.memory_space<vmem>>, vector<1x2000x16xf32>
    %get3A_3 = vector.shape_cast %get3A_2 : vector<1x2000x16xf32> to vector<2000x16xf32>
    %slice3A = vector.extract_strided_slice %get3A_3 {offsets = [0, 0], sizes = [2000, 1], strides = [1, 1]} : vector<2000x16xf32> to vector<2000x1xf32>
    %get3A_4 = arith.constant 1 : index
    %get3A_5 = arith.constant 0 : index
    %get3A_6 = arith.constant 0 : index
    %get3A_7 = vector.load %arg1[%get3A_4, %get3A_5, %get3A_6] : memref<2x2000x16xf32, #tpu.memory_space<vmem>>, vector<1x2000x16xf32>
    %get3A_8 = vector.shape_cast %get3A_7 : vector<1x2000x16xf32> to vector<2000x16xf32>
    %slice3A_9 = vector.extract_strided_slice %get3A_8 {offsets = [0, 0], sizes = [2000, 1], strides = [1, 1]} : vector<2000x16xf32> to vector<2000x1xf32>
    %add3A = arith.addf %slice3A, %slice3A_9 : vector<2000x1xf32>
    %add3A_10 = arith.constant 1.000000e+00 : f32
    %add3A_11 = vector.broadcast %add3A_10 : f32 to vector<2000x1xf32>
    %add3A_12 = arith.addf %add3A, %add3A_11 : vector<2000x1xf32>
    %rsqrt3A = math.rsqrt %add3A_12 : vector<2000x1xf32>
    %get3A_13 = arith.constant 0 : index
    %get3A_14 = arith.constant 0 : index
    %get3A_15 = arith.constant 0 : index
    %get3A_16 = vector.load %arg2[%get3A_13, %get3A_14, %get3A_15] : memref<2x2000x64xf32, #tpu.memory_space<vmem>>, vector<1x2000x64xf32>
    %get3A_17 = vector.shape_cast %get3A_16 : vector<1x2000x64xf32> to vector<2000x64xf32>
    %get3A_18 = arith.constant 1 : index
    %get3A_19 = arith.constant 0 : index
    %get3A_20 = arith.constant 0 : index
    %get3A_21 = vector.load %arg2[%get3A_18, %get3A_19, %get3A_20] : memref<2x2000x64xf32, #tpu.memory_space<vmem>>, vector<1x2000x64xf32>
    %get3A_22 = vector.shape_cast %get3A_21 : vector<1x2000x64xf32> to vector<2000x64xf32>
    %add3A_23 = arith.addf %get3A_17, %get3A_22 : vector<2000x64xf32>
    %get3A_24 = arith.constant 0 : index
    %get3A_25 = arith.constant 0 : index
    %get3A_26 = vector.load %arg4[%get3A_24, %get3A_25] : memref<2000x64xf32, #tpu.memory_space<vmem>>, vector<2000x64xf32>
    %add3A_27 = arith.addf %add3A_23, %get3A_26 : vector<2000x64xf32>
    %get3A_28 = arith.constant 0 : index
    %get3A_29 = arith.constant 0 : index
    %get3A_30 = arith.constant 0 : index
    %get3A_31 = vector.load %arg3[%get3A_28, %get3A_29, %get3A_30] : memref<2x2000x64xf32, #tpu.memory_space<vmem>>, vector<1x2000x64xf32>
    %get3A_32 = vector.shape_cast %get3A_31 : vector<1x2000x64xf32> to vector<2000x64xf32>
    %get3A_33 = arith.constant 1 : index
    %get3A_34 = arith.constant 0 : index
    %get3A_35 = arith.constant 0 : index
    %get3A_36 = vector.load %arg3[%get3A_33, %get3A_34, %get3A_35] : memref<2x2000x64xf32, #tpu.memory_space<vmem>>, vector<1x2000x64xf32>
    %get3A_37 = vector.shape_cast %get3A_36 : vector<1x2000x64xf32> to vector<2000x64xf32>
    %add3A_38 = arith.addf %get3A_32, %get3A_37 : vector<2000x64xf32>
    %get3A_39 = arith.constant 0 : index
    %get3A_40 = arith.constant 0 : index
    %get3A_41 = vector.load %arg5[%get3A_39, %get3A_40] : memref<2000x64xf32, #tpu.memory_space<vmem>>, vector<2000x64xf32>
    %add3A_42 = arith.addf %add3A_38, %get3A_41 : vector<2000x64xf32>
    %concatenate3A = tpu.concatenate %add3A_27, %add3A_42 in 1 : vector<2000x64xf32>, vector<2000x64xf32> -> vector<2000x128xf32>
    %mul3A = vector.broadcast %rsqrt3A : vector<2000x1xf32> to vector<2000x128xf32>
    %mul3A_43 = arith.mulf %mul3A, %concatenate3A : vector<2000x128xf32>
    %get3A_44 = arith.constant 0 : index
    %get3A_45 = arith.constant 0 : index
    %get3A_46 = vector.load %arg6[%get3A_44, %get3A_45] : memref<1x128xf32, #tpu.memory_space<vmem>>, vector<1x128xf32>
    %add3A_47 = vector.broadcast %get3A_46 : vector<1x128xf32> to vector<2000x128xf32>
    %add3A_48 = arith.addf %mul3A_43, %add3A_47 : vector<2000x128xf32>
    %max3A = arith.constant 0.000000e+00 : f32
    %max3A_49 = vector.broadcast %max3A : f32 to vector<2000x128xf32>
    %max3A_50 = arith.maximumf %add3A_48, %max3A_49 : vector<2000x128xf32>
    %get3A_51 = arith.constant 0 : index
    %get3A_52 = arith.constant 0 : index
    %get3A_53 = vector.load %arg7[%get3A_51, %get3A_52] : memref<128x128xf32, #tpu.memory_space<vmem>>, vector<128x128xf32>
    %dot_general3A = arith.constant dense<0.000000e+00> : vector<2000x128xf32>
    %dot_general3A_54 = tpu.matmul %max3A_50, %get3A_53, %dot_general3A {dimension_numbers = #tpu.dot_dimension_numbers<[1], [0], [0], [1], [0, 0, 1, 1], [], []>, transpose_lhs_hint = false} : vector<2000x128xf32>, vector<128x128xf32>, vector<2000x128xf32> -> vector<2000x128xf32>
    %mul3A_55 = vector.broadcast %rsqrt3A : vector<2000x1xf32> to vector<2000x128xf32>
    %mul3A_56 = arith.mulf %mul3A_55, %dot_general3A_54 : vector<2000x128xf32>
    %slice3A_57 = vector.extract_strided_slice %mul3A_56 {offsets = [0, 0], sizes = [2000, 64], strides = [1, 1]} : vector<2000x128xf32> to vector<2000x64xf32>
    %swap3A = arith.constant 0 : index
    %swap3A_58 = arith.constant 0 : index
    %swap3A_59 = vector.load %arg8[%swap3A, %swap3A_58] : memref<2000x64xf32, #tpu.memory_space<vmem>>, vector<2000x64xf32>
    tpu.vector_store %arg8[%swap3A, %swap3A_58], %slice3A_57 {strides = array<i32>} : memref<2000x64xf32, #tpu.memory_space<vmem>>, vector<2000x64xf32>,
    %slice3A_60 = vector.extract_strided_slice %mul3A_56 {offsets = [0, 64], sizes = [2000, 64], strides = [1, 1]} : vector<2000x128xf32> to vector<2000x64xf32>
    %swap3A_61 = arith.constant 0 : index
    %swap3A_62 = arith.constant 0 : index
    %swap3A_63 = vector.load %arg9[%swap3A_61, %swap3A_62] : memref<2000x64xf32, #tpu.memory_space<vmem>>, vector<2000x64xf32>
    tpu.vector_store %arg9[%swap3A_61, %swap3A_62], %slice3A_60 {strides = array<i32>} : memref<2000x64xf32, #tpu.memory_space<vmem>>, vector<2000x64xf32>,
    return
  }
  func.func @transform_0(%arg0: i32) -> (i32, i32, i32) {
    %c0_i32 = arith.constant 0 : i32
    %c0_i32_0 = arith.constant 0 : i32
    %c0_i32_1 = arith.constant 0 : i32
    return %c0_i32, %arg0, %c0_i32_0 : i32, i32, i32
  }
  func.func @transform_1(%arg0: i32) -> (i32, i32, i32) {
    %c0_i32 = arith.constant 0 : i32
    %c0_i32_0 = arith.constant 0 : i32
    %c0_i32_1 = arith.constant 0 : i32
    return %c0_i32, %arg0, %c0_i32_0 : i32, i32, i32
  }
  func.func @transform_2(%arg0: i32) -> (i32, i32, i32) {
    %c0_i32 = arith.constant 0 : i32
    %c0_i32_0 = arith.constant 0 : i32
    %c0_i32_1 = arith.constant 0 : i32
    return %c0_i32, %arg0, %c0_i32_0 : i32, i32, i32
  }
  func.func @transform_3(%arg0: i32) -> (i32, i32) {
    %c0_i32 = arith.constant 0 : i32
    %c0_i32_0 = arith.constant 0 : i32
    return %arg0, %c0_i32 : i32, i32
  }
  func.func @transform_4(%arg0: i32) -> (i32, i32) {
    %c0_i32 = arith.constant 0 : i32
    %c0_i32_0 = arith.constant 0 : i32
    return %arg0, %c0_i32 : i32, i32
  }
  func.func @transform_5(%arg0: i32) -> (i32, i32) {
    %c0_i32 = arith.constant 0 : i32
    %c0_i32_0 = arith.constant 0 : i32
    %c0_i32_1 = arith.constant 0 : i32
    return %c0_i32, %c0_i32_0 : i32, i32
  }
  func.func @transform_6(%arg0: i32) -> (i32, i32) {
    %c0_i32 = arith.constant 0 : i32
    %c0_i32_0 = arith.constant 0 : i32
    %c0_i32_1 = arith.constant 0 : i32
    return %c0_i32, %c0_i32_0 : i32, i32
  }
  func.func @transform_7(%arg0: i32) -> (i32, i32) {
    %c0_i32 = arith.constant 0 : i32
    %c0_i32_0 = arith.constant 0 : i32
    return %arg0, %c0_i32 : i32, i32
  }
  func.func @transform_8(%arg0: i32) -> (i32, i32) {
    %c0_i32 = arith.constant 0 : i32
    %c0_i32_0 = arith.constant 0 : i32
    return %arg0, %c0_i32 : i32, i32
  }
}

module attributes {stable_mosaic.version = 14 : i64} {
  func.func @_combine_mm_body(%arg0: i32, %arg1: memref<2x2000x16xf32, #tpu.memory_space<vmem>>, %arg2: memref<2x2000x64xf32, #tpu.memory_space<vmem>>, %arg3: memref<2x2000x64xf32, #tpu.memory_space<vmem>>, %arg4: memref<2000x64xf32, #tpu.memory_space<vmem>>, %arg5: memref<2000x64xf32, #tpu.memory_space<vmem>>, %arg6: memref<1x128xf32, #tpu.memory_space<vmem>>, %arg7: memref<128x64xf32, #tpu.memory_space<vmem>>, %arg8: memref<2000x64xf32, #tpu.memory_space<vmem>>) attributes {dimension_semantics = [#tpu.dimension_semantics<arbitrary>], iteration_bounds = array<i64: 5>, scalar_prefetch = 0 : i64, scratch_operands = 0 : i64, tpu.core_type = #tpu.core_type<tc>, window_params = [{transform_indices = @transform_0, window_bounds = array<i64: 2, 2000, 16>}, {transform_indices = @transform_1, window_bounds = array<i64: 2, 2000, 64>}, {transform_indices = @transform_2, window_bounds = array<i64: 2, 2000, 64>}, {transform_indices = @transform_3, window_bounds = array<i64: 2000, 64>}, {transform_indices = @transform_4, window_bounds = array<i64: 2000, 64>}, {pipeline_mode = #tpu.pipeline_mode<synchronous>, transform_indices = @transform_5, window_bounds = array<i64: 1, 128>}, {pipeline_mode = #tpu.pipeline_mode<synchronous>, transform_indices = @transform_6, window_bounds = array<i64: 128, 64>}, {transform_indices = @transform_7, window_bounds = array<i64: 2000, 64>}]} {
    %get3A = arith.constant 0 : index
    %get3A_0 = arith.constant 0 : index
    %get3A_1 = arith.constant 0 : index
    %get3A_2 = vector.load %arg1[%get3A, %get3A_0, %get3A_1] : memref<2x2000x16xf32, #tpu.memory_space<vmem>>, vector<1x2000x16xf32>
    %get3A_3 = vector.shape_cast %get3A_2 : vector<1x2000x16xf32> to vector<2000x16xf32>
    %slice3A = vector.extract_strided_slice %get3A_3 {offsets = [0, 0], sizes = [2000, 1], strides = [1, 1]} : vector<2000x16xf32> to vector<2000x1xf32>
    %get3A_4 = arith.constant 1 : index
    %get3A_5 = arith.constant 0 : index
    %get3A_6 = arith.constant 0 : index
    %get3A_7 = vector.load %arg1[%get3A_4, %get3A_5, %get3A_6] : memref<2x2000x16xf32, #tpu.memory_space<vmem>>, vector<1x2000x16xf32>
    %get3A_8 = vector.shape_cast %get3A_7 : vector<1x2000x16xf32> to vector<2000x16xf32>
    %slice3A_9 = vector.extract_strided_slice %get3A_8 {offsets = [0, 0], sizes = [2000, 1], strides = [1, 1]} : vector<2000x16xf32> to vector<2000x1xf32>
    %add3A = arith.addf %slice3A, %slice3A_9 : vector<2000x1xf32>
    %add3A_10 = arith.constant 1.000000e+00 : f32
    %add3A_11 = vector.broadcast %add3A_10 : f32 to vector<2000x1xf32>
    %add3A_12 = arith.addf %add3A, %add3A_11 : vector<2000x1xf32>
    %rsqrt3A = math.rsqrt %add3A_12 : vector<2000x1xf32>
    %get3A_13 = arith.constant 0 : index
    %get3A_14 = arith.constant 0 : index
    %get3A_15 = arith.constant 0 : index
    %get3A_16 = vector.load %arg2[%get3A_13, %get3A_14, %get3A_15] : memref<2x2000x64xf32, #tpu.memory_space<vmem>>, vector<1x2000x64xf32>
    %get3A_17 = vector.shape_cast %get3A_16 : vector<1x2000x64xf32> to vector<2000x64xf32>
    %get3A_18 = arith.constant 1 : index
    %get3A_19 = arith.constant 0 : index
    %get3A_20 = arith.constant 0 : index
    %get3A_21 = vector.load %arg2[%get3A_18, %get3A_19, %get3A_20] : memref<2x2000x64xf32, #tpu.memory_space<vmem>>, vector<1x2000x64xf32>
    %get3A_22 = vector.shape_cast %get3A_21 : vector<1x2000x64xf32> to vector<2000x64xf32>
    %add3A_23 = arith.addf %get3A_17, %get3A_22 : vector<2000x64xf32>
    %get3A_24 = arith.constant 0 : index
    %get3A_25 = arith.constant 0 : index
    %get3A_26 = vector.load %arg4[%get3A_24, %get3A_25] : memref<2000x64xf32, #tpu.memory_space<vmem>>, vector<2000x64xf32>
    %add3A_27 = arith.addf %add3A_23, %get3A_26 : vector<2000x64xf32>
    %get3A_28 = arith.constant 0 : index
    %get3A_29 = arith.constant 0 : index
    %get3A_30 = arith.constant 0 : index
    %get3A_31 = vector.load %arg3[%get3A_28, %get3A_29, %get3A_30] : memref<2x2000x64xf32, #tpu.memory_space<vmem>>, vector<1x2000x64xf32>
    %get3A_32 = vector.shape_cast %get3A_31 : vector<1x2000x64xf32> to vector<2000x64xf32>
    %get3A_33 = arith.constant 1 : index
    %get3A_34 = arith.constant 0 : index
    %get3A_35 = arith.constant 0 : index
    %get3A_36 = vector.load %arg3[%get3A_33, %get3A_34, %get3A_35] : memref<2x2000x64xf32, #tpu.memory_space<vmem>>, vector<1x2000x64xf32>
    %get3A_37 = vector.shape_cast %get3A_36 : vector<1x2000x64xf32> to vector<2000x64xf32>
    %add3A_38 = arith.addf %get3A_32, %get3A_37 : vector<2000x64xf32>
    %get3A_39 = arith.constant 0 : index
    %get3A_40 = arith.constant 0 : index
    %get3A_41 = vector.load %arg5[%get3A_39, %get3A_40] : memref<2000x64xf32, #tpu.memory_space<vmem>>, vector<2000x64xf32>
    %add3A_42 = arith.addf %add3A_38, %get3A_41 : vector<2000x64xf32>
    %concatenate3A = tpu.concatenate %add3A_27, %add3A_42 in 1 : vector<2000x64xf32>, vector<2000x64xf32> -> vector<2000x128xf32>
    %mul3A = vector.broadcast %rsqrt3A : vector<2000x1xf32> to vector<2000x128xf32>
    %mul3A_43 = arith.mulf %mul3A, %concatenate3A : vector<2000x128xf32>
    %get3A_44 = arith.constant 0 : index
    %get3A_45 = arith.constant 0 : index
    %get3A_46 = vector.load %arg6[%get3A_44, %get3A_45] : memref<1x128xf32, #tpu.memory_space<vmem>>, vector<1x128xf32>
    %add3A_47 = vector.broadcast %get3A_46 : vector<1x128xf32> to vector<2000x128xf32>
    %add3A_48 = arith.addf %mul3A_43, %add3A_47 : vector<2000x128xf32>
    %max3A = arith.constant 0.000000e+00 : f32
    %max3A_49 = vector.broadcast %max3A : f32 to vector<2000x128xf32>
    %max3A_50 = arith.maximumf %add3A_48, %max3A_49 : vector<2000x128xf32>
    %get3A_51 = arith.constant 0 : index
    %get3A_52 = arith.constant 0 : index
    %get3A_53 = vector.load %arg7[%get3A_51, %get3A_52] : memref<128x64xf32, #tpu.memory_space<vmem>>, vector<128x64xf32>
    %dot_general3A = arith.constant dense<0.000000e+00> : vector<2000x64xf32>
    %dot_general3A_54 = tpu.matmul %max3A_50, %get3A_53, %dot_general3A {dimension_numbers = #tpu.dot_dimension_numbers<[1], [0], [0], [1], [0, 0, 1, 1], [], []>, transpose_lhs_hint = false} : vector<2000x128xf32>, vector<128x64xf32>, vector<2000x64xf32> -> vector<2000x64xf32>
    %mul3A_55 = vector.broadcast %rsqrt3A : vector<2000x1xf32> to vector<2000x64xf32>
    %mul3A_56 = arith.mulf %mul3A_55, %dot_general3A_54 : vector<2000x64xf32>
    %swap3A = arith.constant 0 : index
    %swap3A_57 = arith.constant 0 : index
    %swap3A_58 = vector.load %arg8[%swap3A, %swap3A_57] : memref<2000x64xf32, #tpu.memory_space<vmem>>, vector<2000x64xf32>
    tpu.vector_store %arg8[%swap3A, %swap3A_57], %mul3A_56 {strides = array<i32>} : memref<2000x64xf32, #tpu.memory_space<vmem>>, vector<2000x64xf32>,
    return
  }
  func.func @transform_0(%arg0: i32) -> (i32, i32, i32) {
    %c0_i32 = arith.constant 0 : i32
    %c0_i32_0 = arith.constant 0 : i32
    %c0_i32_1 = arith.constant 0 : i32
    return %c0_i32, %arg0, %c0_i32_0 : i32, i32, i32
  }
  func.func @transform_1(%arg0: i32) -> (i32, i32, i32) {
    %c0_i32 = arith.constant 0 : i32
    %c0_i32_0 = arith.constant 0 : i32
    %c0_i32_1 = arith.constant 0 : i32
    return %c0_i32, %arg0, %c0_i32_0 : i32, i32, i32
  }
  func.func @transform_2(%arg0: i32) -> (i32, i32, i32) {
    %c0_i32 = arith.constant 0 : i32
    %c0_i32_0 = arith.constant 0 : i32
    %c0_i32_1 = arith.constant 0 : i32
    return %c0_i32, %arg0, %c0_i32_0 : i32, i32, i32
  }
  func.func @transform_3(%arg0: i32) -> (i32, i32) {
    %c0_i32 = arith.constant 0 : i32
    %c0_i32_0 = arith.constant 0 : i32
    return %arg0, %c0_i32 : i32, i32
  }
  func.func @transform_4(%arg0: i32) -> (i32, i32) {
    %c0_i32 = arith.constant 0 : i32
    %c0_i32_0 = arith.constant 0 : i32
    return %arg0, %c0_i32 : i32, i32
  }
  func.func @transform_5(%arg0: i32) -> (i32, i32) {
    %c0_i32 = arith.constant 0 : i32
    %c0_i32_0 = arith.constant 0 : i32
    %c0_i32_1 = arith.constant 0 : i32
    return %c0_i32, %c0_i32_0 : i32, i32
  }
  func.func @transform_6(%arg0: i32) -> (i32, i32) {
    %c0_i32 = arith.constant 0 : i32
    %c0_i32_0 = arith.constant 0 : i32
    %c0_i32_1 = arith.constant 0 : i32
    return %c0_i32, %c0_i32_0 : i32, i32
  }
  func.func @transform_7(%arg0: i32) -> (i32, i32) {
    %c0_i32 = arith.constant 0 : i32
    %c0_i32_0 = arith.constant 0 : i32
    return %arg0, %c0_i32 : i32, i32
  }
}

module attributes {stable_mosaic.version = 14 : i64} {
  func.func @_final_body(%arg0: i32, %arg1: memref<2x2000x16xf32, #tpu.memory_space<vmem>>, %arg2: memref<2x2000x64xf32, #tpu.memory_space<vmem>>, %arg3: memref<2000x64xf32, #tpu.memory_space<vmem>>, %arg4: memref<1x64xf32, #tpu.memory_space<vmem>>, %arg5: memref<2000x64xf32, #tpu.memory_space<vmem>>) attributes {dimension_semantics = [#tpu.dimension_semantics<arbitrary>], iteration_bounds = array<i64: 5>, scalar_prefetch = 0 : i64, scratch_operands = 0 : i64, tpu.core_type = #tpu.core_type<tc>, window_params = [{transform_indices = @transform_0, window_bounds = array<i64: 2, 2000, 16>}, {transform_indices = @transform_1, window_bounds = array<i64: 2, 2000, 64>}, {transform_indices = @transform_2, window_bounds = array<i64: 2000, 64>}, {pipeline_mode = #tpu.pipeline_mode<synchronous>, transform_indices = @transform_3, window_bounds = array<i64: 1, 64>}, {transform_indices = @transform_4, window_bounds = array<i64: 2000, 64>}]} {
    %get3A = arith.constant 0 : index
    %get3A_0 = arith.constant 0 : index
    %get3A_1 = arith.constant 0 : index
    %get3A_2 = vector.load %arg1[%get3A, %get3A_0, %get3A_1] : memref<2x2000x16xf32, #tpu.memory_space<vmem>>, vector<1x2000x16xf32>
    %get3A_3 = vector.shape_cast %get3A_2 : vector<1x2000x16xf32> to vector<2000x16xf32>
    %slice3A = vector.extract_strided_slice %get3A_3 {offsets = [0, 0], sizes = [2000, 1], strides = [1, 1]} : vector<2000x16xf32> to vector<2000x1xf32>
    %get3A_4 = arith.constant 1 : index
    %get3A_5 = arith.constant 0 : index
    %get3A_6 = arith.constant 0 : index
    %get3A_7 = vector.load %arg1[%get3A_4, %get3A_5, %get3A_6] : memref<2x2000x16xf32, #tpu.memory_space<vmem>>, vector<1x2000x16xf32>
    %get3A_8 = vector.shape_cast %get3A_7 : vector<1x2000x16xf32> to vector<2000x16xf32>
    %slice3A_9 = vector.extract_strided_slice %get3A_8 {offsets = [0, 0], sizes = [2000, 1], strides = [1, 1]} : vector<2000x16xf32> to vector<2000x1xf32>
    %add3A = arith.addf %slice3A, %slice3A_9 : vector<2000x1xf32>
    %add3A_10 = arith.constant 1.000000e+00 : f32
    %add3A_11 = vector.broadcast %add3A_10 : f32 to vector<2000x1xf32>
    %add3A_12 = arith.addf %add3A, %add3A_11 : vector<2000x1xf32>
    %rsqrt3A = math.rsqrt %add3A_12 : vector<2000x1xf32>
    %get3A_13 = arith.constant 0 : index
    %get3A_14 = arith.constant 0 : index
    %get3A_15 = arith.constant 0 : index
    %get3A_16 = vector.load %arg2[%get3A_13, %get3A_14, %get3A_15] : memref<2x2000x64xf32, #tpu.memory_space<vmem>>, vector<1x2000x64xf32>
    %get3A_17 = vector.shape_cast %get3A_16 : vector<1x2000x64xf32> to vector<2000x64xf32>
    %get3A_18 = arith.constant 1 : index
    %get3A_19 = arith.constant 0 : index
    %get3A_20 = arith.constant 0 : index
    %get3A_21 = vector.load %arg2[%get3A_18, %get3A_19, %get3A_20] : memref<2x2000x64xf32, #tpu.memory_space<vmem>>, vector<1x2000x64xf32>
    %get3A_22 = vector.shape_cast %get3A_21 : vector<1x2000x64xf32> to vector<2000x64xf32>
    %add3A_23 = arith.addf %get3A_17, %get3A_22 : vector<2000x64xf32>
    %get3A_24 = arith.constant 0 : index
    %get3A_25 = arith.constant 0 : index
    %get3A_26 = vector.load %arg3[%get3A_24, %get3A_25] : memref<2000x64xf32, #tpu.memory_space<vmem>>, vector<2000x64xf32>
    %add3A_27 = arith.addf %add3A_23, %get3A_26 : vector<2000x64xf32>
    %mul3A = vector.broadcast %rsqrt3A : vector<2000x1xf32> to vector<2000x64xf32>
    %mul3A_28 = arith.mulf %mul3A, %add3A_27 : vector<2000x64xf32>
    %get3A_29 = arith.constant 0 : index
    %get3A_30 = arith.constant 0 : index
    %get3A_31 = vector.load %arg4[%get3A_29, %get3A_30] : memref<1x64xf32, #tpu.memory_space<vmem>>, vector<1x64xf32>
    %add3A_32 = vector.broadcast %get3A_31 : vector<1x64xf32> to vector<2000x64xf32>
    %add3A_33 = arith.addf %mul3A_28, %add3A_32 : vector<2000x64xf32>
    %swap3A = arith.constant 0 : index
    %swap3A_34 = arith.constant 0 : index
    %swap3A_35 = vector.load %arg5[%swap3A, %swap3A_34] : memref<2000x64xf32, #tpu.memory_space<vmem>>, vector<2000x64xf32>
    tpu.vector_store %arg5[%swap3A, %swap3A_34], %add3A_33 {strides = array<i32>} : memref<2000x64xf32, #tpu.memory_space<vmem>>, vector<2000x64xf32>,
    return
  }
  func.func @transform_0(%arg0: i32) -> (i32, i32, i32) {
    %c0_i32 = arith.constant 0 : i32
    %c0_i32_0 = arith.constant 0 : i32
    %c0_i32_1 = arith.constant 0 : i32
    return %c0_i32, %arg0, %c0_i32_0 : i32, i32, i32
  }
  func.func @transform_1(%arg0: i32) -> (i32, i32, i32) {
    %c0_i32 = arith.constant 0 : i32
    %c0_i32_0 = arith.constant 0 : i32
    %c0_i32_1 = arith.constant 0 : i32
    return %c0_i32, %arg0, %c0_i32_0 : i32, i32, i32
  }
  func.func @transform_2(%arg0: i32) -> (i32, i32) {
    %c0_i32 = arith.constant 0 : i32
    %c0_i32_0 = arith.constant 0 : i32
    return %arg0, %c0_i32 : i32, i32
  }
  func.func @transform_3(%arg0: i32) -> (i32, i32) {
    %c0_i32 = arith.constant 0 : i32
    %c0_i32_0 = arith.constant 0 : i32
    %c0_i32_1 = arith.constant 0 : i32
    return %c0_i32, %c0_i32_0 : i32, i32
  }
  func.func @transform_4(%arg0: i32) -> (i32, i32) {
    %c0_i32 = arith.constant 0 : i32
    %c0_i32_0 = arith.constant 0 : i32
    return %arg0, %c0_i32 : i32, i32
  }
}

</mosaic_0001>

<sc_bundles>
// kernel: kernel.10.cloned.1.call-start
scs
__scs_entry_jumppad:
0x0: {  	(pc) =	sbr.rel $0x88, $3  }
0x1: {  	(tag) =	ssettag $0x0;
	lr =	simm.s32 $0x1  }
0x2: {  	[smem:$0x3F99] =	sst lr;
	_ =	strace $0xD0000000  }
0x3: {  	_ = 	snop  }
0x4: {  	_ = 	snop  }
0x5: {  	_ = 	snop  }
0x6: {  	_ = 	snop  }
0x7: {  	_ = 	snop  }
__scs_overlays_trampoline_lowered:
0x8: {  	[smem:$0x3FA8] =	sst s0  }
0x9: {  	[smem:$0x3FA9] =	sst s1  }
0xa: {  	[smem:$0x3FAA] =	sst s2  }
0xb: {  	[smem:$0x3FAB] =	sst s3  }
0xc: {  	[smem:$0x3FAC] =	sst s4  }
0xd: {  	[smem:$0x3FAD] =	sst s5  }
0xe: {  	[smem:$0x3FAE] =	sst s6  }
0xf: {  	[smem:$0x3FAF] =	sst s7  }
0x10: {  	[smem:$0x3FB0] =	sst s8  }
0x11: {  	[smem:$0x3FB1] =	sst s9;
	s0 =	simm.s32 @!p0 $0x0  }
0x12: {  	s1 =	sld [smem:$0x3F97];
	s0 =	simm.s32 @p0 $0x1  }
0x13: {  	[smem:$0x3FB2] =	sst s0;
	s0 =	simm.s32 @!p1 $0x0  }
0x14: {  	s2 =	sld [smem:$0x3F96];
	s0 =	simm.s32 @p1 $0x1  }
0x15: {  	[smem:$0x3FB3] =	sst s0;
	s0 =	simm.s32 @!p2 $0x0  }
0x16: {  	s3 =	sld [smem:$0x3FDB];
	s0 =	simm.s32 @p2 $0x1  }
0x17: {  	s4 =	simm.s32 $0x1BF5;
	[smem:$0x3FB5] =	sst s0  }
0x18: {  	s0 =	sld [smem:$0x3F98];
	_ =	swait.ge [sflag:s4], $0x0  }
0x19: {  	s7 =	sld [smem:$0x3F99]  }
0x1a: {  	s8 =	sadd.s32 $0xFFFFE003, lr  }
0x1b: {  	s9 =	sadd.s32 $0xFFFFFEF7, lr;
	s5 =	simm.s32 $0xFFFFFFFF;
	p2 =	slt.u32 s8, $0xFFFFF086  }
0x1c: {  	p1 =	slt.u32 s9, $0xF7A;
	s5 =	simm.s32 @!p2 $0x0  }
0x1d: {  	s5 =	simm.s32 @p1 $0x1;
	p0 =	seq.s32 s7, s2  }
0x1e: {  	s7 =	smul.u32 @!p0 $0xF7A, s2;
	p2 =	seq.s32 @!p0 s5, $0x0  }
0x1f: {  	s9 =	smul.u32 $0xF7A, s1;
	s8 =	simm.s32 @!p0 $0x1BF5;
	p2 =	por !p2, p0  }
0x20: {  	[sflag:s8] =	ssyncset.s32 @!p0 $0xFFFFF086;
	s6 =	sadd.s32 @!p0 s3, s7;
	s7 =	simm.s32 @!p0 $0x108  }
0x21: {  	s3 =	sadd.s32 s3, s9;
	s6 =	sadd.s32 @!p0 $0x88, s6;
	s7 =	simm.s32 @p2 $0x1082  }
0x22: {  	[simem:s7], [sflag:s8] =	dma.local @!p0 [hbm:s6], $0xF7A  }
0x23: {  	s9 =	sor.u32 $0xD0000000, s2;
	s6 =	simm.s32 $0x108;
	_ =	swait.ge @!p0 [sflag:s8], $0x0  }
0x24: {  	s3 =	sadd.s32 $0x88, s3;
	s6 =	simm.s32 @!p1 $0x1082;
	[sflag:s4] =	ssyncset.s32 $0xFFFFF086  }
0x25: {  	[simem:s6], [sflag:s4] =	dma.local [hbm:s3], $0xF7A  }
0x26: {  	[smem:$0x3F99] =	sst s1;
	(tag) =	ssettag s2;
	_ =	strace s9  }
0x27: {  	s1 =	sld [smem:$0x3FA9]  }
0x28: {  	s2 =	sld [smem:$0x3FAA]  }
0x29: {  	s4 =	sld [smem:$0x3FAC]  }
0x2a: {  	p0 =	seq.s32 s5, $0x0;
	s5 =	sld [smem:$0x3FAD]  }
0x2b: {  	s6 =	sld [smem:$0x3FAE]  }
0x2c: {  	s7 =	sld [smem:$0x3FAF]  }
0x2d: {  	s3 =	simm.s32 $0x108;
	s8 =	sld [smem:$0x3FB0]  }
0x2e: {  	s3 =	simm.s32 @!p0 $0x1082;
	s9 =	sld [smem:$0x3FB1]  }
0x2f: {  	lr =	sadd.s32 s0, s3;
	s0 =	sld [smem:$0x3FA8]  }
0x30: {  	s3 =	sld [smem:$0x3FAB]  }
0x31: {  	[smem:$0x3FB4] =	sst s10  }
0x32: {  	s10 =	sld [smem:$0x3FB2];
	_ =	sdelay $0x3  }
0x33: {  	p0 =	seq.s32 s10, $0x1;
	s10 =	sld [smem:$0x3FB4];
	_ =	sdelay $0x3  }
0x34: {  	[smem:$0x3FB4] =	sst s10  }
0x35: {  	s10 =	sld [smem:$0x3FB3];
	_ =	sdelay $0x3  }
0x36: {  	p1 =	seq.s32 s10, $0x1;
	s10 =	sld [smem:$0x3FB4];
	_ =	sdelay $0x3  }
0x37: {  	[smem:$0x3FB4] =	sst s10  }
0x38: {  	s10 =	sld [smem:$0x3FB5]  }
0x39: {  	_ = 	snop;
	(pc) =	sbr.ind lr, $3  }
0x3a: {  	_ = 	snop  }
0x3b: {  	_ = 	snop  }
0x3c: {  	p2 =	seq.s32 s10, $0x1;
	s10 =	sld [smem:$0x3FB4]  }
0x3d: {  	_ =	shalt  }
0x3e: {  	_ =	shalt  }
0x3f: {  	_ =	shalt  }
0x40: {  	_ =	shalt  }
0x41: {  	_ =	shalt  }
0x42: {  	_ =	shalt  }
0x43: {  	_ =	shalt  }
0x44: {  	_ =	shalt  }
0x45: {  	_ =	shalt  }
0x46: {  	_ =	shalt  }
0x47: {  	_ =	shalt  }
0x48: {  	_ =	shalt  }
0x49: {  	_ =	shalt  }
0x4a: {  	_ =	shalt  }
0x4b: {  	_ =	shalt  }
0x4c: {  	_ =	shalt  }
0x4d: {  	_ =	shalt  }
0x4e: {  	_ =	shalt  }
0x4f: {  	_ =	shalt  }
0x50: {  	_ =	shalt  }
0x51: {  	_ =	shalt  }
0x52: {  	_ =	shalt  }
0x53: {  	_ =	shalt  }
0x54: {  	_ =	shalt  }
0x55: {  	_ =	shalt  }
0x56: {  	_ =	shalt  }
0x57: {  	_ =	shalt  }
0x58: {  	_ =	shalt  }
0x59: {  	_ =	shalt  }
0x5a: {  	_ =	shalt  }
0x5b: {  	_ =	shalt  }
0x5c: {  	_ =	shalt  }
0x5d: {  	_ =	shalt  }
0x5e: {  	_ =	shalt  }
0x5f: {  	_ =	shalt  }
0x60: {  	_ =	shalt  }
0x61: {  	_ =	shalt  }
0x62: {  	_ =	shalt  }
0x63: {  	_ =	shalt  }
0x64: {  	_ =	shalt  }
0x65: {  	_ =	shalt  }
0x66: {  	_ =	shalt  }
0x67: {  	_ =	shalt  }
0x68: {  	_ =	shalt  }
0x69: {  	_ =	shalt  }
0x6a: {  	_ =	shalt  }
0x6b: {  	_ =	shalt  }
0x6c: {  	_ =	shalt  }
0x6d: {  	_ =	shalt  }
0x6e: {  	_ =	shalt  }
0x6f: {  	_ =	shalt  }
0x70: {  	_ =	shalt  }
0x71: {  	_ =	shalt  }
0x72: {  	_ =	shalt  }
0x73: {  	_ =	shalt  }
0x74: {  	_ =	shalt  }
0x75: {  	_ =	shalt  }
0x76: {  	_ =	shalt  }
0x77: {  	_ =	shalt  }
0x78: {  	_ =	shalt  }
0x79: {  	_ =	shalt  }
0x7a: {  	_ =	shalt  }
0x7b: {  	_ =	shalt  }
0x7c: {  	_ =	shalt  }
0x7d: {  	_ =	shalt  }
0x7e: {  	_ =	shalt  }
0x7f: {  	_ =	shalt  }
0x80: {  	_ =	shalt  }
0x81: {  	_ =	shalt  }
0x82: {  	_ =	shalt  }
0x83: {  	_ =	shalt  }
0x84: {  	_ =	shalt  }
0x85: {  	_ =	shalt  }
0x86: {  	_ =	shalt  }
0x87: {  	_ =	shalt  }
.Lfunc_end0:
.L_simem_size_0:
called_computation_lowered:
.L_overlay_start_0:
0x88: {  	s2 =	sld [smem:$0x3FD9]  }
0x89: {  	s3 =	sld [smem:$0x3FFE];
	_ =	sdelay $0x1  }
0x8a: {  	s1 =	srdreg.scid  }
0x8b: {  	s0 =	sand.u32 $0x1, s1  }
0x8c: {  	s17 =	sshll.u32 s0, $0xA;
	s2 =	sadd.s32 s3, s2  }
0x8d: {  	s2 =	sadd.s32 s2, s17  }
0x8e: {  	[smem:$0x3FC0] =	sst s2  }
0x8f: {  	_ = 	snop  }
0x90: {  	s2 =	sld [smem:$0x3FD0];
	(tm) =	ssettm $0x1  }
0x91: {  	s18 =	sld [smem:$0x3FFB];
	_ =	sdelay $0x3  }
0x92: {  	_ =	strace s18  }
0x93: {  	s3 =	sld [smem:$0x3FFC];
	_ =	sdelay $0x3  }
0x94: {  	_ =	strace s3  }
0x95: {  	s3 =	sld [smem:$0x3FFD];
	_ =	sdelay $0x3  }
0x96: {  	_ =	strace s3  }
0x97: {  	_ =	strace $0x8FFFFFFF  }
0x98: {  	s19 =	sld [smem:$0x3FDB];
	_ =	sdelay $0x1  }
0x99: {  	s4 =	simm.s32 $_scs_section_size  }
0x9a: {  	s5 =	simm.s32 $_size__tile_overlayer_lowered;
	s6 =	simm.s32 $_tile_overlayer_lowered  }
0x9b: {  	s22 =	simm.s32 $0x1BFF;
	s21 =	sshll.u32 s6, $0x1;
	s3 =	sadd.s32 s4, s19  }
0x9c: {  	s7 =	simm.s32 $0x0;
	s20 =	sshll.u32 s5, $0x1;
	s5 =	sadd.s32 s21, s3  }
0x9d: {  	[timem:s7], [sflag:s22] =	dma.local [hbm:s5], s20  }
0x9e: {  	_ =	swait.ge [sflag:s22], s20  }
0x9f: {  	s4 =	ssub.s32 $0x0, s20;
	[sflag:s22] =	ssyncset.done $0x0  }
0xa0: {  	[sflag:s22] =	ssyncadd.s32 s4;
	_ =	sdelay $0x1  }
0xa1: {  	s23 =	simm.s32 $0x1B8B  }
0xa2: {  	_ =	swait.ge [sflag:s23], $0x1  }
0xa3: {  	[sflag:s23] =	ssyncset.done $0x0  }
0xa4: {  	s25 =	simm.s32 $0x1B8E;
	s24 =	sld [smem:$0x3FFE];
	[sflag:s23] =	ssyncadd.s32 $0xFFFFFFFF  }
0xa5: {  	s26 =	simm.s32 $execute0_lowered;
	[smem:$0x3FD2] =	sst s25  }
0xa6: {  	s5 =	sshll.u32 s26, $0x1;
	_ =	strace $0x80000046;
	[dreg:$0x1] =	wrdreg $0xFFFFFFFF  }
0xa7: {  	s28 =	simm.s32 $_size_execute0_lowered;
	s3 =	sadd.s32 s3, s5;
	[dreg:$0x0] =	wrdreg $0x0  }
0xa8: {  	s5 =	sshll.u32 s28, $0x1;
	[dreg:$0x2] =	wrdreg s3  }
0xa9: {  	[dreg:$0x3] =	wrdreg s5  }
0xaa: {  	[dreg:$0x4] =	wrdreg $0xC0  }
0xab: {  	_ =	task [dreg:s7], $0x5FFFF  }
0xac: {  	[dreg:$0x1] =	wrdreg $0xFFFFFFFF  }
0xad: {  	[dreg:$0x0] =	wrdreg $0x60  }
0xae: {  	[dreg:$0x2] =	wrdreg s24  }
0xaf: {  	[dreg:$0x3] =	wrdreg s2  }
0xb0: {  	[dreg:$0x4] =	wrdreg $0x2FD00  }
0xb1: {  	[dreg:$0x5] =	wrdreg $0x9  }
0xb2: {  	_ =	task.clear_ibuf [dreg:s7], $0x6FFFF;
	_ =	strace $0x90000046  }
0xb3: {  	s29 =	simm.s32 $0x9;
	_ =	strace $0x80000048  }
0xb4: {  	_ =	swait.ge [sflag:s29], $0x1  }
0xb5: {  	[sflag:s29] =	ssyncadd.s32 $0xFFFFFFFF  }
0xb6: {  	_ =	strace $0x90000048  }
0xb7: {  	_ =	sfence  }
0xb8: {  	s30 =	sld [smem:$0x0];
	_ =	sdelay $0x2  }
0xb9: {  	s31 =	sshll.u32 s1, $0xD;
	s1 =	sshrl.u32 s1, $0x2  }
0xba: {  	s3 =	sand.u32 $0x4000, s31;
	s1 =	sadd.s32 s1, s30  }
0xbb: {  	s0 =	sor.u32 s3, s0;
	s1 =	sshll.u32 s1, $0x11  }
0xbc: {  	s0 =	sor.u32 s1, s0  }
0xbd: {  	s0 =	sadd.s32 $0x8F2B, s0  }
0xbe: {  	[sflag:s0] =	ssyncadd.remote.s32 $0x1  }
0xbf: {  	_ =	sfence.sel $0xFFFF  }
0xc0: {  	[dreg:$0x0] =	wrdreg $0xFFFFFFFF;
	(pc) =	sbr.abs _section_cstart, $3  }
0xc1: {  	[dreg:$0x1] =	wrdreg $0xFFFFFFFF  }
0xc2: {  	_ =	task.clear_ibuf [dreg:s7], $0x2FFFF;
	_ =	strace $0x9FFFFFFF  }
0xc3: {  	(tm) =	ssettm $0x7FFFFFFF  }
tec
execute0_lowered:
.L_overlay_start_1:
0x0: {  	(tag) =	ssettag $0x1  }
0x1: {  	s5 =	rddreg [dreg:$0x0]  }
0x2: {  	s6 =	rddreg [dreg:$0x1]  }
0x3: {  	s2 =	rddreg [dreg:$0x2];
	s3 =	srdreg.scid  }
0x4: {  	s1 =	stileid.u32;
	s0 =	rddreg [dreg:$0x3];
	s12 =	simm.s32 $0x2800  }
0x5: {  	s13 =	simm.s32 $0x1;
	s14 =	simm.s32 $0x0;
	s7 =	sand.u32 $0x1, s3  }
0x6: {  	s4 =	sshll.u32 s1, $0x1;
	s3 =	simm.s32 $0x0;
	s8 =	smul.u32 $0x278, s1  }
0x7: {  	s31 =	sshll.u32 s1, $0x6;
	s4 =	sor.u32 s7, s4;
	s10 =	smul.u32 $0x27100, s7  }
0x8: {  	[smem:$0x7FF] =	sst s3;
	s7 =	ssub.s32 $0x2, s7;
	s9 =	smul.u32 $0x2800, s4  }
0x9: {  	_ =	strace $0x80000047;
	s8 =	smin.u32 s8, $0x2498;
	s11 =	sshrl.u32 s7, $0x1  }
0xa: {  	s4 =	sadd.s32 $0x16600, s5;
	s8 =	sshll.u32 s8, $0x4;
	s7 =	ssub.s32 s7, s11  }
0xb: {  	s11 =	simm.s32 $0x7D;
	s9 =	sshrl.u32 s9, $0x3;
	s10 =	sadd.s32 s10, s8  }
0xc: {  	s30 =	sadd.s32 s8, s2;
	s7 =	smax.u32 s7, $0x1;
	s8 =	simm.s32 $0x2  }
0xd: {  	s5 =	sadd.s32 s5, s9;
	s29 =	sshrl.u32 s10, $0x3;
	s9 =	sor.u32 $0x1C02, s31  }
0xe: {  	v0 =	vimm.f32 $1.000000000e+00;
	s10 =	sshrl.u32 s30, $0x3;
	s5 =	sadd.s32 $0xC600, s5;
	s6 =	sadd.s32 s6, s29  }
.LBB2_1:
0xf: {  	[tilespmem:s3], [sflag:$0x2] =	stream.linear.gather [hbm4b:s5+s3], $0x2800, $0x38;
	[tilespmem:$0x56E0] =	vst v63  }
0x10: {  	_ =	swait.ge [sflag:s8], $0x2800  }
0x11: {  	[sflag:s8] =	ssyncset.done $0x0  }
0x12: {  	s15 =	simm.s32 $0x40;
	s16 =	simm.s32 $0x0;
	[sflag:s8] =	ssyncadd.s32 $0xFFFFD800  }
.LBB2_2:
0x13: {  	p0 =	sne.s32 s15, $0x1F00;
	[tilespmem:s16+$0x2800] =	vst v0;
	s16 =	smov.u32 s15;
	s15 =	sadd.s32 $0x40, s15  }
.Ltmp0:
0x14: {  	(pc) =	sbr.rel @p0 .LBB2_2-.Ltmp0, $2  }
0x15: {  	_ =	sdelay $0x2  }
0x16: {  	s16 =	sshra.s32 s16, $0x2  }
0x17: {  	[tilespmem:s16+$0x2800] =	vst v0  }
0x18: {  	[spmem:s10], [sflag:s9] =	dma.local [hbm:s4], $0x4F0  }
0x19: {  	_ =	swait.ge [sflag:s8], $0x4F0  }
0x1a: {  	[sflag:s8] =	ssyncset.done $0x0  }
0x1b: {  	p0 =	por $0x1, $0x1;
	[sflag:s8] =	ssyncadd.s32 $0xFFFFFB10  }
0x1c: {  	s16 =	simm.s32 @!p0 $0x1;
	[bflag:$0x0] =	sbarrier.arrive $0xFFFF  }
0x1d: {  	_ =	swait.ge @!p0 [sflag:s16], $0x7D0  }
0x1e: {  	s17 =	simm.s32 $0x0;
	[sflag:s16] =	ssyncset.done @!p0 $0x0  }
0x1f: {  	s15 =	simm.s32 $0x1;
	[sflag:s16] =	ssyncadd.s32 @!p0 $0xFFFFF830;
	s16 =	simm.s32 $0x80  }
.LBB2_4:
0x20: {  	[spmem:s2] =	stream.indirect.scatter.add.f32 [tilespmem:s12], [sflag:$0x1], $0x10, s17, s11, $0xb8;
	[tilespmem:$0x56E0] =	vst v63  }
0x21: {  	p0 =	slt.u32 s15, $0x8;
	s15 =	sadd.s32 $0x1, s15  }
0x22: {  	p1 =	sne.s32 s15, $0x50  }
.Ltmp1:
0x23: {  	(pc) =	sbr.rel @p1 .LBB2_4-.Ltmp1, $4  }
0x24: {  	s17 =	smov.u32 s16;
	s18 =	simm.s32 @!p0 $0x1  }
0x25: {  	_ =	swait.ge @!p0 [sflag:s18], $0x7D0  }
0x26: {  	[sflag:s18] =	ssyncset.done @!p0 $0x0  }
0x27: {  	s16 =	sadd.s32 $0x80, s16;
	[sflag:s18] =	ssyncadd.s32 @!p0 $0xFFFFF830  }
0x28: {  	[spmem:s2] =	stream.indirect.scatter.add.f32 [tilespmem:s12], [sflag:$0x1], $0x10, s17, s11, $0xb8;
	[tilespmem:$0x56E0] =	vst v63  }
0x29: {  	_ =	swait.ge [sflag:s13], $0x7D0  }
0x2a: {  	[sflag:s13] =	ssyncset.done $0x0  }
0x2b: {  	[sflag:s13] =	ssyncadd.s32 $0xFFFFF830  }
0x2c: {  	_ =	swait.ge [sflag:s13], $0x7D0  }
0x2d: {  	[sflag:s13] =	ssyncset.done $0x0  }
0x2e: {  	[sflag:s13] =	ssyncadd.s32 $0xFFFFF830  }
0x2f: {  	_ =	swait.ge [sflag:s13], $0x7D0  }
0x30: {  	[sflag:s13] =	ssyncset.done $0x0  }
0x31: {  	[sflag:s13] =	ssyncadd.s32 $0xFFFFF830  }
0x32: {  	_ =	swait.ge [sflag:s13], $0x7D0  }
0x33: {  	[sflag:s13] =	ssyncset.done $0x0  }
0x34: {  	[sflag:s13] =	ssyncadd.s32 $0xFFFFF830  }
0x35: {  	_ =	swait.ge [sflag:s13], $0x7D0  }
0x36: {  	[sflag:s13] =	ssyncset.done $0x0  }
0x37: {  	[sflag:s13] =	ssyncadd.s32 $0xFFFFF830  }
0x38: {  	_ =	swait.ge [sflag:s13], $0x7D0  }
0x39: {  	[sflag:s13] =	ssyncset.done $0x0  }
0x3a: {  	[sflag:s13] =	ssyncadd.s32 $0xFFFFF830  }
0x3b: {  	_ =	swait.ge [sflag:s13], $0x7D0  }
0x3c: {  	[sflag:s13] =	ssyncset.done $0x0  }
0x3d: {  	[sflag:s13] =	ssyncadd.s32 $0xFFFFF830  }
0x3e: {  	_ =	swait.ge [sflag:s13], $0x7D0  }
0x3f: {  	s14 =	sadd.s32 $0x1, s14;
	[sflag:s13] =	ssyncset.done $0x0  }
0x40: {  	p0 =	sne.s32 s14, s7;
	[sflag:s13] =	ssyncadd.s32 $0xFFFFF830  }
.Ltmp2:
0x41: {  	[bflag:$0x0] =	sbarrier.arrive $0xFFFF;
	(pc) =	sbr.rel @p0 .LBB2_1-.Ltmp2, $4  }
0x42: {  	[hbm:s6], [sflag:s9] =	dma.local [spmem:s10], $0x4F0  }
0x43: {  	_ =	swait.ge [sflag:s8], $0x4F0  }
0x44: {  	[sflag:s8] =	ssyncset.done $0x0  }
0x45: {  	[sflag:s8] =	ssyncadd.s32 $0xFFFFFB10  }
0x46: {  	_ =	sfence.sel $0x180000  }
0x47: {  	[bflag:$0x0] =	sbarrier.arrive $0xFFFF  }
0x48: {  	p0 =	sne.s32 s1, $0x0;
	_ =	strace $0x90000047  }
0x49: {  	s0 =	sadd.s32 @!p0 $0x100000, s0;
	[bflag:$0x2] =	sbarrier.arrive $0xFFFF  }
0x4a: {  	[sflag:s0] =	ssyncadd.tile.s32 @!p0 $0x1;
	_ =	shalt  }
.Lfunc_end2:
_tile_overlayer_lowered:
.L_overlay_start_2:
0x4b: {  	(tag) =	ssettag $0x2  }
0x4c: {  	s0 =	rddreg [dreg:$0x0];
	s2 =	stileid.u32  }
0x4d: {  	s1 =	rddreg [dreg:$0x1];
	p0 =	sne.s32 s2, $0x0  }
0x4e: {  	s3 =	rddreg [dreg:$0x2];
	[bflag:$0x3] =	sbarrier.arrive $0xFFFF;
	s2 =	simm.s32 @!p0 $0x1C02  }
0x4f: {  	[timem:s3], [sflag:s2] =	dma.local @!p0 [hbm:s0], s1  }
0x50: {  	s0 =	simm.s32 @!p0 $0x2  }
0x51: {  	_ =	swait.ge @!p0 [sflag:s0], s1  }
0x52: {  	s1 =	ssub.s32 @!p0 $0x0, s1;
	[sflag:s0] =	ssyncset.done @!p0 $0x0  }
0x53: {  	[sflag:s0] =	ssyncadd.s32 @!p0 s1  }
0x54: {  	[bflag:$0x3] =	sbarrier.arrive $0xFFFF  }
0x55: {  	_ =	shalt  }

// kernel: kernel.13.cloned.1.call-start
scs
__scs_entry_jumppad:
0x0: {  	(pc) =	sbr.rel $0x88, $3  }
0x1: {  	(tag) =	ssettag $0x0;
	lr =	simm.s32 $0x1  }
0x2: {  	[smem:$0x3F99] =	sst lr;
	_ =	strace $0xD0000000  }
0x3: {  	_ = 	snop  }
0x4: {  	_ = 	snop  }
0x5: {  	_ = 	snop  }
0x6: {  	_ = 	snop  }
0x7: {  	_ = 	snop  }
__scs_overlays_trampoline_lowered:
0x8: {  	[smem:$0x3FA8] =	sst s0  }
0x9: {  	[smem:$0x3FA9] =	sst s1  }
0xa: {  	[smem:$0x3FAA] =	sst s2  }
0xb: {  	[smem:$0x3FAB] =	sst s3  }
0xc: {  	[smem:$0x3FAC] =	sst s4  }
0xd: {  	[smem:$0x3FAD] =	sst s5  }
0xe: {  	[smem:$0x3FAE] =	sst s6  }
0xf: {  	[smem:$0x3FAF] =	sst s7  }
0x10: {  	[smem:$0x3FB0] =	sst s8  }
0x11: {  	[smem:$0x3FB1] =	sst s9;
	s0 =	simm.s32 @!p0 $0x0  }
0x12: {  	s1 =	sld [smem:$0x3F97];
	s0 =	simm.s32 @p0 $0x1  }
0x13: {  	[smem:$0x3FB2] =	sst s0;
	s0 =	simm.s32 @!p1 $0x0  }
0x14: {  	s2 =	sld [smem:$0x3F96];
	s0 =	simm.s32 @p1 $0x1  }
0x15: {  	[smem:$0x3FB3] =	sst s0;
	s0 =	simm.s32 @!p2 $0x0  }
0x16: {  	s3 =	sld [smem:$0x3FDB];
	s0 =	simm.s32 @p2 $0x1  }
0x17: {  	s4 =	simm.s32 $0x1BF5;
	[smem:$0x3FB5] =	sst s0  }
0x18: {  	s0 =	sld [smem:$0x3F98];
	_ =	swait.ge [sflag:s4], $0x0  }
0x19: {  	s7 =	sld [smem:$0x3F99]  }
0x1a: {  	s8 =	sadd.s32 $0xFFFFE003, lr  }
0x1b: {  	s9 =	sadd.s32 $0xFFFFFEF7, lr;
	s5 =	simm.s32 $0xFFFFFFFF;
	p2 =	slt.u32 s8, $0xFFFFF086  }
0x1c: {  	p1 =	slt.u32 s9, $0xF7A;
	s5 =	simm.s32 @!p2 $0x0  }
0x1d: {  	s5 =	simm.s32 @p1 $0x1;
	p0 =	seq.s32 s7, s2  }
0x1e: {  	s7 =	smul.u32 @!p0 $0xF7A, s2;
	p2 =	seq.s32 @!p0 s5, $0x0  }
0x1f: {  	s9 =	smul.u32 $0xF7A, s1;
	s8 =	simm.s32 @!p0 $0x1BF5;
	p2 =	por !p2, p0  }
0x20: {  	[sflag:s8] =	ssyncset.s32 @!p0 $0xFFFFF086;
	s6 =	sadd.s32 @!p0 s3, s7;
	s7 =	simm.s32 @!p0 $0x108  }
0x21: {  	s3 =	sadd.s32 s3, s9;
	s6 =	sadd.s32 @!p0 $0x88, s6;
	s7 =	simm.s32 @p2 $0x1082  }
0x22: {  	[simem:s7], [sflag:s8] =	dma.local @!p0 [hbm:s6], $0xF7A  }
0x23: {  	s9 =	sor.u32 $0xD0000000, s2;
	s6 =	simm.s32 $0x108;
	_ =	swait.ge @!p0 [sflag:s8], $0x0  }
0x24: {  	s3 =	sadd.s32 $0x88, s3;
	s6 =	simm.s32 @!p1 $0x1082;
	[sflag:s4] =	ssyncset.s32 $0xFFFFF086  }
0x25: {  	[simem:s6], [sflag:s4] =	dma.local [hbm:s3], $0xF7A  }
0x26: {  	[smem:$0x3F99] =	sst s1;
	(tag) =	ssettag s2;
	_ =	strace s9  }
0x27: {  	s1 =	sld [smem:$0x3FA9]  }
0x28: {  	s2 =	sld [smem:$0x3FAA]  }
0x29: {  	s4 =	sld [smem:$0x3FAC]  }
0x2a: {  	p0 =	seq.s32 s5, $0x0;
	s5 =	sld [smem:$0x3FAD]  }
0x2b: {  	s6 =	sld [smem:$0x3FAE]  }
0x2c: {  	s7 =	sld [smem:$0x3FAF]  }
0x2d: {  	s3 =	simm.s32 $0x108;
	s8 =	sld [smem:$0x3FB0]  }
0x2e: {  	s3 =	simm.s32 @!p0 $0x1082;
	s9 =	sld [smem:$0x3FB1]  }
0x2f: {  	lr =	sadd.s32 s0, s3;
	s0 =	sld [smem:$0x3FA8]  }
0x30: {  	s3 =	sld [smem:$0x3FAB]  }
0x31: {  	[smem:$0x3FB4] =	sst s10  }
0x32: {  	s10 =	sld [smem:$0x3FB2];
	_ =	sdelay $0x3  }
0x33: {  	p0 =	seq.s32 s10, $0x1;
	s10 =	sld [smem:$0x3FB4];
	_ =	sdelay $0x3  }
0x34: {  	[smem:$0x3FB4] =	sst s10  }
0x35: {  	s10 =	sld [smem:$0x3FB3];
	_ =	sdelay $0x3  }
0x36: {  	p1 =	seq.s32 s10, $0x1;
	s10 =	sld [smem:$0x3FB4];
	_ =	sdelay $0x3  }
0x37: {  	[smem:$0x3FB4] =	sst s10  }
0x38: {  	s10 =	sld [smem:$0x3FB5]  }
0x39: {  	_ = 	snop;
	(pc) =	sbr.ind lr, $3  }
0x3a: {  	_ = 	snop  }
0x3b: {  	_ = 	snop  }
0x3c: {  	p2 =	seq.s32 s10, $0x1;
	s10 =	sld [smem:$0x3FB4]  }
0x3d: {  	_ =	shalt  }
0x3e: {  	_ =	shalt  }
0x3f: {  	_ =	shalt  }
0x40: {  	_ =	shalt  }
0x41: {  	_ =	shalt  }
0x42: {  	_ =	shalt  }
0x43: {  	_ =	shalt  }
0x44: {  	_ =	shalt  }
0x45: {  	_ =	shalt  }
0x46: {  	_ =	shalt  }
0x47: {  	_ =	shalt  }
0x48: {  	_ =	shalt  }
0x49: {  	_ =	shalt  }
0x4a: {  	_ =	shalt  }
0x4b: {  	_ =	shalt  }
0x4c: {  	_ =	shalt  }
0x4d: {  	_ =	shalt  }
0x4e: {  	_ =	shalt  }
0x4f: {  	_ =	shalt  }
0x50: {  	_ =	shalt  }
0x51: {  	_ =	shalt  }
0x52: {  	_ =	shalt  }
0x53: {  	_ =	shalt  }
0x54: {  	_ =	shalt  }
0x55: {  	_ =	shalt  }
0x56: {  	_ =	shalt  }
0x57: {  	_ =	shalt  }
0x58: {  	_ =	shalt  }
0x59: {  	_ =	shalt  }
0x5a: {  	_ =	shalt  }
0x5b: {  	_ =	shalt  }
0x5c: {  	_ =	shalt  }
0x5d: {  	_ =	shalt  }
0x5e: {  	_ =	shalt  }
0x5f: {  	_ =	shalt  }
0x60: {  	_ =	shalt  }
0x61: {  	_ =	shalt  }
0x62: {  	_ =	shalt  }
0x63: {  	_ =	shalt  }
0x64: {  	_ =	shalt  }
0x65: {  	_ =	shalt  }
0x66: {  	_ =	shalt  }
0x67: {  	_ =	shalt  }
0x68: {  	_ =	shalt  }
0x69: {  	_ =	shalt  }
0x6a: {  	_ =	shalt  }
0x6b: {  	_ =	shalt  }
0x6c: {  	_ =	shalt  }
0x6d: {  	_ =	shalt  }
0x6e: {  	_ =	shalt  }
0x6f: {  	_ =	shalt  }
0x70: {  	_ =	shalt  }
0x71: {  	_ =	shalt  }
0x72: {  	_ =	shalt  }
0x73: {  	_ =	shalt  }
0x74: {  	_ =	shalt  }
0x75: {  	_ =	shalt  }
0x76: {  	_ =	shalt  }
0x77: {  	_ =	shalt  }
0x78: {  	_ =	shalt  }
0x79: {  	_ =	shalt  }
0x7a: {  	_ =	shalt  }
0x7b: {  	_ =	shalt  }
0x7c: {  	_ =	shalt  }
0x7d: {  	_ =	shalt  }
0x7e: {  	_ =	shalt  }
0x7f: {  	_ =	shalt  }
0x80: {  	_ =	shalt  }
0x81: {  	_ =	shalt  }
0x82: {  	_ =	shalt  }
0x83: {  	_ =	shalt  }
0x84: {  	_ =	shalt  }
0x85: {  	_ =	shalt  }
0x86: {  	_ =	shalt  }
0x87: {  	_ =	shalt  }
.Lfunc_end0:
.L_simem_size_0:
called_computation.1_lowered:
.L_overlay_start_0:
0x88: {  	s2 =	sld [smem:$0x3FD9]  }
0x89: {  	s3 =	sld [smem:$0x3FFE];
	_ =	sdelay $0x1  }
0x8a: {  	s1 =	srdreg.scid  }
0x8b: {  	s0 =	sand.u32 $0x1, s1  }
0x8c: {  	s17 =	sshll.u32 s0, $0xA;
	s2 =	sadd.s32 s3, s2  }
0x8d: {  	s2 =	sadd.s32 s2, s17  }
0x8e: {  	[smem:$0x3FC0] =	sst s2  }
0x8f: {  	_ = 	snop  }
0x90: {  	s2 =	sld [smem:$0x3FD0];
	(tm) =	ssettm $0x1  }
0x91: {  	s18 =	sld [smem:$0x3FFB];
	_ =	sdelay $0x3  }
0x92: {  	_ =	strace s18  }
0x93: {  	s3 =	sld [smem:$0x3FFC];
	_ =	sdelay $0x3  }
0x94: {  	_ =	strace s3  }
0x95: {  	s3 =	sld [smem:$0x3FFD];
	_ =	sdelay $0x3  }
0x96: {  	_ =	strace s3  }
0x97: {  	_ =	strace $0x8FFFFFFF  }
0x98: {  	s19 =	sld [smem:$0x3FDB];
	_ =	sdelay $0x1  }
0x99: {  	s4 =	simm.s32 $_scs_section_size  }
0x9a: {  	s5 =	simm.s32 $_size__tile_overlayer_lowered;
	s6 =	simm.s32 $_tile_overlayer_lowered  }
0x9b: {  	s22 =	simm.s32 $0x1BFF;
	s21 =	sshll.u32 s6, $0x1;
	s3 =	sadd.s32 s4, s19  }
0x9c: {  	s7 =	simm.s32 $0x0;
	s20 =	sshll.u32 s5, $0x1;
	s5 =	sadd.s32 s21, s3  }
0x9d: {  	[timem:s7], [sflag:s22] =	dma.local [hbm:s5], s20  }
0x9e: {  	_ =	swait.ge [sflag:s22], s20  }
0x9f: {  	s4 =	ssub.s32 $0x0, s20;
	[sflag:s22] =	ssyncset.done $0x0  }
0xa0: {  	[sflag:s22] =	ssyncadd.s32 s4;
	_ =	sdelay $0x1  }
0xa1: {  	s23 =	simm.s32 $0x1B8B  }
0xa2: {  	_ =	swait.ge [sflag:s23], $0x1  }
0xa3: {  	[sflag:s23] =	ssyncset.done $0x0  }
0xa4: {  	s25 =	simm.s32 $0x1B8E;
	s24 =	sld [smem:$0x3FFE];
	[sflag:s23] =	ssyncadd.s32 $0xFFFFFFFF  }
0xa5: {  	s26 =	simm.s32 $execute0_lowered;
	[smem:$0x3FD2] =	sst s25  }
0xa6: {  	s5 =	sshll.u32 s26, $0x1;
	_ =	strace $0x80000049;
	[dreg:$0x1] =	wrdreg $0xFFFFFFFF  }
0xa7: {  	s28 =	simm.s32 $_size_execute0_lowered;
	s3 =	sadd.s32 s3, s5;
	[dreg:$0x0] =	wrdreg $0x0  }
0xa8: {  	s5 =	sshll.u32 s28, $0x1;
	[dreg:$0x2] =	wrdreg s3  }
0xa9: {  	[dreg:$0x3] =	wrdreg s5  }
0xaa: {  	[dreg:$0x4] =	wrdreg $0xC0  }
0xab: {  	_ =	task [dreg:s7], $0x5FFFF  }
0xac: {  	[dreg:$0x1] =	wrdreg $0xFFFFFFFF  }
0xad: {  	[dreg:$0x0] =	wrdreg $0x60  }
0xae: {  	[dreg:$0x2] =	wrdreg s2  }
0xaf: {  	[dreg:$0x3] =	wrdreg s24  }
0xb0: {  	[dreg:$0x4] =	wrdreg $0xCD000  }
0xb1: {  	[dreg:$0x5] =	wrdreg $0x9  }
0xb2: {  	_ =	task.clear_ibuf [dreg:s7], $0x6FFFF;
	_ =	strace $0x90000049  }
0xb3: {  	s29 =	simm.s32 $0x9;
	_ =	strace $0x8000004B  }
0xb4: {  	_ =	swait.ge [sflag:s29], $0x1  }
0xb5: {  	[sflag:s29] =	ssyncadd.s32 $0xFFFFFFFF  }
0xb6: {  	_ =	strace $0x9000004B  }
0xb7: {  	_ =	sfence  }
0xb8: {  	s30 =	sld [smem:$0x0];
	_ =	sdelay $0x2  }
0xb9: {  	s31 =	sshll.u32 s1, $0xD;
	s1 =	sshrl.u32 s1, $0x2  }
0xba: {  	s3 =	sand.u32 $0x4000, s31;
	s1 =	sadd.s32 s1, s30  }
0xbb: {  	s0 =	sor.u32 s3, s0;
	s1 =	sshll.u32 s1, $0x11  }
0xbc: {  	s0 =	sor.u32 s1, s0  }
0xbd: {  	s0 =	sadd.s32 $0x8F2B, s0  }
0xbe: {  	[sflag:s0] =	ssyncadd.remote.s32 $0x1  }
0xbf: {  	_ =	sfence.sel $0xFFFF  }
0xc0: {  	[dreg:$0x0] =	wrdreg $0xFFFFFFFF;
	(pc) =	sbr.abs _section_cstart, $3  }
0xc1: {  	[dreg:$0x1] =	wrdreg $0xFFFFFFFF  }
0xc2: {  	_ =	task.clear_ibuf [dreg:s7], $0x2FFFF;
	_ =	strace $0x9FFFFFFF  }
0xc3: {  	(tm) =	ssettm $0x7FFFFFFF  }
tec
execute0_lowered:
.L_overlay_start_1:
0x0: {  	(tag) =	ssettag $0x1  }
0x1: {  	s1 =	rddreg [dreg:$0x0];
	s0 =	srdreg.scid  }
0x2: {  	s11 =	stileid.u32;
	s2 =	rddreg [dreg:$0x1]  }
0x3: {  	s3 =	rddreg [dreg:$0x2];
	s12 =	simm.s32 $0x9;
	s13 =	simm.s32 $0x2800  }
0x4: {  	s16 =	simm.s32 $0x7D;
	s17 =	simm.s32 $0x5000;
	s28 =	simm.s32 $0x3  }
0x5: {  	s29 =	simm.s32 $0x2900;
	s30 =	simm.s32 $0x5;
	s31 =	simm.s32 $0x200  }
0x6: {  	s0 =	sand.u32 $0x1, s0;
	s4 =	sshll.u32 s11, $0x1;
	s6 =	smul.u32 $0x278, s11  }
0x7: {  	s26 =	sshll.u32 s11, $0x6;
	s11 =	simm.s32 $0x0;
	s5 =	sor.u32 s0, s4  }
0x8: {  	s4 =	simm.s32 $0x0;
	s8 =	smul.u32 $0x9C400, s0;
	s0 =	ssub.s32 $0x2, s0  }
0x9: {  	s14 =	sor.u32 $0x1C09, s26;
	s26 =	simm.s32 $0xADC0;
	s7 =	smul.u32 $0x2800, s5  }
0xa: {  	[smem:$0x7FF] =	sst s4;
	s6 =	smin.u32 s6, $0x2498;
	s5 =	sadd.s32 $0xB2C00, s2  }
0xb: {  	s10 =	sshrl.u32 s0, $0x1;
	_ =	strace $0x8000004A;
	s9 =	sshll.u32 s6, $0x6  }
0xc: {  	s6 =	sadd.s32 $0xC6600, s2;
	s0 =	ssub.s32 s0, s10;
	s10 =	simm.s32 $0x8  }
0xd: {  	s19 =	sshrl.u32 s7, $0x3;
	s20 =	sadd.s32 s8, s9;
	s24 =	sadd.s32 s9, s3  }
0xe: {  	s0 =	smax.u32 s0, $0x1;
	s8 =	simm.s32 $0x280;
	s9 =	simm.s32 $0x7  }
0xf: {  	s21 =	sadd.s32 s19, s2;
	s7 =	sshrl.u32 s20, $0x3;
	[dreg:$0x8] =	wrdreg s0  }
0x10: {  	s15 =	sshrl.u32 s24, $0x3;
	s19 =	simm.s32 $0x6F40;
	s20 =	simm.s32 $0x1  }
.Ltmp0:
0x11: {  	s0 =	simm.s32 $0x2980;
	s22 =	sadd.s32 $0x2600, s21;
	(pc) =	sbr.rel .LBB2_1-.Ltmp0, $4  }
0x12: {  	s2 =	sadd.s32 s7, s2;
	s23 =	sadd.s32 $0xC600, s21;
	[dreg:$0x4] =	wrdreg s22  }
0x13: {  	s7 =	simm.s32 $0x6;
	[dreg:$0x5] =	wrdreg s23;
	s25 =	sadd.s32 $0xEEC00, s2  }
0x14: {  	s2 =	sadd.s32 $0xC7A00, s2;
	s22 =	simm.s32 $0x8E80;
	[dreg:$0x6] =	wrdreg s25  }
0x15: {  	s23 =	simm.s32 $0x2;
	[dreg:$0x7] =	wrdreg s2;
	s2 =	simm.s32 $0x4  }
.LBB2_7:
0x16: {  	_ =	swait.ge [sflag:s2], $0x1F40  }
0x17: {  	[sflag:s2] =	ssyncset.done $0x0  }
0x18: {  	[sflag:s2] =	ssyncadd.s32 $0xFFFFE0C0  }
0x19: {  	[spmem:s3] =	stream.indirect.scatter.add.f32 [tilespmem:s26], [sflag:$0x8], $0x40, s24, s16, $0xb8;
	[tilespmem:$0x16940] =	vst v63  }
0x1a: {  	_ =	swait.ge [sflag:s7], $0x1F40  }
0x1b: {  	[sflag:s7] =	ssyncset.done $0x0  }
0x1c: {  	[sflag:s7] =	ssyncadd.s32 $0xFFFFE0C0  }
0x1d: {  	_ =	swait.ge [sflag:s9], $0x1F40  }
0x1e: {  	[sflag:s9] =	ssyncset.done $0x0  }
0x1f: {  	[sflag:s9] =	ssyncadd.s32 $0xFFFFE0C0  }
0x20: {  	_ =	swait.ge [sflag:s10], $0x1F40  }
0x21: {  	[sflag:s10] =	ssyncset.done $0x0  }
0x22: {  	[sflag:s10] =	ssyncadd.s32 $0xFFFFE0C0  }
0x23: {  	[bflag:$0x0] =	sbarrier.arrive $0xFFFF  }
0x24: {  	s18 =	rddreg [dreg:$0x7]  }
0x25: {  	[hbm:s18], [sflag:s14] =	dma.local [spmem:s15], $0x13C0  }
0x26: {  	_ =	swait.ge [sflag:s12], $0x13C0  }
0x27: {  	s11 =	sadd.s32 $0x1, s11;
	s25 =	rddreg [dreg:$0x8]  }
0x28: {  	p0 =	sne.s32 s11, s25  }
.Ltmp1:
0x29: {  	_ = 	snop;
	(pc) =	sbr.rel @!p0 .LBB2_8-.Ltmp1, $3  }
0x2a: {  	_ =	sdelay $0x1  }
0x2b: {  	[sflag:s12] =	ssyncset.done $0x0  }
0x2c: {  	[sflag:s12] =	ssyncadd.s32 $0xFFFFEC40  }
.LBB2_1:
0x2d: {  	s18 =	rddreg [dreg:$0x4]  }
0x2e: {  	[tilespmem:s4], [sflag:$0x9] =	stream.linear.gather [hbm4b:s18+s4], $0x2800, $0x38;
	[tilespmem:$0x16940] =	vst v63  }
0x2f: {  	_ =	swait.ge [sflag:s12], $0x2800  }
0x30: {  	[sflag:s12] =	ssyncset.done $0x0  }
0x31: {  	s24 =	rddreg [dreg:$0x5];
	[sflag:s12] =	ssyncadd.s32 $0xFFFFD800  }
0x32: {  	[tilespmem:s13], [sflag:$0x9] =	stream.linear.gather [hbm4b:s24+s4], $0x2800, $0x38;
	[tilespmem:$0x16940] =	vst v63  }
0x33: {  	_ =	swait.ge [sflag:s12], $0x2800  }
0x34: {  	[sflag:s12] =	ssyncset.done $0x0  }
0x35: {  	[sflag:s12] =	ssyncadd.s32 $0xFFFFD800  }
0x36: {  	[spmem:s15], [sflag:s14] =	dma.local [hbm:s6], $0x13C0  }
0x37: {  	_ =	swait.ge [sflag:s12], $0x13C0  }
0x38: {  	[sflag:s12] =	ssyncset.done $0x0  }
0x39: {  	[sflag:s12] =	ssyncadd.s32 $0xFFFFEC40  }
0x3a: {  	[bflag:$0x0] =	sbarrier.arrive $0xFFFF  }
0x3b: {  	[tilespmem:s17], [sflag:$0x1] =	stream.indirect.gather [hbm4b:s1+s16], $0x40, s4, s16, $0xb8;
	[tilespmem:$0x16940] =	vst v63  }
0x3c: {  	s25 =	simm.s32 $0x80  }
0x3d: {  	[tilespmem:s19], [sflag:$0x2] =	stream.indirect.gather [hbm4b:s1+s16], $0x40, s25, s16, $0xb8;
	[tilespmem:$0x16940] =	vst v63  }
0x3e: {  	_ =	swait.ge [sflag:s20], $0x1F40  }
0x3f: {  	[sflag:s20] =	ssyncset.done $0x0  }
0x40: {  	[sflag:s20] =	ssyncadd.s32 $0xFFFFE0C0  }
0x41: {  	[spmem:s3] =	stream.indirect.scatter.add.f32 [tilespmem:s17], [sflag:$0x5], $0x40, s13, s16, $0xb8;
	[tilespmem:$0x16940] =	vst v63  }
0x42: {  	s21 =	simm.s32 $0x100  }
0x43: {  	[tilespmem:s22], [sflag:$0x3] =	stream.indirect.gather [hbm4b:s1+s16], $0x40, s21, s16, $0xb8;
	[tilespmem:$0x16940] =	vst v63  }
0x44: {  	_ =	swait.ge [sflag:s23], $0x1F40  }
0x45: {  	[sflag:s23] =	ssyncset.done $0x0  }
0x46: {  	s24 =	simm.s32 $0x2880;
	[sflag:s23] =	ssyncadd.s32 $0xFFFFE0C0  }
0x47: {  	[spmem:s3] =	stream.indirect.scatter.add.f32 [tilespmem:s19], [sflag:$0x6], $0x40, s24, s16, $0xb8;
	[tilespmem:$0x16940] =	vst v63  }
0x48: {  	s25 =	simm.s32 $0x180  }
0x49: {  	[tilespmem:s26], [sflag:$0x4] =	stream.indirect.gather [hbm4b:s1+s16], $0x40, s25, s16, $0xb8;
	[tilespmem:$0x16940] =	vst v63  }
0x4a: {  	_ =	swait.ge [sflag:s28], $0x1F40  }
0x4b: {  	[sflag:s28] =	ssyncset.done $0x0  }
0x4c: {  	[sflag:s28] =	ssyncadd.s32 $0xFFFFE0C0  }
0x4d: {  	[spmem:s3] =	stream.indirect.scatter.add.f32 [tilespmem:s22], [sflag:$0x7], $0x40, s29, s16, $0xb8;
	[tilespmem:$0x16940] =	vst v63  }
0x4e: {  	_ =	swait.ge [sflag:s30], $0x1F40  }
0x4f: {  	[sflag:s30] =	ssyncset.done $0x0  }
0x50: {  	[sflag:s30] =	ssyncadd.s32 $0xFFFFE0C0  }
0x51: {  	[tilespmem:s17], [sflag:$0x1] =	stream.indirect.gather [hbm4b:s1+s16], $0x40, s31, s16, $0xb8;
	[tilespmem:$0x16940] =	vst v63  }
0x52: {  	_ =	swait.ge [sflag:s2], $0x1F40  }
0x53: {  	[sflag:s2] =	ssyncset.done $0x0  }
0x54: {  	[sflag:s2] =	ssyncadd.s32 $0xFFFFE0C0  }
0x55: {  	[spmem:s3] =	stream.indirect.scatter.add.f32 [tilespmem:s26], [sflag:$0x8], $0x40, s0, s16, $0xb8;
	[tilespmem:$0x16940] =	vst v63  }
0x56: {  	_ =	swait.ge [sflag:s7], $0x1F40  }
0x57: {  	[sflag:s7] =	ssyncset.done $0x0  }
0x58: {  	s18 =	simm.s32 $0x0;
	[sflag:s7] =	ssyncadd.s32 $0xFFFFE0C0  }
0x59: {  	[tilespmem:s19], [sflag:$0x2] =	stream.indirect.gather [hbm4b:s1+s16], $0x40, s8, s16, $0xb8;
	[tilespmem:$0x16940] =	vst v63  }
.LBB2_2:
0x5a: {  	_ =	swait.ge [sflag:s20], $0x1F40  }
0x5b: {  	s21 =	sshra.s32 s18, $0x2;
	[sflag:s20] =	ssyncset.done $0x0  }
0x5c: {  	s24 =	sadd.s32 $0x2A00, s21;
	[sflag:s20] =	ssyncadd.s32 $0xFFFFE0C0  }
0x5d: {  	[spmem:s3] =	stream.indirect.scatter.add.f32 [tilespmem:s17], [sflag:$0x5], $0x40, s24, s16, $0xb8;
	[tilespmem:$0x16940] =	vst v63  }
0x5e: {  	_ =	swait.ge [sflag:s9], $0x1F40  }
0x5f: {  	[sflag:s9] =	ssyncset.done $0x0  }
0x60: {  	s25 =	sadd.s32 $0x300, s21;
	[sflag:s9] =	ssyncadd.s32 $0xFFFFE0C0  }
0x61: {  	[tilespmem:s22], [sflag:$0x3] =	stream.indirect.gather [hbm4b:s1+s16], $0x40, s25, s16, $0xb8;
	[tilespmem:$0x16940] =	vst v63  }
0x62: {  	_ =	swait.ge [sflag:s23], $0x1F40  }
0x63: {  	[sflag:s23] =	ssyncset.done $0x0  }
0x64: {  	s25 =	sadd.s32 $0x2A80, s21;
	[sflag:s23] =	ssyncadd.s32 $0xFFFFE0C0  }
0x65: {  	[spmem:s3] =	stream.indirect.scatter.add.f32 [tilespmem:s19], [sflag:$0x6], $0x40, s25, s16, $0xb8;
	[tilespmem:$0x16940] =	vst v63  }
0x66: {  	_ =	swait.ge [sflag:s10], $0x1F40  }
0x67: {  	[sflag:s10] =	ssyncset.done $0x0  }
0x68: {  	s25 =	sadd.s32 $0x380, s21;
	[sflag:s10] =	ssyncadd.s32 $0xFFFFE0C0  }
0x69: {  	[tilespmem:s26], [sflag:$0x4] =	stream.indirect.gather [hbm4b:s1+s16], $0x40, s25, s16, $0xb8;
	[tilespmem:$0x16940] =	vst v63  }
0x6a: {  	_ =	swait.ge [sflag:s28], $0x1F40  }
0x6b: {  	p0 =	seq.s32 s18, $0x9000;
	[sflag:s28] =	ssyncset.done $0x0  }
.Ltmp2:
0x6c: {  	s25 =	sadd.s32 $0x2B00, s21;
	[sflag:s28] =	ssyncadd.s32 $0xFFFFE0C0;
	(pc) =	sbr.rel @p0 .LBB2_4-.Ltmp2, $4  }
0x6d: {  	[spmem:s3] =	stream.indirect.scatter.add.f32 [tilespmem:s22], [sflag:$0x7], $0x40, s25, s16, $0xb8;
	[tilespmem:$0x16940] =	vst v63  }
0x6e: {  	_ =	swait.ge [sflag:s30], $0x1F40  }
0x6f: {  	[sflag:s30] =	ssyncset.done $0x0  }
0x70: {  	s24 =	sadd.s32 $0x2B80, s21;
	[sflag:s30] =	ssyncadd.s32 $0xFFFFE0C0  }
0x71: {  	s25 =	sadd.s32 $0x400, s21  }
0x72: {  	[tilespmem:s17], [sflag:$0x1] =	stream.indirect.gather [hbm4b:s1+s16], $0x40, s25, s16, $0xb8;
	[tilespmem:$0x16940] =	vst v63  }
0x73: {  	_ =	swait.ge [sflag:s2], $0x1F40  }
0x74: {  	[sflag:s2] =	ssyncset.done $0x0  }
0x75: {  	[sflag:s2] =	ssyncadd.s32 $0xFFFFE0C0  }
0x76: {  	[spmem:s3] =	stream.indirect.scatter.add.f32 [tilespmem:s26], [sflag:$0x8], $0x40, s24, s16, $0xb8;
	[tilespmem:$0x16940] =	vst v63  }
.Ltmp3:
0x77: {  	_ = 	snop;
	(pc) =	sbr.rel .LBB2_2-.Ltmp3, $4  }
0x78: {  	_ =	swait.ge [sflag:s7], $0x1F40  }
0x79: {  	[sflag:s7] =	ssyncset.done $0x0  }
0x7a: {  	s18 =	sadd.s32 $0x800, s18;
	s25 =	sadd.s32 $0x480, s21;
	[sflag:s7] =	ssyncadd.s32 $0xFFFFE0C0  }
0x7b: {  	[tilespmem:s19], [sflag:$0x2] =	stream.indirect.gather [hbm4b:s1+s16], $0x40, s25, s16, $0xb8;
	[tilespmem:$0x16940] =	vst v63  }
.LBB2_4:
0x7c: {  	_ =	swait.ge [sflag:s2], $0x1F40  }
0x7d: {  	[sflag:s2] =	ssyncset.done $0x0  }
0x7e: {  	[sflag:s2] =	ssyncadd.s32 $0xFFFFE0C0  }
0x7f: {  	[spmem:s3] =	stream.indirect.scatter.add.f32 [tilespmem:s26], [sflag:$0x8], $0x40, s24, s16, $0xb8;
	[tilespmem:$0x16940] =	vst v63  }
0x80: {  	_ =	swait.ge [sflag:s7], $0x1F40  }
0x81: {  	[sflag:s7] =	ssyncset.done $0x0  }
0x82: {  	[sflag:s7] =	ssyncadd.s32 $0xFFFFE0C0  }
0x83: {  	_ =	swait.ge [sflag:s9], $0x1F40  }
0x84: {  	[sflag:s9] =	ssyncset.done $0x0  }
0x85: {  	[sflag:s9] =	ssyncadd.s32 $0xFFFFE0C0  }
0x86: {  	_ =	swait.ge [sflag:s10], $0x1F40  }
0x87: {  	[sflag:s10] =	ssyncset.done $0x0  }
0x88: {  	[sflag:s10] =	ssyncadd.s32 $0xFFFFE0C0  }
0x89: {  	[bflag:$0x0] =	sbarrier.arrive $0xFFFF  }
0x8a: {  	s18 =	rddreg [dreg:$0x6]  }
0x8b: {  	[hbm:s18], [sflag:s14] =	dma.local [spmem:s15], $0x13C0  }
0x8c: {  	_ =	swait.ge [sflag:s12], $0x13C0  }
0x8d: {  	[sflag:s12] =	ssyncset.done $0x0  }
0x8e: {  	[sflag:s12] =	ssyncadd.s32 $0xFFFFEC40  }
0x8f: {  	[spmem:s15], [sflag:s14] =	dma.local [hbm:s6], $0x13C0  }
0x90: {  	_ =	swait.ge [sflag:s12], $0x13C0  }
0x91: {  	[sflag:s12] =	ssyncset.done $0x0  }
0x92: {  	[sflag:s12] =	ssyncadd.s32 $0xFFFFEC40  }
0x93: {  	s18 =	simm.s32 $0x0;
	[bflag:$0x0] =	sbarrier.arrive $0xFFFF  }
0x94: {  	[tilespmem:s17], [sflag:$0x1] =	stream.indirect.gather [hbm4b:s5+s16], $0x40, s18, s16, $0xb8;
	[tilespmem:$0x16940] =	vst v63  }
0x95: {  	s21 =	simm.s32 $0x80  }
0x96: {  	[tilespmem:s19], [sflag:$0x2] =	stream.indirect.gather [hbm4b:s5+s16], $0x40, s21, s16, $0xb8;
	[tilespmem:$0x16940] =	vst v63  }
0x97: {  	_ =	swait.ge [sflag:s20], $0x1F40  }
0x98: {  	[sflag:s20] =	ssyncset.done $0x0  }
0x99: {  	[sflag:s20] =	ssyncadd.s32 $0xFFFFE0C0  }
0x9a: {  	[spmem:s3] =	stream.indirect.scatter.add.f32 [tilespmem:s17], [sflag:$0x5], $0x40, s13, s16, $0xb8;
	[tilespmem:$0x16940] =	vst v63  }
0x9b: {  	s25 =	simm.s32 $0x100  }
0x9c: {  	[tilespmem:s22], [sflag:$0x3] =	stream.indirect.gather [hbm4b:s5+s16], $0x40, s25, s16, $0xb8;
	[tilespmem:$0x16940] =	vst v63  }
0x9d: {  	_ =	swait.ge [sflag:s23], $0x1F40  }
0x9e: {  	[sflag:s23] =	ssyncset.done $0x0  }
0x9f: {  	s24 =	simm.s32 $0x2880;
	[sflag:s23] =	ssyncadd.s32 $0xFFFFE0C0  }
0xa0: {  	[spmem:s3] =	stream.indirect.scatter.add.f32 [tilespmem:s19], [sflag:$0x6], $0x40, s24, s16, $0xb8;
	[tilespmem:$0x16940] =	vst v63  }
0xa1: {  	s25 =	simm.s32 $0x180  }
0xa2: {  	[tilespmem:s26], [sflag:$0x4] =	stream.indirect.gather [hbm4b:s5+s16], $0x40, s25, s16, $0xb8;
	[tilespmem:$0x16940] =	vst v63  }
0xa3: {  	_ =	swait.ge [sflag:s28], $0x1F40  }
0xa4: {  	[sflag:s28] =	ssyncset.done $0x0  }
0xa5: {  	[sflag:s28] =	ssyncadd.s32 $0xFFFFE0C0  }
0xa6: {  	[spmem:s3] =	stream.indirect.scatter.add.f32 [tilespmem:s22], [sflag:$0x7], $0x40, s29, s16, $0xb8;
	[tilespmem:$0x16940] =	vst v63  }
0xa7: {  	_ =	swait.ge [sflag:s30], $0x1F40  }
0xa8: {  	[sflag:s30] =	ssyncset.done $0x0  }
0xa9: {  	[sflag:s30] =	ssyncadd.s32 $0xFFFFE0C0  }
0xaa: {  	[tilespmem:s17], [sflag:$0x1] =	stream.indirect.gather [hbm4b:s5+s16], $0x40, s31, s16, $0xb8;
	[tilespmem:$0x16940] =	vst v63  }
0xab: {  	_ =	swait.ge [sflag:s2], $0x1F40  }
0xac: {  	[sflag:s2] =	ssyncset.done $0x0  }
0xad: {  	[sflag:s2] =	ssyncadd.s32 $0xFFFFE0C0  }
0xae: {  	[spmem:s3] =	stream.indirect.scatter.add.f32 [tilespmem:s26], [sflag:$0x8], $0x40, s0, s16, $0xb8;
	[tilespmem:$0x16940] =	vst v63  }
0xaf: {  	_ =	swait.ge [sflag:s7], $0x1F40  }
0xb0: {  	[sflag:s7] =	ssyncset.done $0x0  }
0xb1: {  	[sflag:s7] =	ssyncadd.s32 $0xFFFFE0C0  }
0xb2: {  	[tilespmem:s19], [sflag:$0x2] =	stream.indirect.gather [hbm4b:s5+s16], $0x40, s8, s16, $0xb8;
	[tilespmem:$0x16940] =	vst v63  }
.LBB2_5:
0xb3: {  	_ =	swait.ge [sflag:s20], $0x1F40  }
0xb4: {  	s21 =	sshra.s32 s18, $0x2;
	[sflag:s20] =	ssyncset.done $0x0  }
0xb5: {  	s24 =	sadd.s32 $0x2A00, s21;
	[sflag:s20] =	ssyncadd.s32 $0xFFFFE0C0  }
0xb6: {  	[spmem:s3] =	stream.indirect.scatter.add.f32 [tilespmem:s17], [sflag:$0x5], $0x40, s24, s16, $0xb8;
	[tilespmem:$0x16940] =	vst v63  }
0xb7: {  	_ =	swait.ge [sflag:s9], $0x1F40  }
0xb8: {  	[sflag:s9] =	ssyncset.done $0x0  }
0xb9: {  	s25 =	sadd.s32 $0x300, s21;
	[sflag:s9] =	ssyncadd.s32 $0xFFFFE0C0  }
0xba: {  	[tilespmem:s22], [sflag:$0x3] =	stream.indirect.gather [hbm4b:s5+s16], $0x40, s25, s16, $0xb8;
	[tilespmem:$0x16940] =	vst v63  }
0xbb: {  	_ =	swait.ge [sflag:s23], $0x1F40  }
0xbc: {  	[sflag:s23] =	ssyncset.done $0x0  }
0xbd: {  	s25 =	sadd.s32 $0x2A80, s21;
	[sflag:s23] =	ssyncadd.s32 $0xFFFFE0C0  }
0xbe: {  	[spmem:s3] =	stream.indirect.scatter.add.f32 [tilespmem:s19], [sflag:$0x6], $0x40, s25, s16, $0xb8;
	[tilespmem:$0x16940] =	vst v63  }
0xbf: {  	_ =	swait.ge [sflag:s10], $0x1F40  }
0xc0: {  	[sflag:s10] =	ssyncset.done $0x0  }
0xc1: {  	s25 =	sadd.s32 $0x380, s21;
	[sflag:s10] =	ssyncadd.s32 $0xFFFFE0C0  }
0xc2: {  	[tilespmem:s26], [sflag:$0x4] =	stream.indirect.gather [hbm4b:s5+s16], $0x40, s25, s16, $0xb8;
	[tilespmem:$0x16940] =	vst v63  }
0xc3: {  	_ =	swait.ge [sflag:s28], $0x1F40  }
0xc4: {  	p0 =	seq.s32 s18, $0x9000;
	[sflag:s28] =	ssyncset.done $0x0  }
.Ltmp4:
0xc5: {  	s25 =	sadd.s32 $0x2B00, s21;
	[sflag:s28] =	ssyncadd.s32 $0xFFFFE0C0;
	(pc) =	sbr.rel @p0 .LBB2_7-.Ltmp4, $4  }
0xc6: {  	[spmem:s3] =	stream.indirect.scatter.add.f32 [tilespmem:s22], [sflag:$0x7], $0x40, s25, s16, $0xb8;
	[tilespmem:$0x16940] =	vst v63  }
0xc7: {  	_ =	swait.ge [sflag:s30], $0x1F40  }
0xc8: {  	[sflag:s30] =	ssyncset.done $0x0  }
0xc9: {  	s24 =	sadd.s32 $0x2B80, s21;
	[sflag:s30] =	ssyncadd.s32 $0xFFFFE0C0  }
0xca: {  	s25 =	sadd.s32 $0x400, s21  }
0xcb: {  	[tilespmem:s17], [sflag:$0x1] =	stream.indirect.gather [hbm4b:s5+s16], $0x40, s25, s16, $0xb8;
	[tilespmem:$0x16940] =	vst v63  }
0xcc: {  	_ =	swait.ge [sflag:s2], $0x1F40  }
0xcd: {  	[sflag:s2] =	ssyncset.done $0x0  }
0xce: {  	[sflag:s2] =	ssyncadd.s32 $0xFFFFE0C0  }
0xcf: {  	[spmem:s3] =	stream.indirect.scatter.add.f32 [tilespmem:s26], [sflag:$0x8], $0x40, s24, s16, $0xb8;
	[tilespmem:$0x16940] =	vst v63  }
.Ltmp5:
0xd0: {  	_ = 	snop;
	(pc) =	sbr.rel .LBB2_5-.Ltmp5, $4  }
0xd1: {  	_ =	swait.ge [sflag:s7], $0x1F40  }
0xd2: {  	[sflag:s7] =	ssyncset.done $0x0  }
0xd3: {  	s18 =	sadd.s32 $0x800, s18;
	s25 =	sadd.s32 $0x480, s21;
	[sflag:s7] =	ssyncadd.s32 $0xFFFFE0C0  }
0xd4: {  	[tilespmem:s19], [sflag:$0x2] =	stream.indirect.gather [hbm4b:s5+s16], $0x40, s25, s16, $0xb8;
	[tilespmem:$0x16940] =	vst v63  }
.LBB2_8:
0xd5: {  	_ =	sfence.sel $0x180000  }
0xd6: {  	[bflag:$0x0] =	sbarrier.arrive $0xFFFF  }
0xd7: {  	_ =	strace $0x9000004A  }
0xd8: {  	s0 =	stileid.u32;
	[bflag:$0x2] =	sbarrier.arrive $0xFFFF  }
0xd9: {  	p0 =	sne.s32 s0, $0x0;
	s0 =	rddreg [dreg:$0x3]  }
0xda: {  	s0 =	sadd.s32 @!p0 $0x100000, s0  }
0xdb: {  	[sflag:s0] =	ssyncadd.tile.s32 @!p0 $0x1;
	_ =	shalt  }
.Lfunc_end2:
_tile_overlayer_lowered:
.L_overlay_start_2:
0xdc: {  	(tag) =	ssettag $0x2  }
0xdd: {  	s0 =	rddreg [dreg:$0x0];
	s2 =	stileid.u32  }
0xde: {  	s1 =	rddreg [dreg:$0x1];
	p0 =	sne.s32 s2, $0x0  }
0xdf: {  	s3 =	rddreg [dreg:$0x2];
	[bflag:$0x3] =	sbarrier.arrive $0xFFFF;
	s2 =	simm.s32 @!p0 $0x1C09  }
0xe0: {  	[timem:s3], [sflag:s2] =	dma.local @!p0 [hbm:s0], s1  }
0xe1: {  	s0 =	simm.s32 @!p0 $0x9  }
0xe2: {  	_ =	swait.ge @!p0 [sflag:s0], s1  }
0xe3: {  	s1 =	ssub.s32 @!p0 $0x0, s1;
	[sflag:s0] =	ssyncset.done @!p0 $0x0  }
0xe4: {  	[sflag:s0] =	ssyncadd.s32 @!p0 s1  }
0xe5: {  	[bflag:$0x3] =	sbarrier.arrive $0xFFFF  }
0xe6: {  	_ =	shalt  }

// kernel: kernel.16.cloned.1.call-start
scs
__scs_entry_jumppad:
0x0: {  	(pc) =	sbr.rel $0x88, $3  }
0x1: {  	(tag) =	ssettag $0x0;
	lr =	simm.s32 $0x1  }
0x2: {  	[smem:$0x3F99] =	sst lr;
	_ =	strace $0xD0000000  }
0x3: {  	_ = 	snop  }
0x4: {  	_ = 	snop  }
0x5: {  	_ = 	snop  }
0x6: {  	_ = 	snop  }
0x7: {  	_ = 	snop  }
__scs_overlays_trampoline_lowered:
0x8: {  	[smem:$0x3FA8] =	sst s0  }
0x9: {  	[smem:$0x3FA9] =	sst s1  }
0xa: {  	[smem:$0x3FAA] =	sst s2  }
0xb: {  	[smem:$0x3FAB] =	sst s3  }
0xc: {  	[smem:$0x3FAC] =	sst s4  }
0xd: {  	[smem:$0x3FAD] =	sst s5  }
0xe: {  	[smem:$0x3FAE] =	sst s6  }
0xf: {  	[smem:$0x3FAF] =	sst s7  }
0x10: {  	[smem:$0x3FB0] =	sst s8  }
0x11: {  	[smem:$0x3FB1] =	sst s9;
	s0 =	simm.s32 @!p0 $0x0  }
0x12: {  	s1 =	sld [smem:$0x3F97];
	s0 =	simm.s32 @p0 $0x1  }
0x13: {  	[smem:$0x3FB2] =	sst s0;
	s0 =	simm.s32 @!p1 $0x0  }
0x14: {  	s2 =	sld [smem:$0x3F96];
	s0 =	simm.s32 @p1 $0x1  }
0x15: {  	[smem:$0x3FB3] =	sst s0;
	s0 =	simm.s32 @!p2 $0x0  }
0x16: {  	s3 =	sld [smem:$0x3FDB];
	s0 =	simm.s32 @p2 $0x1  }
0x17: {  	s4 =	simm.s32 $0x1BF5;
	[smem:$0x3FB5] =	sst s0  }
0x18: {  	s0 =	sld [smem:$0x3F98];
	_ =	swait.ge [sflag:s4], $0x0  }
0x19: {  	s7 =	sld [smem:$0x3F99]  }
0x1a: {  	s8 =	sadd.s32 $0xFFFFE003, lr  }
0x1b: {  	s9 =	sadd.s32 $0xFFFFFEF7, lr;
	s5 =	simm.s32 $0xFFFFFFFF;
	p2 =	slt.u32 s8, $0xFFFFF086  }
0x1c: {  	p1 =	slt.u32 s9, $0xF7A;
	s5 =	simm.s32 @!p2 $0x0  }
0x1d: {  	s5 =	simm.s32 @p1 $0x1;
	p0 =	seq.s32 s7, s2  }
0x1e: {  	s7 =	smul.u32 @!p0 $0xF7A, s2;
	p2 =	seq.s32 @!p0 s5, $0x0  }
0x1f: {  	s9 =	smul.u32 $0xF7A, s1;
	s8 =	simm.s32 @!p0 $0x1BF5;
	p2 =	por !p2, p0  }
0x20: {  	[sflag:s8] =	ssyncset.s32 @!p0 $0xFFFFF086;
	s6 =	sadd.s32 @!p0 s3, s7;
	s7 =	simm.s32 @!p0 $0x108  }
0x21: {  	s3 =	sadd.s32 s3, s9;
	s6 =	sadd.s32 @!p0 $0x88, s6;
	s7 =	simm.s32 @p2 $0x1082  }
0x22: {  	[simem:s7], [sflag:s8] =	dma.local @!p0 [hbm:s6], $0xF7A  }
0x23: {  	s9 =	sor.u32 $0xD0000000, s2;
	s6 =	simm.s32 $0x108;
	_ =	swait.ge @!p0 [sflag:s8], $0x0  }
0x24: {  	s3 =	sadd.s32 $0x88, s3;
	s6 =	simm.s32 @!p1 $0x1082;
	[sflag:s4] =	ssyncset.s32 $0xFFFFF086  }
0x25: {  	[simem:s6], [sflag:s4] =	dma.local [hbm:s3], $0xF7A  }
0x26: {  	[smem:$0x3F99] =	sst s1;
	(tag) =	ssettag s2;
	_ =	strace s9  }
0x27: {  	s1 =	sld [smem:$0x3FA9]  }
0x28: {  	s2 =	sld [smem:$0x3FAA]  }
0x29: {  	s4 =	sld [smem:$0x3FAC]  }
0x2a: {  	p0 =	seq.s32 s5, $0x0;
	s5 =	sld [smem:$0x3FAD]  }
0x2b: {  	s6 =	sld [smem:$0x3FAE]  }
0x2c: {  	s7 =	sld [smem:$0x3FAF]  }
0x2d: {  	s3 =	simm.s32 $0x108;
	s8 =	sld [smem:$0x3FB0]  }
0x2e: {  	s3 =	simm.s32 @!p0 $0x1082;
	s9 =	sld [smem:$0x3FB1]  }
0x2f: {  	lr =	sadd.s32 s0, s3;
	s0 =	sld [smem:$0x3FA8]  }
0x30: {  	s3 =	sld [smem:$0x3FAB]  }
0x31: {  	[smem:$0x3FB4] =	sst s10  }
0x32: {  	s10 =	sld [smem:$0x3FB2];
	_ =	sdelay $0x3  }
0x33: {  	p0 =	seq.s32 s10, $0x1;
	s10 =	sld [smem:$0x3FB4];
	_ =	sdelay $0x3  }
0x34: {  	[smem:$0x3FB4] =	sst s10  }
0x35: {  	s10 =	sld [smem:$0x3FB3];
	_ =	sdelay $0x3  }
0x36: {  	p1 =	seq.s32 s10, $0x1;
	s10 =	sld [smem:$0x3FB4];
	_ =	sdelay $0x3  }
0x37: {  	[smem:$0x3FB4] =	sst s10  }
0x38: {  	s10 =	sld [smem:$0x3FB5]  }
0x39: {  	_ = 	snop;
	(pc) =	sbr.ind lr, $3  }
0x3a: {  	_ = 	snop  }
0x3b: {  	_ = 	snop  }
0x3c: {  	p2 =	seq.s32 s10, $0x1;
	s10 =	sld [smem:$0x3FB4]  }
0x3d: {  	_ =	shalt  }
0x3e: {  	_ =	shalt  }
0x3f: {  	_ =	shalt  }
0x40: {  	_ =	shalt  }
0x41: {  	_ =	shalt  }
0x42: {  	_ =	shalt  }
0x43: {  	_ =	shalt  }
0x44: {  	_ =	shalt  }
0x45: {  	_ =	shalt  }
0x46: {  	_ =	shalt  }
0x47: {  	_ =	shalt  }
0x48: {  	_ =	shalt  }
0x49: {  	_ =	shalt  }
0x4a: {  	_ =	shalt  }
0x4b: {  	_ =	shalt  }
0x4c: {  	_ =	shalt  }
0x4d: {  	_ =	shalt  }
0x4e: {  	_ =	shalt  }
0x4f: {  	_ =	shalt  }
0x50: {  	_ =	shalt  }
0x51: {  	_ =	shalt  }
0x52: {  	_ =	shalt  }
0x53: {  	_ =	shalt  }
0x54: {  	_ =	shalt  }
0x55: {  	_ =	shalt  }
0x56: {  	_ =	shalt  }
0x57: {  	_ =	shalt  }
0x58: {  	_ =	shalt  }
0x59: {  	_ =	shalt  }
0x5a: {  	_ =	shalt  }
0x5b: {  	_ =	shalt  }
0x5c: {  	_ =	shalt  }
0x5d: {  	_ =	shalt  }
0x5e: {  	_ =	shalt  }
0x5f: {  	_ =	shalt  }
0x60: {  	_ =	shalt  }
0x61: {  	_ =	shalt  }
0x62: {  	_ =	shalt  }
0x63: {  	_ =	shalt  }
0x64: {  	_ =	shalt  }
0x65: {  	_ =	shalt  }
0x66: {  	_ =	shalt  }
0x67: {  	_ =	shalt  }
0x68: {  	_ =	shalt  }
0x69: {  	_ =	shalt  }
0x6a: {  	_ =	shalt  }
0x6b: {  	_ =	shalt  }
0x6c: {  	_ =	shalt  }
0x6d: {  	_ =	shalt  }
0x6e: {  	_ =	shalt  }
0x6f: {  	_ =	shalt  }
0x70: {  	_ =	shalt  }
0x71: {  	_ =	shalt  }
0x72: {  	_ =	shalt  }
0x73: {  	_ =	shalt  }
0x74: {  	_ =	shalt  }
0x75: {  	_ =	shalt  }
0x76: {  	_ =	shalt  }
0x77: {  	_ =	shalt  }
0x78: {  	_ =	shalt  }
0x79: {  	_ =	shalt  }
0x7a: {  	_ =	shalt  }
0x7b: {  	_ =	shalt  }
0x7c: {  	_ =	shalt  }
0x7d: {  	_ =	shalt  }
0x7e: {  	_ =	shalt  }
0x7f: {  	_ =	shalt  }
0x80: {  	_ =	shalt  }
0x81: {  	_ =	shalt  }
0x82: {  	_ =	shalt  }
0x83: {  	_ =	shalt  }
0x84: {  	_ =	shalt  }
0x85: {  	_ =	shalt  }
0x86: {  	_ =	shalt  }
0x87: {  	_ =	shalt  }
.Lfunc_end0:
.L_simem_size_0:
called_computation.2_lowered:
.L_overlay_start_0:
0x88: {  	s2 =	sld [smem:$0x3FD9]  }
0x89: {  	s3 =	sld [smem:$0x3FFE];
	_ =	sdelay $0x1  }
0x8a: {  	s1 =	srdreg.scid  }
0x8b: {  	s0 =	sand.u32 $0x1, s1  }
0x8c: {  	s17 =	sshll.u32 s0, $0xA;
	s2 =	sadd.s32 s3, s2  }
0x8d: {  	s2 =	sadd.s32 s2, s17  }
0x8e: {  	[smem:$0x3FC0] =	sst s2  }
0x8f: {  	_ = 	snop  }
0x90: {  	s2 =	sld [smem:$0x3FD0];
	(tm) =	ssettm $0x1  }
0x91: {  	s18 =	sld [smem:$0x3FFB];
	_ =	sdelay $0x3  }
0x92: {  	_ =	strace s18  }
0x93: {  	s3 =	sld [smem:$0x3FFC];
	_ =	sdelay $0x3  }
0x94: {  	_ =	strace s3  }
0x95: {  	s3 =	sld [smem:$0x3FFD];
	_ =	sdelay $0x3  }
0x96: {  	_ =	strace s3  }
0x97: {  	_ =	strace $0x8FFFFFFF  }
0x98: {  	s19 =	sld [smem:$0x3FDB];
	_ =	sdelay $0x1  }
0x99: {  	s4 =	simm.s32 $_scs_section_size  }
0x9a: {  	s5 =	simm.s32 $_size__tile_overlayer_lowered;
	s6 =	simm.s32 $_tile_overlayer_lowered  }
0x9b: {  	s22 =	simm.s32 $0x1BFF;
	s21 =	sshll.u32 s6, $0x1;
	s3 =	sadd.s32 s4, s19  }
0x9c: {  	s7 =	simm.s32 $0x0;
	s20 =	sshll.u32 s5, $0x1;
	s5 =	sadd.s32 s21, s3  }
0x9d: {  	[timem:s7], [sflag:s22] =	dma.local [hbm:s5], s20  }
0x9e: {  	_ =	swait.ge [sflag:s22], s20  }
0x9f: {  	s4 =	ssub.s32 $0x0, s20;
	[sflag:s22] =	ssyncset.done $0x0  }
0xa0: {  	[sflag:s22] =	ssyncadd.s32 s4;
	_ =	sdelay $0x1  }
0xa1: {  	s23 =	simm.s32 $0x1B8B  }
0xa2: {  	_ =	swait.ge [sflag:s23], $0x1  }
0xa3: {  	[sflag:s23] =	ssyncset.done $0x0  }
0xa4: {  	s25 =	simm.s32 $0x1B8E;
	s24 =	sld [smem:$0x3FFE];
	[sflag:s23] =	ssyncadd.s32 $0xFFFFFFFF  }
0xa5: {  	s26 =	simm.s32 $execute0_lowered;
	[smem:$0x3FD2] =	sst s25  }
0xa6: {  	s5 =	sshll.u32 s26, $0x1;
	_ =	strace $0x8000004C;
	[dreg:$0x1] =	wrdreg $0xFFFFFFFF  }
0xa7: {  	s28 =	simm.s32 $_size_execute0_lowered;
	s3 =	sadd.s32 s3, s5;
	[dreg:$0x0] =	wrdreg $0x0  }
0xa8: {  	s5 =	sshll.u32 s28, $0x1;
	[dreg:$0x2] =	wrdreg s3  }
0xa9: {  	[dreg:$0x3] =	wrdreg s5  }
0xaa: {  	[dreg:$0x4] =	wrdreg $0xC0  }
0xab: {  	_ =	task [dreg:s7], $0x5FFFF  }
0xac: {  	[dreg:$0x1] =	wrdreg $0xFFFFFFFF  }
0xad: {  	[dreg:$0x0] =	wrdreg $0x60  }
0xae: {  	[dreg:$0x2] =	wrdreg s2  }
0xaf: {  	[dreg:$0x3] =	wrdreg s24  }
0xb0: {  	[dreg:$0x4] =	wrdreg $0xCD000  }
0xb1: {  	[dreg:$0x5] =	wrdreg $0x9  }
0xb2: {  	_ =	task.clear_ibuf [dreg:s7], $0x6FFFF;
	_ =	strace $0x9000004C  }
0xb3: {  	s29 =	simm.s32 $0x9;
	_ =	strace $0x8000004E  }
0xb4: {  	_ =	swait.ge [sflag:s29], $0x1  }
0xb5: {  	[sflag:s29] =	ssyncadd.s32 $0xFFFFFFFF  }
0xb6: {  	_ =	strace $0x9000004E  }
0xb7: {  	_ =	sfence  }
0xb8: {  	s30 =	sld [smem:$0x0];
	_ =	sdelay $0x2  }
0xb9: {  	s31 =	sshll.u32 s1, $0xD;
	s1 =	sshrl.u32 s1, $0x2  }
0xba: {  	s3 =	sand.u32 $0x4000, s31;
	s1 =	sadd.s32 s1, s30  }
0xbb: {  	s0 =	sor.u32 s3, s0;
	s1 =	sshll.u32 s1, $0x11  }
0xbc: {  	s0 =	sor.u32 s1, s0  }
0xbd: {  	s0 =	sadd.s32 $0x8F2B, s0  }
0xbe: {  	[sflag:s0] =	ssyncadd.remote.s32 $0x1  }
0xbf: {  	_ =	sfence.sel $0xFFFF  }
0xc0: {  	[dreg:$0x0] =	wrdreg $0xFFFFFFFF;
	(pc) =	sbr.abs _section_cstart, $3  }
0xc1: {  	[dreg:$0x1] =	wrdreg $0xFFFFFFFF  }
0xc2: {  	_ =	task.clear_ibuf [dreg:s7], $0x2FFFF;
	_ =	strace $0x9FFFFFFF  }
0xc3: {  	(tm) =	ssettm $0x7FFFFFFF  }
tec
execute0_lowered:
.L_overlay_start_1:
0x0: {  	(tag) =	ssettag $0x1  }
0x1: {  	s1 =	rddreg [dreg:$0x0];
	s0 =	srdreg.scid  }
0x2: {  	s11 =	stileid.u32;
	s2 =	rddreg [dreg:$0x1]  }
0x3: {  	s3 =	rddreg [dreg:$0x2];
	s12 =	simm.s32 $0x9;
	s13 =	simm.s32 $0x2800  }
0x4: {  	s16 =	simm.s32 $0x7D;
	s17 =	simm.s32 $0x5000;
	s28 =	simm.s32 $0x3  }
0x5: {  	s29 =	simm.s32 $0x2900;
	s30 =	simm.s32 $0x5;
	s31 =	simm.s32 $0x200  }
0x6: {  	s0 =	sand.u32 $0x1, s0;
	s4 =	sshll.u32 s11, $0x1;
	s6 =	smul.u32 $0x278, s11  }
0x7: {  	s26 =	sshll.u32 s11, $0x6;
	s11 =	simm.s32 $0x0;
	s5 =	sor.u32 s0, s4  }
0x8: {  	s4 =	simm.s32 $0x0;
	s8 =	smul.u32 $0x9C400, s0;
	s0 =	ssub.s32 $0x2, s0  }
0x9: {  	s14 =	sor.u32 $0x1C09, s26;
	s26 =	simm.s32 $0xADC0;
	s7 =	smul.u32 $0x2800, s5  }
0xa: {  	[smem:$0x7FF] =	sst s4;
	s6 =	smin.u32 s6, $0x2498;
	s5 =	sadd.s32 $0x64800, s2  }
0xb: {  	s10 =	sshrl.u32 s0, $0x1;
	_ =	strace $0x8000004D;
	s9 =	sshll.u32 s6, $0x6  }
0xc: {  	s6 =	sadd.s32 $0xC6600, s2;
	s0 =	ssub.s32 s0, s10;
	s10 =	simm.s32 $0x8  }
0xd: {  	s19 =	sshrl.u32 s7, $0x3;
	s20 =	sadd.s32 s8, s9;
	s24 =	sadd.s32 s9, s3  }
0xe: {  	s0 =	smax.u32 s0, $0x1;
	s8 =	simm.s32 $0x280;
	s9 =	simm.s32 $0x7  }
0xf: {  	s21 =	sadd.s32 s19, s2;
	s7 =	sshrl.u32 s20, $0x3;
	[dreg:$0x8] =	wrdreg s0  }
0x10: {  	s15 =	sshrl.u32 s24, $0x3;
	s19 =	simm.s32 $0x6F40;
	s20 =	simm.s32 $0x1  }
.Ltmp0:
0x11: {  	s0 =	simm.s32 $0x2980;
	s22 =	sadd.s32 $0x2600, s21;
	(pc) =	sbr.rel .LBB2_1-.Ltmp0, $4  }
0x12: {  	s2 =	sadd.s32 s7, s2;
	s23 =	sadd.s32 $0xC600, s21;
	[dreg:$0x4] =	wrdreg s22  }
0x13: {  	s7 =	simm.s32 $0x6;
	[dreg:$0x5] =	wrdreg s23;
	s25 =	sadd.s32 $0xC7A00, s2  }
0x14: {  	s2 =	sadd.s32 $0x78200, s2;
	s22 =	simm.s32 $0x8E80;
	[dreg:$0x6] =	wrdreg s25  }
0x15: {  	s23 =	simm.s32 $0x2;
	[dreg:$0x7] =	wrdreg s2;
	s2 =	simm.s32 $0x4  }
.LBB2_7:
0x16: {  	_ =	swait.ge [sflag:s2], $0x1F40  }
0x17: {  	[sflag:s2] =	ssyncset.done $0x0  }
0x18: {  	[sflag:s2] =	ssyncadd.s32 $0xFFFFE0C0  }
0x19: {  	[spmem:s3] =	stream.indirect.scatter.add.f32 [tilespmem:s26], [sflag:$0x8], $0x40, s24, s16, $0xb8;
	[tilespmem:$0x16940] =	vst v63  }
0x1a: {  	_ =	swait.ge [sflag:s7], $0x1F40  }
0x1b: {  	[sflag:s7] =	ssyncset.done $0x0  }
0x1c: {  	[sflag:s7] =	ssyncadd.s32 $0xFFFFE0C0  }
0x1d: {  	_ =	swait.ge [sflag:s9], $0x1F40  }
0x1e: {  	[sflag:s9] =	ssyncset.done $0x0  }
0x1f: {  	[sflag:s9] =	ssyncadd.s32 $0xFFFFE0C0  }
0x20: {  	_ =	swait.ge [sflag:s10], $0x1F40  }
0x21: {  	[sflag:s10] =	ssyncset.done $0x0  }
0x22: {  	[sflag:s10] =	ssyncadd.s32 $0xFFFFE0C0  }
0x23: {  	[bflag:$0x0] =	sbarrier.arrive $0xFFFF  }
0x24: {  	s18 =	rddreg [dreg:$0x7]  }
0x25: {  	[hbm:s18], [sflag:s14] =	dma.local [spmem:s15], $0x13C0  }
0x26: {  	_ =	swait.ge [sflag:s12], $0x13C0  }
0x27: {  	s11 =	sadd.s32 $0x1, s11;
	s25 =	rddreg [dreg:$0x8]  }
0x28: {  	p0 =	sne.s32 s11, s25  }
.Ltmp1:
0x29: {  	_ = 	snop;
	(pc) =	sbr.rel @!p0 .LBB2_8-.Ltmp1, $3  }
0x2a: {  	_ =	sdelay $0x1  }
0x2b: {  	[sflag:s12] =	ssyncset.done $0x0  }
0x2c: {  	[sflag:s12] =	ssyncadd.s32 $0xFFFFEC40  }
.LBB2_1:
0x2d: {  	s18 =	rddreg [dreg:$0x4]  }
0x2e: {  	[tilespmem:s4], [sflag:$0x9] =	stream.linear.gather [hbm4b:s18+s4], $0x2800, $0x38;
	[tilespmem:$0x16940] =	vst v63  }
0x2f: {  	_ =	swait.ge [sflag:s12], $0x2800  }
0x30: {  	[sflag:s12] =	ssyncset.done $0x0  }
0x31: {  	s24 =	rddreg [dreg:$0x5];
	[sflag:s12] =	ssyncadd.s32 $0xFFFFD800  }
0x32: {  	[tilespmem:s13], [sflag:$0x9] =	stream.linear.gather [hbm4b:s24+s4], $0x2800, $0x38;
	[tilespmem:$0x16940] =	vst v63  }
0x33: {  	_ =	swait.ge [sflag:s12], $0x2800  }
0x34: {  	[sflag:s12] =	ssyncset.done $0x0  }
0x35: {  	[sflag:s12] =	ssyncadd.s32 $0xFFFFD800  }
0x36: {  	[spmem:s15], [sflag:s14] =	dma.local [hbm:s6], $0x13C0  }
0x37: {  	_ =	swait.ge [sflag:s12], $0x13C0  }
0x38: {  	[sflag:s12] =	ssyncset.done $0x0  }
0x39: {  	[sflag:s12] =	ssyncadd.s32 $0xFFFFEC40  }
0x3a: {  	[bflag:$0x0] =	sbarrier.arrive $0xFFFF  }
0x3b: {  	[tilespmem:s17], [sflag:$0x1] =	stream.indirect.gather [hbm4b:s1+s16], $0x40, s4, s16, $0xb8;
	[tilespmem:$0x16940] =	vst v63  }
0x3c: {  	s25 =	simm.s32 $0x80  }
0x3d: {  	[tilespmem:s19], [sflag:$0x2] =	stream.indirect.gather [hbm4b:s1+s16], $0x40, s25, s16, $0xb8;
	[tilespmem:$0x16940] =	vst v63  }
0x3e: {  	_ =	swait.ge [sflag:s20], $0x1F40  }
0x3f: {  	[sflag:s20] =	ssyncset.done $0x0  }
0x40: {  	[sflag:s20] =	ssyncadd.s32 $0xFFFFE0C0  }
0x41: {  	[spmem:s3] =	stream.indirect.scatter.add.f32 [tilespmem:s17], [sflag:$0x5], $0x40, s13, s16, $0xb8;
	[tilespmem:$0x16940] =	vst v63  }
0x42: {  	s21 =	simm.s32 $0x100  }
0x43: {  	[tilespmem:s22], [sflag:$0x3] =	stream.indirect.gather [hbm4b:s1+s16], $0x40, s21, s16, $0xb8;
	[tilespmem:$0x16940] =	vst v63  }
0x44: {  	_ =	swait.ge [sflag:s23], $0x1F40  }
0x45: {  	[sflag:s23] =	ssyncset.done $0x0  }
0x46: {  	s24 =	simm.s32 $0x2880;
	[sflag:s23] =	ssyncadd.s32 $0xFFFFE0C0  }
0x47: {  	[spmem:s3] =	stream.indirect.scatter.add.f32 [tilespmem:s19], [sflag:$0x6], $0x40, s24, s16, $0xb8;
	[tilespmem:$0x16940] =	vst v63  }
0x48: {  	s25 =	simm.s32 $0x180  }
0x49: {  	[tilespmem:s26], [sflag:$0x4] =	stream.indirect.gather [hbm4b:s1+s16], $0x40, s25, s16, $0xb8;
	[tilespmem:$0x16940] =	vst v63  }
0x4a: {  	_ =	swait.ge [sflag:s28], $0x1F40  }
0x4b: {  	[sflag:s28] =	ssyncset.done $0x0  }
0x4c: {  	[sflag:s28] =	ssyncadd.s32 $0xFFFFE0C0  }
0x4d: {  	[spmem:s3] =	stream.indirect.scatter.add.f32 [tilespmem:s22], [sflag:$0x7], $0x40, s29, s16, $0xb8;
	[tilespmem:$0x16940] =	vst v63  }
0x4e: {  	_ =	swait.ge [sflag:s30], $0x1F40  }
0x4f: {  	[sflag:s30] =	ssyncset.done $0x0  }
0x50: {  	[sflag:s30] =	ssyncadd.s32 $0xFFFFE0C0  }
0x51: {  	[tilespmem:s17], [sflag:$0x1] =	stream.indirect.gather [hbm4b:s1+s16], $0x40, s31, s16, $0xb8;
	[tilespmem:$0x16940] =	vst v63  }
0x52: {  	_ =	swait.ge [sflag:s2], $0x1F40  }
0x53: {  	[sflag:s2] =	ssyncset.done $0x0  }
0x54: {  	[sflag:s2] =	ssyncadd.s32 $0xFFFFE0C0  }
0x55: {  	[spmem:s3] =	stream.indirect.scatter.add.f32 [tilespmem:s26], [sflag:$0x8], $0x40, s0, s16, $0xb8;
	[tilespmem:$0x16940] =	vst v63  }
0x56: {  	_ =	swait.ge [sflag:s7], $0x1F40  }
0x57: {  	[sflag:s7] =	ssyncset.done $0x0  }
0x58: {  	s18 =	simm.s32 $0x0;
	[sflag:s7] =	ssyncadd.s32 $0xFFFFE0C0  }
0x59: {  	[tilespmem:s19], [sflag:$0x2] =	stream.indirect.gather [hbm4b:s1+s16], $0x40, s8, s16, $0xb8;
	[tilespmem:$0x16940] =	vst v63  }
.LBB2_2:
0x5a: {  	_ =	swait.ge [sflag:s20], $0x1F40  }
0x5b: {  	s21 =	sshra.s32 s18, $0x2;
	[sflag:s20] =	ssyncset.done $0x0  }
0x5c: {  	s24 =	sadd.s32 $0x2A00, s21;
	[sflag:s20] =	ssyncadd.s32 $0xFFFFE0C0  }
0x5d: {  	[spmem:s3] =	stream.indirect.scatter.add.f32 [tilespmem:s17], [sflag:$0x5], $0x40, s24, s16, $0xb8;
	[tilespmem:$0x16940] =	vst v63  }
0x5e: {  	_ =	swait.ge [sflag:s9], $0x1F40  }
0x5f: {  	[sflag:s9] =	ssyncset.done $0x0  }
0x60: {  	s25 =	sadd.s32 $0x300, s21;
	[sflag:s9] =	ssyncadd.s32 $0xFFFFE0C0  }
0x61: {  	[tilespmem:s22], [sflag:$0x3] =	stream.indirect.gather [hbm4b:s1+s16], $0x40, s25, s16, $0xb8;
	[tilespmem:$0x16940] =	vst v63  }
0x62: {  	_ =	swait.ge [sflag:s23], $0x1F40  }
0x63: {  	[sflag:s23] =	ssyncset.done $0x0  }
0x64: {  	s25 =	sadd.s32 $0x2A80, s21;
	[sflag:s23] =	ssyncadd.s32 $0xFFFFE0C0  }
0x65: {  	[spmem:s3] =	stream.indirect.scatter.add.f32 [tilespmem:s19], [sflag:$0x6], $0x40, s25, s16, $0xb8;
	[tilespmem:$0x16940] =	vst v63  }
0x66: {  	_ =	swait.ge [sflag:s10], $0x1F40  }
0x67: {  	[sflag:s10] =	ssyncset.done $0x0  }
0x68: {  	s25 =	sadd.s32 $0x380, s21;
	[sflag:s10] =	ssyncadd.s32 $0xFFFFE0C0  }
0x69: {  	[tilespmem:s26], [sflag:$0x4] =	stream.indirect.gather [hbm4b:s1+s16], $0x40, s25, s16, $0xb8;
	[tilespmem:$0x16940] =	vst v63  }
0x6a: {  	_ =	swait.ge [sflag:s28], $0x1F40  }
0x6b: {  	p0 =	seq.s32 s18, $0x9000;
	[sflag:s28] =	ssyncset.done $0x0  }
.Ltmp2:
0x6c: {  	s25 =	sadd.s32 $0x2B00, s21;
	[sflag:s28] =	ssyncadd.s32 $0xFFFFE0C0;
	(pc) =	sbr.rel @p0 .LBB2_4-.Ltmp2, $4  }
0x6d: {  	[spmem:s3] =	stream.indirect.scatter.add.f32 [tilespmem:s22], [sflag:$0x7], $0x40, s25, s16, $0xb8;
	[tilespmem:$0x16940] =	vst v63  }
0x6e: {  	_ =	swait.ge [sflag:s30], $0x1F40  }
0x6f: {  	[sflag:s30] =	ssyncset.done $0x0  }
0x70: {  	s24 =	sadd.s32 $0x2B80, s21;
	[sflag:s30] =	ssyncadd.s32 $0xFFFFE0C0  }
0x71: {  	s25 =	sadd.s32 $0x400, s21  }
0x72: {  	[tilespmem:s17], [sflag:$0x1] =	stream.indirect.gather [hbm4b:s1+s16], $0x40, s25, s16, $0xb8;
	[tilespmem:$0x16940] =	vst v63  }
0x73: {  	_ =	swait.ge [sflag:s2], $0x1F40  }
0x74: {  	[sflag:s2] =	ssyncset.done $0x0  }
0x75: {  	[sflag:s2] =	ssyncadd.s32 $0xFFFFE0C0  }
0x76: {  	[spmem:s3] =	stream.indirect.scatter.add.f32 [tilespmem:s26], [sflag:$0x8], $0x40, s24, s16, $0xb8;
	[tilespmem:$0x16940] =	vst v63  }
.Ltmp3:
0x77: {  	_ = 	snop;
	(pc) =	sbr.rel .LBB2_2-.Ltmp3, $4  }
0x78: {  	_ =	swait.ge [sflag:s7], $0x1F40  }
0x79: {  	[sflag:s7] =	ssyncset.done $0x0  }
0x7a: {  	s18 =	sadd.s32 $0x800, s18;
	s25 =	sadd.s32 $0x480, s21;
	[sflag:s7] =	ssyncadd.s32 $0xFFFFE0C0  }
0x7b: {  	[tilespmem:s19], [sflag:$0x2] =	stream.indirect.gather [hbm4b:s1+s16], $0x40, s25, s16, $0xb8;
	[tilespmem:$0x16940] =	vst v63  }
.LBB2_4:
0x7c: {  	_ =	swait.ge [sflag:s2], $0x1F40  }
0x7d: {  	[sflag:s2] =	ssyncset.done $0x0  }
0x7e: {  	[sflag:s2] =	ssyncadd.s32 $0xFFFFE0C0  }
0x7f: {  	[spmem:s3] =	stream.indirect.scatter.add.f32 [tilespmem:s26], [sflag:$0x8], $0x40, s24, s16, $0xb8;
	[tilespmem:$0x16940] =	vst v63  }
0x80: {  	_ =	swait.ge [sflag:s7], $0x1F40  }
0x81: {  	[sflag:s7] =	ssyncset.done $0x0  }
0x82: {  	[sflag:s7] =	ssyncadd.s32 $0xFFFFE0C0  }
0x83: {  	_ =	swait.ge [sflag:s9], $0x1F40  }
0x84: {  	[sflag:s9] =	ssyncset.done $0x0  }
0x85: {  	[sflag:s9] =	ssyncadd.s32 $0xFFFFE0C0  }
0x86: {  	_ =	swait.ge [sflag:s10], $0x1F40  }
0x87: {  	[sflag:s10] =	ssyncset.done $0x0  }
0x88: {  	[sflag:s10] =	ssyncadd.s32 $0xFFFFE0C0  }
0x89: {  	[bflag:$0x0] =	sbarrier.arrive $0xFFFF  }
0x8a: {  	s18 =	rddreg [dreg:$0x6]  }
0x8b: {  	[hbm:s18], [sflag:s14] =	dma.local [spmem:s15], $0x13C0  }
0x8c: {  	_ =	swait.ge [sflag:s12], $0x13C0  }
0x8d: {  	[sflag:s12] =	ssyncset.done $0x0  }
0x8e: {  	[sflag:s12] =	ssyncadd.s32 $0xFFFFEC40  }
0x8f: {  	[spmem:s15], [sflag:s14] =	dma.local [hbm:s6], $0x13C0  }
0x90: {  	_ =	swait.ge [sflag:s12], $0x13C0  }
0x91: {  	[sflag:s12] =	ssyncset.done $0x0  }
0x92: {  	[sflag:s12] =	ssyncadd.s32 $0xFFFFEC40  }
0x93: {  	s18 =	simm.s32 $0x0;
	[bflag:$0x0] =	sbarrier.arrive $0xFFFF  }
0x94: {  	[tilespmem:s17], [sflag:$0x1] =	stream.indirect.gather [hbm4b:s5+s16], $0x40, s18, s16, $0xb8;
	[tilespmem:$0x16940] =	vst v63  }
0x95: {  	s21 =	simm.s32 $0x80  }
0x96: {  	[tilespmem:s19], [sflag:$0x2] =	stream.indirect.gather [hbm4b:s5+s16], $0x40, s21, s16, $0xb8;
	[tilespmem:$0x16940] =	vst v63  }
0x97: {  	_ =	swait.ge [sflag:s20], $0x1F40  }
0x98: {  	[sflag:s20] =	ssyncset.done $0x0  }
0x99: {  	[sflag:s20] =	ssyncadd.s32 $0xFFFFE0C0  }
0x9a: {  	[spmem:s3] =	stream.indirect.scatter.add.f32 [tilespmem:s17], [sflag:$0x5], $0x40, s13, s16, $0xb8;
	[tilespmem:$0x16940] =	vst v63  }
0x9b: {  	s25 =	simm.s32 $0x100  }
0x9c: {  	[tilespmem:s22], [sflag:$0x3] =	stream.indirect.gather [hbm4b:s5+s16], $0x40, s25, s16, $0xb8;
	[tilespmem:$0x16940] =	vst v63  }
0x9d: {  	_ =	swait.ge [sflag:s23], $0x1F40  }
0x9e: {  	[sflag:s23] =	ssyncset.done $0x0  }
0x9f: {  	s24 =	simm.s32 $0x2880;
	[sflag:s23] =	ssyncadd.s32 $0xFFFFE0C0  }
0xa0: {  	[spmem:s3] =	stream.indirect.scatter.add.f32 [tilespmem:s19], [sflag:$0x6], $0x40, s24, s16, $0xb8;
	[tilespmem:$0x16940] =	vst v63  }
0xa1: {  	s25 =	simm.s32 $0x180  }
0xa2: {  	[tilespmem:s26], [sflag:$0x4] =	stream.indirect.gather [hbm4b:s5+s16], $0x40, s25, s16, $0xb8;
	[tilespmem:$0x16940] =	vst v63  }
0xa3: {  	_ =	swait.ge [sflag:s28], $0x1F40  }
0xa4: {  	[sflag:s28] =	ssyncset.done $0x0  }
0xa5: {  	[sflag:s28] =	ssyncadd.s32 $0xFFFFE0C0  }
0xa6: {  	[spmem:s3] =	stream.indirect.scatter.add.f32 [tilespmem:s22], [sflag:$0x7], $0x40, s29, s16, $0xb8;
	[tilespmem:$0x16940] =	vst v63  }
0xa7: {  	_ =	swait.ge [sflag:s30], $0x1F40  }
0xa8: {  	[sflag:s30] =	ssyncset.done $0x0  }
0xa9: {  	[sflag:s30] =	ssyncadd.s32 $0xFFFFE0C0  }
0xaa: {  	[tilespmem:s17], [sflag:$0x1] =	stream.indirect.gather [hbm4b:s5+s16], $0x40, s31, s16, $0xb8;
	[tilespmem:$0x16940] =	vst v63  }
0xab: {  	_ =	swait.ge [sflag:s2], $0x1F40  }
0xac: {  	[sflag:s2] =	ssyncset.done $0x0  }
0xad: {  	[sflag:s2] =	ssyncadd.s32 $0xFFFFE0C0  }
0xae: {  	[spmem:s3] =	stream.indirect.scatter.add.f32 [tilespmem:s26], [sflag:$0x8], $0x40, s0, s16, $0xb8;
	[tilespmem:$0x16940] =	vst v63  }
0xaf: {  	_ =	swait.ge [sflag:s7], $0x1F40  }
0xb0: {  	[sflag:s7] =	ssyncset.done $0x0  }
0xb1: {  	[sflag:s7] =	ssyncadd.s32 $0xFFFFE0C0  }
0xb2: {  	[tilespmem:s19], [sflag:$0x2] =	stream.indirect.gather [hbm4b:s5+s16], $0x40, s8, s16, $0xb8;
	[tilespmem:$0x16940] =	vst v63  }
.LBB2_5:
0xb3: {  	_ =	swait.ge [sflag:s20], $0x1F40  }
0xb4: {  	s21 =	sshra.s32 s18, $0x2;
	[sflag:s20] =	ssyncset.done $0x0  }
0xb5: {  	s24 =	sadd.s32 $0x2A00, s21;
	[sflag:s20] =	ssyncadd.s32 $0xFFFFE0C0  }
0xb6: {  	[spmem:s3] =	stream.indirect.scatter.add.f32 [tilespmem:s17], [sflag:$0x5], $0x40, s24, s16, $0xb8;
	[tilespmem:$0x16940] =	vst v63  }
0xb7: {  	_ =	swait.ge [sflag:s9], $0x1F40  }
0xb8: {  	[sflag:s9] =	ssyncset.done $0x0  }
0xb9: {  	s25 =	sadd.s32 $0x300, s21;
	[sflag:s9] =	ssyncadd.s32 $0xFFFFE0C0  }
0xba: {  	[tilespmem:s22], [sflag:$0x3] =	stream.indirect.gather [hbm4b:s5+s16], $0x40, s25, s16, $0xb8;
	[tilespmem:$0x16940] =	vst v63  }
0xbb: {  	_ =	swait.ge [sflag:s23], $0x1F40  }
0xbc: {  	[sflag:s23] =	ssyncset.done $0x0  }
0xbd: {  	s25 =	sadd.s32 $0x2A80, s21;
	[sflag:s23] =	ssyncadd.s32 $0xFFFFE0C0  }
0xbe: {  	[spmem:s3] =	stream.indirect.scatter.add.f32 [tilespmem:s19], [sflag:$0x6], $0x40, s25, s16, $0xb8;
	[tilespmem:$0x16940] =	vst v63  }
0xbf: {  	_ =	swait.ge [sflag:s10], $0x1F40  }
0xc0: {  	[sflag:s10] =	ssyncset.done $0x0  }
0xc1: {  	s25 =	sadd.s32 $0x380, s21;
	[sflag:s10] =	ssyncadd.s32 $0xFFFFE0C0  }
0xc2: {  	[tilespmem:s26], [sflag:$0x4] =	stream.indirect.gather [hbm4b:s5+s16], $0x40, s25, s16, $0xb8;
	[tilespmem:$0x16940] =	vst v63  }
0xc3: {  	_ =	swait.ge [sflag:s28], $0x1F40  }
0xc4: {  	p0 =	seq.s32 s18, $0x9000;
	[sflag:s28] =	ssyncset.done $0x0  }
.Ltmp4:
0xc5: {  	s25 =	sadd.s32 $0x2B00, s21;
	[sflag:s28] =	ssyncadd.s32 $0xFFFFE0C0;
	(pc) =	sbr.rel @p0 .LBB2_7-.Ltmp4, $4  }
0xc6: {  	[spmem:s3] =	stream.indirect.scatter.add.f32 [tilespmem:s22], [sflag:$0x7], $0x40, s25, s16, $0xb8;
	[tilespmem:$0x16940] =	vst v63  }
0xc7: {  	_ =	swait.ge [sflag:s30], $0x1F40  }
0xc8: {  	[sflag:s30] =	ssyncset.done $0x0  }
0xc9: {  	s24 =	sadd.s32 $0x2B80, s21;
	[sflag:s30] =	ssyncadd.s32 $0xFFFFE0C0  }
0xca: {  	s25 =	sadd.s32 $0x400, s21  }
0xcb: {  	[tilespmem:s17], [sflag:$0x1] =	stream.indirect.gather [hbm4b:s5+s16], $0x40, s25, s16, $0xb8;
	[tilespmem:$0x16940] =	vst v63  }
0xcc: {  	_ =	swait.ge [sflag:s2], $0x1F40  }
0xcd: {  	[sflag:s2] =	ssyncset.done $0x0  }
0xce: {  	[sflag:s2] =	ssyncadd.s32 $0xFFFFE0C0  }
0xcf: {  	[spmem:s3] =	stream.indirect.scatter.add.f32 [tilespmem:s26], [sflag:$0x8], $0x40, s24, s16, $0xb8;
	[tilespmem:$0x16940] =	vst v63  }
.Ltmp5:
0xd0: {  	_ = 	snop;
	(pc) =	sbr.rel .LBB2_5-.Ltmp5, $4  }
0xd1: {  	_ =	swait.ge [sflag:s7], $0x1F40  }
0xd2: {  	[sflag:s7] =	ssyncset.done $0x0  }
0xd3: {  	s18 =	sadd.s32 $0x800, s18;
	s25 =	sadd.s32 $0x480, s21;
	[sflag:s7] =	ssyncadd.s32 $0xFFFFE0C0  }
0xd4: {  	[tilespmem:s19], [sflag:$0x2] =	stream.indirect.gather [hbm4b:s5+s16], $0x40, s25, s16, $0xb8;
	[tilespmem:$0x16940] =	vst v63  }
.LBB2_8:
0xd5: {  	_ =	sfence.sel $0x180000  }
0xd6: {  	[bflag:$0x0] =	sbarrier.arrive $0xFFFF  }
0xd7: {  	_ =	strace $0x9000004D  }
0xd8: {  	s0 =	stileid.u32;
	[bflag:$0x2] =	sbarrier.arrive $0xFFFF  }
0xd9: {  	p0 =	sne.s32 s0, $0x0;
	s0 =	rddreg [dreg:$0x3]  }
0xda: {  	s0 =	sadd.s32 @!p0 $0x100000, s0  }
0xdb: {  	[sflag:s0] =	ssyncadd.tile.s32 @!p0 $0x1;
	_ =	shalt  }
.Lfunc_end2:
_tile_overlayer_lowered:
.L_overlay_start_2:
0xdc: {  	(tag) =	ssettag $0x2  }
0xdd: {  	s0 =	rddreg [dreg:$0x0];
	s2 =	stileid.u32  }
0xde: {  	s1 =	rddreg [dreg:$0x1];
	p0 =	sne.s32 s2, $0x0  }
0xdf: {  	s3 =	rddreg [dreg:$0x2];
	[bflag:$0x3] =	sbarrier.arrive $0xFFFF;
	s2 =	simm.s32 @!p0 $0x1C09  }
0xe0: {  	[timem:s3], [sflag:s2] =	dma.local @!p0 [hbm:s0], s1  }
0xe1: {  	s0 =	simm.s32 @!p0 $0x9  }
0xe2: {  	_ =	swait.ge @!p0 [sflag:s0], s1  }
0xe3: {  	s1 =	ssub.s32 @!p0 $0x0, s1;
	[sflag:s0] =	ssyncset.done @!p0 $0x0  }
0xe4: {  	[sflag:s0] =	ssyncadd.s32 @!p0 s1  }
0xe5: {  	[bflag:$0x3] =	sbarrier.arrive $0xFFFF  }
0xe6: {  	_ =	shalt  }

// kernel: kernel.19.cloned.1.call-start
scs
__scs_entry_jumppad:
0x0: {  	(pc) =	sbr.rel $0x88, $3  }
0x1: {  	(tag) =	ssettag $0x0;
	lr =	simm.s32 $0x1  }
0x2: {  	[smem:$0x3F99] =	sst lr;
	_ =	strace $0xD0000000  }
0x3: {  	_ = 	snop  }
0x4: {  	_ = 	snop  }
0x5: {  	_ = 	snop  }
0x6: {  	_ = 	snop  }
0x7: {  	_ = 	snop  }
__scs_overlays_trampoline_lowered:
0x8: {  	[smem:$0x3FA8] =	sst s0  }
0x9: {  	[smem:$0x3FA9] =	sst s1  }
0xa: {  	[smem:$0x3FAA] =	sst s2  }
0xb: {  	[smem:$0x3FAB] =	sst s3  }
0xc: {  	[smem:$0x3FAC] =	sst s4  }
0xd: {  	[smem:$0x3FAD] =	sst s5  }
0xe: {  	[smem:$0x3FAE] =	sst s6  }
0xf: {  	[smem:$0x3FAF] =	sst s7  }
0x10: {  	[smem:$0x3FB0] =	sst s8  }
0x11: {  	[smem:$0x3FB1] =	sst s9;
	s0 =	simm.s32 @!p0 $0x0  }
0x12: {  	s1 =	sld [smem:$0x3F97];
	s0 =	simm.s32 @p0 $0x1  }
0x13: {  	[smem:$0x3FB2] =	sst s0;
	s0 =	simm.s32 @!p1 $0x0  }
0x14: {  	s2 =	sld [smem:$0x3F96];
	s0 =	simm.s32 @p1 $0x1  }
0x15: {  	[smem:$0x3FB3] =	sst s0;
	s0 =	simm.s32 @!p2 $0x0  }
0x16: {  	s3 =	sld [smem:$0x3FDB];
	s0 =	simm.s32 @p2 $0x1  }
0x17: {  	s4 =	simm.s32 $0x1BF5;
	[smem:$0x3FB5] =	sst s0  }
0x18: {  	s0 =	sld [smem:$0x3F98];
	_ =	swait.ge [sflag:s4], $0x0  }
0x19: {  	s7 =	sld [smem:$0x3F99]  }
0x1a: {  	s8 =	sadd.s32 $0xFFFFE003, lr  }
0x1b: {  	s9 =	sadd.s32 $0xFFFFFEF7, lr;
	s5 =	simm.s32 $0xFFFFFFFF;
	p2 =	slt.u32 s8, $0xFFFFF086  }
0x1c: {  	p1 =	slt.u32 s9, $0xF7A;
	s5 =	simm.s32 @!p2 $0x0  }
0x1d: {  	s5 =	simm.s32 @p1 $0x1;
	p0 =	seq.s32 s7, s2  }
0x1e: {  	s7 =	smul.u32 @!p0 $0xF7A, s2;
	p2 =	seq.s32 @!p0 s5, $0x0  }
0x1f: {  	s9 =	smul.u32 $0xF7A, s1;
	s8 =	simm.s32 @!p0 $0x1BF5;
	p2 =	por !p2, p0  }
0x20: {  	[sflag:s8] =	ssyncset.s32 @!p0 $0xFFFFF086;
	s6 =	sadd.s32 @!p0 s3, s7;
	s7 =	simm.s32 @!p0 $0x108  }
0x21: {  	s3 =	sadd.s32 s3, s9;
	s6 =	sadd.s32 @!p0 $0x88, s6;
	s7 =	simm.s32 @p2 $0x1082  }
0x22: {  	[simem:s7], [sflag:s8] =	dma.local @!p0 [hbm:s6], $0xF7A  }
0x23: {  	s9 =	sor.u32 $0xD0000000, s2;
	s6 =	simm.s32 $0x108;
	_ =	swait.ge @!p0 [sflag:s8], $0x0  }
0x24: {  	s3 =	sadd.s32 $0x88, s3;
	s6 =	simm.s32 @!p1 $0x1082;
	[sflag:s4] =	ssyncset.s32 $0xFFFFF086  }
0x25: {  	[simem:s6], [sflag:s4] =	dma.local [hbm:s3], $0xF7A  }
0x26: {  	[smem:$0x3F99] =	sst s1;
	(tag) =	ssettag s2;
	_ =	strace s9  }
0x27: {  	s1 =	sld [smem:$0x3FA9]  }
0x28: {  	s2 =	sld [smem:$0x3FAA]  }
0x29: {  	s4 =	sld [smem:$0x3FAC]  }
0x2a: {  	p0 =	seq.s32 s5, $0x0;
	s5 =	sld [smem:$0x3FAD]  }
0x2b: {  	s6 =	sld [smem:$0x3FAE]  }
0x2c: {  	s7 =	sld [smem:$0x3FAF]  }
0x2d: {  	s3 =	simm.s32 $0x108;
	s8 =	sld [smem:$0x3FB0]  }
0x2e: {  	s3 =	simm.s32 @!p0 $0x1082;
	s9 =	sld [smem:$0x3FB1]  }
0x2f: {  	lr =	sadd.s32 s0, s3;
	s0 =	sld [smem:$0x3FA8]  }
0x30: {  	s3 =	sld [smem:$0x3FAB]  }
0x31: {  	[smem:$0x3FB4] =	sst s10  }
0x32: {  	s10 =	sld [smem:$0x3FB2];
	_ =	sdelay $0x3  }
0x33: {  	p0 =	seq.s32 s10, $0x1;
	s10 =	sld [smem:$0x3FB4];
	_ =	sdelay $0x3  }
0x34: {  	[smem:$0x3FB4] =	sst s10  }
0x35: {  	s10 =	sld [smem:$0x3FB3];
	_ =	sdelay $0x3  }
0x36: {  	p1 =	seq.s32 s10, $0x1;
	s10 =	sld [smem:$0x3FB4];
	_ =	sdelay $0x3  }
0x37: {  	[smem:$0x3FB4] =	sst s10  }
0x38: {  	s10 =	sld [smem:$0x3FB5]  }
0x39: {  	_ = 	snop;
	(pc) =	sbr.ind lr, $3  }
0x3a: {  	_ = 	snop  }
0x3b: {  	_ = 	snop  }
0x3c: {  	p2 =	seq.s32 s10, $0x1;
	s10 =	sld [smem:$0x3FB4]  }
0x3d: {  	_ =	shalt  }
0x3e: {  	_ =	shalt  }
0x3f: {  	_ =	shalt  }
0x40: {  	_ =	shalt  }
0x41: {  	_ =	shalt  }
0x42: {  	_ =	shalt  }
0x43: {  	_ =	shalt  }
0x44: {  	_ =	shalt  }
0x45: {  	_ =	shalt  }
0x46: {  	_ =	shalt  }
0x47: {  	_ =	shalt  }
0x48: {  	_ =	shalt  }
0x49: {  	_ =	shalt  }
0x4a: {  	_ =	shalt  }
0x4b: {  	_ =	shalt  }
0x4c: {  	_ =	shalt  }
0x4d: {  	_ =	shalt  }
0x4e: {  	_ =	shalt  }
0x4f: {  	_ =	shalt  }
0x50: {  	_ =	shalt  }
0x51: {  	_ =	shalt  }
0x52: {  	_ =	shalt  }
0x53: {  	_ =	shalt  }
0x54: {  	_ =	shalt  }
0x55: {  	_ =	shalt  }
0x56: {  	_ =	shalt  }
0x57: {  	_ =	shalt  }
0x58: {  	_ =	shalt  }
0x59: {  	_ =	shalt  }
0x5a: {  	_ =	shalt  }
0x5b: {  	_ =	shalt  }
0x5c: {  	_ =	shalt  }
0x5d: {  	_ =	shalt  }
0x5e: {  	_ =	shalt  }
0x5f: {  	_ =	shalt  }
0x60: {  	_ =	shalt  }
0x61: {  	_ =	shalt  }
0x62: {  	_ =	shalt  }
0x63: {  	_ =	shalt  }
0x64: {  	_ =	shalt  }
0x65: {  	_ =	shalt  }
0x66: {  	_ =	shalt  }
0x67: {  	_ =	shalt  }
0x68: {  	_ =	shalt  }
0x69: {  	_ =	shalt  }
0x6a: {  	_ =	shalt  }
0x6b: {  	_ =	shalt  }
0x6c: {  	_ =	shalt  }
0x6d: {  	_ =	shalt  }
0x6e: {  	_ =	shalt  }
0x6f: {  	_ =	shalt  }
0x70: {  	_ =	shalt  }
0x71: {  	_ =	shalt  }
0x72: {  	_ =	shalt  }
0x73: {  	_ =	shalt  }
0x74: {  	_ =	shalt  }
0x75: {  	_ =	shalt  }
0x76: {  	_ =	shalt  }
0x77: {  	_ =	shalt  }
0x78: {  	_ =	shalt  }
0x79: {  	_ =	shalt  }
0x7a: {  	_ =	shalt  }
0x7b: {  	_ =	shalt  }
0x7c: {  	_ =	shalt  }
0x7d: {  	_ =	shalt  }
0x7e: {  	_ =	shalt  }
0x7f: {  	_ =	shalt  }
0x80: {  	_ =	shalt  }
0x81: {  	_ =	shalt  }
0x82: {  	_ =	shalt  }
0x83: {  	_ =	shalt  }
0x84: {  	_ =	shalt  }
0x85: {  	_ =	shalt  }
0x86: {  	_ =	shalt  }
0x87: {  	_ =	shalt  }
.Lfunc_end0:
.L_simem_size_0:
called_computation.3_lowered:
.L_overlay_start_0:
0x88: {  	s2 =	sld [smem:$0x3FD9]  }
0x89: {  	s3 =	sld [smem:$0x3FFE];
	_ =	sdelay $0x1  }
0x8a: {  	s1 =	srdreg.scid  }
0x8b: {  	s0 =	sand.u32 $0x1, s1  }
0x8c: {  	s17 =	sshll.u32 s0, $0xA;
	s2 =	sadd.s32 s3, s2  }
0x8d: {  	s2 =	sadd.s32 s2, s17  }
0x8e: {  	[smem:$0x3FC0] =	sst s2  }
0x8f: {  	_ = 	snop  }
0x90: {  	s2 =	sld [smem:$0x3FD0];
	(tm) =	ssettm $0x1  }
0x91: {  	s18 =	sld [smem:$0x3FFB];
	_ =	sdelay $0x3  }
0x92: {  	_ =	strace s18  }
0x93: {  	s3 =	sld [smem:$0x3FFC];
	_ =	sdelay $0x3  }
0x94: {  	_ =	strace s3  }
0x95: {  	s3 =	sld [smem:$0x3FFD];
	_ =	sdelay $0x3  }
0x96: {  	_ =	strace s3  }
0x97: {  	_ =	strace $0x8FFFFFFF  }
0x98: {  	s19 =	sld [smem:$0x3FDB];
	_ =	sdelay $0x1  }
0x99: {  	s4 =	simm.s32 $_scs_section_size  }
0x9a: {  	s5 =	simm.s32 $_size__tile_overlayer_lowered;
	s6 =	simm.s32 $_tile_overlayer_lowered  }
0x9b: {  	s22 =	simm.s32 $0x1BFF;
	s21 =	sshll.u32 s6, $0x1;
	s3 =	sadd.s32 s4, s19  }
0x9c: {  	s7 =	simm.s32 $0x0;
	s20 =	sshll.u32 s5, $0x1;
	s5 =	sadd.s32 s21, s3  }
0x9d: {  	[timem:s7], [sflag:s22] =	dma.local [hbm:s5], s20  }
0x9e: {  	_ =	swait.ge [sflag:s22], s20  }
0x9f: {  	s4 =	ssub.s32 $0x0, s20;
	[sflag:s22] =	ssyncset.done $0x0  }
0xa0: {  	[sflag:s22] =	ssyncadd.s32 s4;
	_ =	sdelay $0x1  }
0xa1: {  	s23 =	simm.s32 $0x1B8B  }
0xa2: {  	_ =	swait.ge [sflag:s23], $0x1  }
0xa3: {  	[sflag:s23] =	ssyncset.done $0x0  }
0xa4: {  	s25 =	simm.s32 $0x1B8E;
	s24 =	sld [smem:$0x3FFE];
	[sflag:s23] =	ssyncadd.s32 $0xFFFFFFFF  }
0xa5: {  	s26 =	simm.s32 $execute0_lowered;
	[smem:$0x3FD2] =	sst s25  }
0xa6: {  	s5 =	sshll.u32 s26, $0x1;
	_ =	strace $0x8000004F;
	[dreg:$0x1] =	wrdreg $0xFFFFFFFF  }
0xa7: {  	s28 =	simm.s32 $_size_execute0_lowered;
	s3 =	sadd.s32 s3, s5;
	[dreg:$0x0] =	wrdreg $0x0  }
0xa8: {  	s5 =	sshll.u32 s28, $0x1;
	[dreg:$0x2] =	wrdreg s3  }
0xa9: {  	[dreg:$0x3] =	wrdreg s5  }
0xaa: {  	[dreg:$0x4] =	wrdreg $0xC0  }
0xab: {  	_ =	task [dreg:s7], $0x5FFFF  }
0xac: {  	[dreg:$0x1] =	wrdreg $0xFFFFFFFF  }
0xad: {  	[dreg:$0x0] =	wrdreg $0x60  }
0xae: {  	[dreg:$0x2] =	wrdreg s2  }
0xaf: {  	[dreg:$0x3] =	wrdreg s24  }
0xb0: {  	[dreg:$0x4] =	wrdreg $0xCD000  }
0xb1: {  	[dreg:$0x5] =	wrdreg $0x9  }
0xb2: {  	_ =	task.clear_ibuf [dreg:s7], $0x6FFFF;
	_ =	strace $0x9000004F  }
0xb3: {  	s29 =	simm.s32 $0x9;
	_ =	strace $0x80000051  }
0xb4: {  	_ =	swait.ge [sflag:s29], $0x1  }
0xb5: {  	[sflag:s29] =	ssyncadd.s32 $0xFFFFFFFF  }
0xb6: {  	_ =	strace $0x90000051  }
0xb7: {  	_ =	sfence  }
0xb8: {  	s30 =	sld [smem:$0x0];
	_ =	sdelay $0x2  }
0xb9: {  	s31 =	sshll.u32 s1, $0xD;
	s1 =	sshrl.u32 s1, $0x2  }
0xba: {  	s3 =	sand.u32 $0x4000, s31;
	s1 =	sadd.s32 s1, s30  }
0xbb: {  	s0 =	sor.u32 s3, s0;
	s1 =	sshll.u32 s1, $0x11  }
0xbc: {  	s0 =	sor.u32 s1, s0  }
0xbd: {  	s0 =	sadd.s32 $0x8F2B, s0  }
0xbe: {  	[sflag:s0] =	ssyncadd.remote.s32 $0x1  }
0xbf: {  	_ =	sfence.sel $0xFFFF  }
0xc0: {  	[dreg:$0x0] =	wrdreg $0xFFFFFFFF;
	(pc) =	sbr.abs _section_cstart, $3  }
0xc1: {  	[dreg:$0x1] =	wrdreg $0xFFFFFFFF  }
0xc2: {  	_ =	task.clear_ibuf [dreg:s7], $0x2FFFF;
	_ =	strace $0x9FFFFFFF  }
0xc3: {  	(tm) =	ssettm $0x7FFFFFFF  }
tec
execute0_lowered:
.L_overlay_start_1:
0x0: {  	(tag) =	ssettag $0x1  }
0x1: {  	s1 =	rddreg [dreg:$0x0]  }
0x2: {  	s0 =	srdreg.scid;
	s2 =	rddreg [dreg:$0x1]  }
0x3: {  	s12 =	stileid.u32;
	s3 =	rddreg [dreg:$0x2];
	s10 =	simm.s32 $0x9  }
0x4: {  	s11 =	simm.s32 $0x2800;
	s14 =	simm.s32 $0x7D;
	s15 =	simm.s32 $0x5000  }
0x5: {  	s17 =	simm.s32 $0x6F40;
	s18 =	simm.s32 $0x1;
	s20 =	simm.s32 $0x8E80  }
0x6: {  	s21 =	simm.s32 $0x2;
	s28 =	simm.s32 $0x5;
	s30 =	simm.s32 $0x4  }
0x7: {  	s16 =	simm.s32 $0x7;
	s19 =	simm.s32 $0x8;
	s22 =	simm.s32 $0x0  }
0x8: {  	s0 =	sand.u32 $0x1, s0;
	s4 =	sshll.u32 s12, $0x1;
	s5 =	smul.u32 $0x278, s12  }
0x9: {  	s31 =	sshll.u32 s12, $0x6;
	s4 =	sor.u32 s0, s4;
	s7 =	smul.u32 $0x9C400, s0  }
0xa: {  	s0 =	ssub.s32 $0x2, s0;
	s12 =	sor.u32 $0x1C09, s31;
	s6 =	smul.u32 $0x2800, s4  }
0xb: {  	s4 =	simm.s32 $0x0;
	s5 =	smin.u32 s5, $0x2498;
	s29 =	sshrl.u32 s0, $0x1  }
0xc: {  	[smem:$0x7FF] =	sst s4;
	s8 =	sshll.u32 s5, $0x6;
	s5 =	sadd.s32 $0xC6600, s2  }
0xd: {  	s0 =	ssub.s32 s0, s29;
	_ =	strace $0x80000050;
	s24 =	sshrl.u32 s6, $0x3  }
.Ltmp0:
0xe: {  	s25 =	sadd.s32 s7, s8;
	s13 =	sadd.s32 s8, s3;
	(pc) =	sbr.rel .LBB2_1-.Ltmp0, $4  }
0xf: {  	s9 =	smax.u32 s0, $0x1;
	s0 =	simm.s32 $0x280;
	s26 =	sadd.s32 s24, s2  }
0x10: {  	s6 =	sshrl.u32 s25, $0x3;
	s13 =	sshrl.u32 s13, $0x3;
	s24 =	simm.s32 $0xADC0  }
0x11: {  	s25 =	simm.s32 $0x3;
	s2 =	sadd.s32 s6, s2;
	s6 =	sadd.s32 $0x2600, s26  }
0x12: {  	s7 =	sadd.s32 $0xC600, s26;
	s8 =	sadd.s32 $0x64800, s2;
	s2 =	simm.s32 $0x6  }
.LBB2_4:
0x13: {  	_ =	swait.ge [sflag:s30], $0x1F40  }
0x14: {  	[sflag:s30] =	ssyncset.done $0x0  }
0x15: {  	[sflag:s30] =	ssyncadd.s32 $0xFFFFE0C0  }
0x16: {  	[spmem:s3] =	stream.indirect.scatter.add.f32 [tilespmem:s24], [sflag:$0x8], $0x40, s29, s14, $0xb8;
	[tilespmem:$0x16940] =	vst v63  }
0x17: {  	_ =	swait.ge [sflag:s2], $0x1F40  }
0x18: {  	[sflag:s2] =	ssyncset.done $0x0  }
0x19: {  	[sflag:s2] =	ssyncadd.s32 $0xFFFFE0C0  }
0x1a: {  	_ =	swait.ge [sflag:s16], $0x1F40  }
0x1b: {  	[sflag:s16] =	ssyncset.done $0x0  }
0x1c: {  	[sflag:s16] =	ssyncadd.s32 $0xFFFFE0C0  }
0x1d: {  	_ =	swait.ge [sflag:s19], $0x1F40  }
0x1e: {  	s22 =	sadd.s32 $0x1, s22;
	[sflag:s19] =	ssyncset.done $0x0  }
0x1f: {  	p0 =	sne.s32 s22, s9;
	[sflag:s19] =	ssyncadd.s32 $0xFFFFE0C0  }
.Ltmp1:
0x20: {  	[bflag:$0x0] =	sbarrier.arrive $0xFFFF;
	(pc) =	sbr.rel @!p0 .LBB2_5-.Ltmp1, $4  }
0x21: {  	[hbm:s8], [sflag:s12] =	dma.local [spmem:s13], $0x13C0  }
0x22: {  	_ =	swait.ge [sflag:s10], $0x13C0  }
0x23: {  	[sflag:s10] =	ssyncset.done $0x0  }
0x24: {  	[sflag:s10] =	ssyncadd.s32 $0xFFFFEC40  }
.LBB2_1:
0x25: {  	[tilespmem:s4], [sflag:$0x9] =	stream.linear.gather [hbm4b:s6+s4], $0x2800, $0x38;
	[tilespmem:$0x16940] =	vst v63  }
0x26: {  	_ =	swait.ge [sflag:s10], $0x2800  }
0x27: {  	[sflag:s10] =	ssyncset.done $0x0  }
0x28: {  	[sflag:s10] =	ssyncadd.s32 $0xFFFFD800  }
0x29: {  	[tilespmem:s11], [sflag:$0x9] =	stream.linear.gather [hbm4b:s7+s4], $0x2800, $0x38;
	[tilespmem:$0x16940] =	vst v63  }
0x2a: {  	_ =	swait.ge [sflag:s10], $0x2800  }
0x2b: {  	[sflag:s10] =	ssyncset.done $0x0  }
0x2c: {  	[sflag:s10] =	ssyncadd.s32 $0xFFFFD800  }
0x2d: {  	[spmem:s13], [sflag:s12] =	dma.local [hbm:s5], $0x13C0  }
0x2e: {  	_ =	swait.ge [sflag:s10], $0x13C0  }
0x2f: {  	[sflag:s10] =	ssyncset.done $0x0  }
0x30: {  	[sflag:s10] =	ssyncadd.s32 $0xFFFFEC40  }
0x31: {  	[bflag:$0x0] =	sbarrier.arrive $0xFFFF  }
0x32: {  	[tilespmem:s15], [sflag:$0x1] =	stream.indirect.gather [hbm4b:s1+s14], $0x40, s4, s14, $0xb8;
	[tilespmem:$0x16940] =	vst v63  }
0x33: {  	s23 =	simm.s32 $0x80  }
0x34: {  	[tilespmem:s17], [sflag:$0x2] =	stream.indirect.gather [hbm4b:s1+s14], $0x40, s23, s14, $0xb8;
	[tilespmem:$0x16940] =	vst v63  }
0x35: {  	_ =	swait.ge [sflag:s18], $0x1F40  }
0x36: {  	[sflag:s18] =	ssyncset.done $0x0  }
0x37: {  	[sflag:s18] =	ssyncadd.s32 $0xFFFFE0C0  }
0x38: {  	[spmem:s3] =	stream.indirect.scatter.add.f32 [tilespmem:s15], [sflag:$0x5], $0x40, s11, s14, $0xb8;
	[tilespmem:$0x16940] =	vst v63  }
0x39: {  	s26 =	simm.s32 $0x100  }
0x3a: {  	[tilespmem:s20], [sflag:$0x3] =	stream.indirect.gather [hbm4b:s1+s14], $0x40, s26, s14, $0xb8;
	[tilespmem:$0x16940] =	vst v63  }
0x3b: {  	_ =	swait.ge [sflag:s21], $0x1F40  }
0x3c: {  	[sflag:s21] =	ssyncset.done $0x0  }
0x3d: {  	s29 =	simm.s32 $0x2880;
	[sflag:s21] =	ssyncadd.s32 $0xFFFFE0C0  }
0x3e: {  	[spmem:s3] =	stream.indirect.scatter.add.f32 [tilespmem:s17], [sflag:$0x6], $0x40, s29, s14, $0xb8;
	[tilespmem:$0x16940] =	vst v63  }
0x3f: {  	s31 =	simm.s32 $0x180  }
0x40: {  	[tilespmem:s24], [sflag:$0x4] =	stream.indirect.gather [hbm4b:s1+s14], $0x40, s31, s14, $0xb8;
	[tilespmem:$0x16940] =	vst v63  }
0x41: {  	_ =	swait.ge [sflag:s25], $0x1F40  }
0x42: {  	[sflag:s25] =	ssyncset.done $0x0  }
0x43: {  	s26 =	simm.s32 $0x2900;
	[sflag:s25] =	ssyncadd.s32 $0xFFFFE0C0  }
0x44: {  	[spmem:s3] =	stream.indirect.scatter.add.f32 [tilespmem:s20], [sflag:$0x7], $0x40, s26, s14, $0xb8;
	[tilespmem:$0x16940] =	vst v63  }
0x45: {  	_ =	swait.ge [sflag:s28], $0x1F40  }
0x46: {  	[sflag:s28] =	ssyncset.done $0x0  }
0x47: {  	s29 =	simm.s32 $0x200;
	[sflag:s28] =	ssyncadd.s32 $0xFFFFE0C0  }
0x48: {  	[tilespmem:s15], [sflag:$0x1] =	stream.indirect.gather [hbm4b:s1+s14], $0x40, s29, s14, $0xb8;
	[tilespmem:$0x16940] =	vst v63  }
0x49: {  	_ =	swait.ge [sflag:s30], $0x1F40  }
0x4a: {  	[sflag:s30] =	ssyncset.done $0x0  }
0x4b: {  	s31 =	simm.s32 $0x2980;
	[sflag:s30] =	ssyncadd.s32 $0xFFFFE0C0  }
0x4c: {  	[spmem:s3] =	stream.indirect.scatter.add.f32 [tilespmem:s24], [sflag:$0x8], $0x40, s31, s14, $0xb8;
	[tilespmem:$0x16940] =	vst v63  }
0x4d: {  	_ =	swait.ge [sflag:s2], $0x1F40  }
0x4e: {  	[sflag:s2] =	ssyncset.done $0x0  }
0x4f: {  	s23 =	simm.s32 $0x0;
	[sflag:s2] =	ssyncadd.s32 $0xFFFFE0C0  }
0x50: {  	[tilespmem:s17], [sflag:$0x2] =	stream.indirect.gather [hbm4b:s1+s14], $0x40, s0, s14, $0xb8;
	[tilespmem:$0x16940] =	vst v63  }
.LBB2_2:
0x51: {  	_ =	swait.ge [sflag:s18], $0x1F40  }
0x52: {  	s26 =	sshra.s32 s23, $0x2;
	[sflag:s18] =	ssyncset.done $0x0  }
0x53: {  	s29 =	sadd.s32 $0x2A00, s26;
	[sflag:s18] =	ssyncadd.s32 $0xFFFFE0C0  }
0x54: {  	[spmem:s3] =	stream.indirect.scatter.add.f32 [tilespmem:s15], [sflag:$0x5], $0x40, s29, s14, $0xb8;
	[tilespmem:$0x16940] =	vst v63  }
0x55: {  	_ =	swait.ge [sflag:s16], $0x1F40  }
0x56: {  	[sflag:s16] =	ssyncset.done $0x0  }
0x57: {  	s29 =	sadd.s32 $0x300, s26;
	[sflag:s16] =	ssyncadd.s32 $0xFFFFE0C0  }
0x58: {  	[tilespmem:s20], [sflag:$0x3] =	stream.indirect.gather [hbm4b:s1+s14], $0x40, s29, s14, $0xb8;
	[tilespmem:$0x16940] =	vst v63  }
0x59: {  	_ =	swait.ge [sflag:s21], $0x1F40  }
0x5a: {  	[sflag:s21] =	ssyncset.done $0x0  }
0x5b: {  	s29 =	sadd.s32 $0x2A80, s26;
	[sflag:s21] =	ssyncadd.s32 $0xFFFFE0C0  }
0x5c: {  	[spmem:s3] =	stream.indirect.scatter.add.f32 [tilespmem:s17], [sflag:$0x6], $0x40, s29, s14, $0xb8;
	[tilespmem:$0x16940] =	vst v63  }
0x5d: {  	_ =	swait.ge [sflag:s19], $0x1F40  }
0x5e: {  	[sflag:s19] =	ssyncset.done $0x0  }
0x5f: {  	s29 =	sadd.s32 $0x380, s26;
	[sflag:s19] =	ssyncadd.s32 $0xFFFFE0C0  }
0x60: {  	[tilespmem:s24], [sflag:$0x4] =	stream.indirect.gather [hbm4b:s1+s14], $0x40, s29, s14, $0xb8;
	[tilespmem:$0x16940] =	vst v63  }
0x61: {  	_ =	swait.ge [sflag:s25], $0x1F40  }
0x62: {  	p0 =	seq.s32 s23, $0x9000;
	[sflag:s25] =	ssyncset.done $0x0  }
.Ltmp2:
0x63: {  	s29 =	sadd.s32 $0x2B00, s26;
	[sflag:s25] =	ssyncadd.s32 $0xFFFFE0C0;
	(pc) =	sbr.rel @p0 .LBB2_4-.Ltmp2, $4  }
0x64: {  	[spmem:s3] =	stream.indirect.scatter.add.f32 [tilespmem:s20], [sflag:$0x7], $0x40, s29, s14, $0xb8;
	[tilespmem:$0x16940] =	vst v63  }
0x65: {  	_ =	swait.ge [sflag:s28], $0x1F40  }
0x66: {  	[sflag:s28] =	ssyncset.done $0x0  }
0x67: {  	s29 =	sadd.s32 $0x2B80, s26;
	[sflag:s28] =	ssyncadd.s32 $0xFFFFE0C0  }
0x68: {  	s31 =	sadd.s32 $0x400, s26  }
0x69: {  	[tilespmem:s15], [sflag:$0x1] =	stream.indirect.gather [hbm4b:s1+s14], $0x40, s31, s14, $0xb8;
	[tilespmem:$0x16940] =	vst v63  }
0x6a: {  	_ =	swait.ge [sflag:s30], $0x1F40  }
0x6b: {  	[sflag:s30] =	ssyncset.done $0x0  }
0x6c: {  	[sflag:s30] =	ssyncadd.s32 $0xFFFFE0C0  }
0x6d: {  	[spmem:s3] =	stream.indirect.scatter.add.f32 [tilespmem:s24], [sflag:$0x8], $0x40, s29, s14, $0xb8;
	[tilespmem:$0x16940] =	vst v63  }
.Ltmp3:
0x6e: {  	_ = 	snop;
	(pc) =	sbr.rel .LBB2_2-.Ltmp3, $4  }
0x6f: {  	_ =	swait.ge [sflag:s2], $0x1F40  }
0x70: {  	[sflag:s2] =	ssyncset.done $0x0  }
0x71: {  	s23 =	sadd.s32 $0x800, s23;
	s31 =	sadd.s32 $0x480, s26;
	[sflag:s2] =	ssyncadd.s32 $0xFFFFE0C0  }
0x72: {  	[tilespmem:s17], [sflag:$0x2] =	stream.indirect.gather [hbm4b:s1+s14], $0x40, s31, s14, $0xb8;
	[tilespmem:$0x16940] =	vst v63  }
.LBB2_5:
0x73: {  	_ =	sfence.sel $0x180000  }
0x74: {  	[bflag:$0x0] =	sbarrier.arrive $0xFFFF  }
0x75: {  	_ =	strace $0x90000050  }
0x76: {  	s0 =	stileid.u32;
	[bflag:$0x2] =	sbarrier.arrive $0xFFFF  }
0x77: {  	p0 =	sne.s32 s0, $0x0;
	s0 =	rddreg [dreg:$0x3]  }
0x78: {  	s0 =	sadd.s32 @!p0 $0x100000, s0  }
0x79: {  	[sflag:s0] =	ssyncadd.tile.s32 @!p0 $0x1;
	_ =	shalt  }
.Lfunc_end2:
_tile_overlayer_lowered:
.L_overlay_start_2:
0x7a: {  	(tag) =	ssettag $0x2  }
0x7b: {  	s0 =	rddreg [dreg:$0x0];
	s2 =	stileid.u32  }
0x7c: {  	s1 =	rddreg [dreg:$0x1];
	p0 =	sne.s32 s2, $0x0  }
0x7d: {  	s3 =	rddreg [dreg:$0x2];
	[bflag:$0x3] =	sbarrier.arrive $0xFFFF;
	s2 =	simm.s32 @!p0 $0x1C09  }
0x7e: {  	[timem:s3], [sflag:s2] =	dma.local @!p0 [hbm:s0], s1  }
0x7f: {  	s0 =	simm.s32 @!p0 $0x9  }
0x80: {  	_ =	swait.ge @!p0 [sflag:s0], s1  }
0x81: {  	s1 =	ssub.s32 @!p0 $0x0, s1;
	[sflag:s0] =	ssyncset.done @!p0 $0x0  }
0x82: {  	[sflag:s0] =	ssyncadd.s32 @!p0 s1  }
0x83: {  	[bflag:$0x3] =	sbarrier.arrive $0xFFFF  }
0x84: {  	_ =	shalt  }

</sc_bundles>
